<compile_context>
chip_gen: v7x
topology: tpu7x:2x2x1
jax: 0.10.2.dev20260603
libtpu: 0.0.44.dev20260713+nightly
codegen_flags: <defaults>
</compile_context>

<pallas_src>
import functools

import jax
import jax.numpy as jnp
from jax import lax
from jax.experimental import pallas as pl
from jax.experimental.pallas import tpu as pltpu
from jax.experimental.pallas import tpu_sc as plsc

N_NODES = 10000
N_EDGES = 320000
D = 128

NC = 2
NS = 16
NW = NC * NS
CHUNK = 80
NCHUNKS = 128
HALF = NCHUNKS // 2
E_PAD = NW * NCHUNKS * CHUNK
NPAD = 10240
ROWS_PER_SUB = NPAD // NS
ZROWS = 32


def _sc_segment_sum(x, src3, dst3):
    mesh = plsc.VectorSubcoreMesh(core_axis_name="c", subcore_axis_name="s")

    @functools.partial(
        pl.kernel,
        out_type=jax.ShapeDtypeStruct((NC, NPAD, D), jnp.float32),
        mesh=mesh,
        scratch_types=[
            pltpu.VMEM((HALF, CHUNK), jnp.int32),
            pltpu.VMEM((HALF, CHUNK), jnp.int32),
            pltpu.VMEM((2, CHUNK, D), jnp.float32),
            pltpu.VMEM((ZROWS, D), jnp.float32),
            pltpu.VMEM_SHARED((NPAD, D), jnp.float32),
            pltpu.SemaphoreType.DMA,
            pltpu.SemaphoreType.DMA,
        ],
    )
    def sc_kernel(x_hbm, src_hbm, dst_hbm, out_hbm, src_v, dst_v, rows_v, zero_v,
                  agg_sh, gsem0, gsem1):
        cid = lax.axis_index("c")
        sid = lax.axis_index("s")
        wid = cid * NS + sid
        gsems = (gsem0, gsem1)

        @pl.loop(0, ZROWS)
        def _(i):
            @pl.loop(0, D, step=16)
            def _(j):
                zero_v[i, pl.ds(j, 16)] = jnp.zeros((16,), jnp.float32)

        for k in range(ROWS_PER_SUB // ZROWS):
            pltpu.sync_copy(
                zero_v, agg_sh.at[pl.ds(sid * ROWS_PER_SUB + k * ZROWS, ZROWS)]
            )
        plsc.subcore_barrier()

        def g_start(i, b):
            pltpu.async_copy(x_hbm.at[src_v.at[i]], rows_v.at[b], gsems[b])

        def g_wait(i, b):
            pltpu.make_async_copy(x_hbm.at[src_v.at[i]], rows_v.at[b],
                                  gsems[b]).wait()

        def s_add(i, b):
            pltpu.sync_copy(rows_v.at[b], agg_sh.at[dst_v.at[i]], add=True)

        for base in (0, HALF):
            pltpu.sync_copy(src_hbm.at[wid, pl.ds(base, HALF)], src_v)
            pltpu.sync_copy(dst_hbm.at[wid, pl.ds(base, HALF)], dst_v)

            g_start(0, 0)
            g_start(1, 1)

            @pl.loop(0, HALF // 2 - 1)
            def _(p):
                for b in range(2):
                    i = 2 * p + b
                    g_wait(i, b)
                    s_add(i, b)
                    g_start(i + 2, b)

            g_wait(HALF - 2, 0)
            s_add(HALF - 2, 0)
            g_wait(HALF - 1, 1)
            s_add(HALF - 1, 1)

        plsc.subcore_barrier()
        pltpu.sync_copy(
            agg_sh.at[pl.ds(sid * ROWS_PER_SUB, ROWS_PER_SUB)],
            out_hbm.at[cid, pl.ds(sid * ROWS_PER_SUB, ROWS_PER_SUB)],
        )

    return sc_kernel(x, src3, dst3)


def _tc_mlp(x, agg2, wa, wb, normalize):

    def body(x_ref, a_ref, wa_ref, wb_ref, o_ref):
        a = a_ref[...]
        h = x_ref[...] + a[0, :N_NODES] + a[1, :N_NODES]
        t = jnp.maximum(
            lax.dot(h, wa_ref[...], precision=lax.Precision.HIGHEST,
                    preferred_element_type=jnp.float32),
            0.0,
        )
        h2 = lax.dot(t, wb_ref[...], precision=lax.Precision.HIGHEST,
                     preferred_element_type=jnp.float32)
        if normalize:
            nrm = jnp.sqrt(jnp.sum(h2 * h2, axis=1, keepdims=True))
            h2 = h2 / jnp.maximum(nrm, 1e-12)
        o_ref[...] = h2

    return pl.pallas_call(
        body,
        out_shape=jax.ShapeDtypeStruct((N_NODES, D), jnp.float32),
    )(x, agg2, wa, wb)


def kernel(x, edge_index, w1a, w1b, w2a, w2b):
    pad = E_PAD - N_EDGES
    pad_src = jnp.arange(pad, dtype=jnp.int32) % N_NODES
    pad_dst = N_NODES + jnp.arange(pad, dtype=jnp.int32) % (NPAD - N_NODES)
    src = jnp.concatenate([edge_index[0].astype(jnp.int32), pad_src])
    dst = jnp.concatenate([edge_index[1].astype(jnp.int32), pad_dst])
    src3 = src.reshape(NW, NCHUNKS, CHUNK)
    dst3 = dst.reshape(NW, NCHUNKS, CHUNK)
    agg1 = _sc_segment_sum(x, src3, dst3)
    h1 = _tc_mlp(x, agg1, w1a, w1b, False)
    agg2 = _sc_segment_sum(h1, src3, dst3)
    return _tc_mlp(h1, agg2, w2a, w2b, True)

# --- scband reference (transcript-rebuilt; emitter-appended) ---
"""Pipeline reference for scband-minimal-gin-25632364822953 (READ-ONLY COPY).

The authoritative reference and input builder live on the scoring server;
editing this copy changes nothing except your own understanding.
"""

import jax, jax.numpy as jnp
import numpy as np

N_NODES = 10000
N_EDGES = 320000
D_IN = 128
D_HID = 128


def setup_inputs(seed: int = 0) -> dict:
    key = jax.random.key(seed)
    k1, k2, k3, k4, k5, k6 = jax.random.split(key, 6)
    x = jax.random.normal(k1, (N_NODES, D_IN), dtype=jnp.float32)
    edge_index = jax.random.randint(k2, (2, N_EDGES), 0, N_NODES)
    # GIN layer 1 MLP: Linear(D_IN->D_HID, no bias), ReLU, Linear(D_HID->D_HID, no bias)
    w1a = jax.random.normal(k3, (D_IN, D_HID), dtype=jnp.float32) * (1.0 / np.sqrt(D_IN))
    w1b = jax.random.normal(k4, (D_HID, D_HID), dtype=jnp.float32) * (1.0 / np.sqrt(D_HID))
    # GIN layer 2 MLP
    w2a = jax.random.normal(k5, (D_HID, D_HID), dtype=jnp.float32) * (1.0 / np.sqrt(D_HID))
    w2b = jax.random.normal(k6, (D_HID, D_HID), dtype=jnp.float32) * (1.0 / np.sqrt(D_HID))
    return {"x": x, "edge_index": edge_index, "w1a": w1a, "w1b": w1b, "w2a": w2a, "w2b": w2b}


def _gin_conv(x, edge_index, wa, wb):
    # sum aggregation of neighbor features: messages flow src -> dst
    src = edge_index[0]
    dst = edge_index[1]
    msgs = jnp.take(x, src, axis=0)
    agg = jax.ops.segment_sum(msgs, dst, num_segments=N_NODES)
    # (1 + eps) * x + agg, with default eps = 0
    h = x + agg
    # MLP: Linear -> ReLU -> Linear (no biases)
    h = jnp.maximum(h @ wa, 0.0)
    h = h @ wb
    return h


def reference(x, edge_index, w1a, w1b, w2a, w2b):
    h = _gin_conv(x, edge_index, w1a, w1b)
    h = _gin_conv(h, edge_index, w2a, w2b)
    # F.normalize(h, p=2, dim=1): h / max(||h||_2, eps), eps=1e-12
    norm = jnp.linalg.norm(h, ord=2, axis=1, keepdims=True)
    return h / jnp.maximum(norm, 1e-12)

if __name__ == "__main__":
    import jax
    _d = setup_inputs()
    print(jax.jit(kernel)(*tuple(_d.values())))

</pallas_src>

<mosaic_0001>
#map = affine_map<(d0, d1) -> (0, 0)>
#map1 = affine_map<(d0, d1) -> (0, 0, 0)>
module attributes {stable_mosaic.version = 14 : i64} {
  func.func @sc_kernel(%arg0: i32, %arg1: i32, %arg2: memref<10000x128xf32, #tpu.memory_space<hbm>>, %arg3: memref<32x128x80xi32, #tpu.memory_space<hbm>>, %arg4: memref<32x128x80xi32, #tpu.memory_space<hbm>>, %arg5: memref<2x10240x128xf32, #tpu.memory_space<hbm>>, %arg6: memref<64x80xi32, #tpu.memory_space<vmem>>, %arg7: memref<64x80xi32, #tpu.memory_space<vmem>>, %arg8: memref<2x80x128xf32, #tpu.memory_space<vmem>>, %arg9: memref<32x128xf32, #tpu.memory_space<vmem>>, %arg10: memref<10240x128xf32, #tpu.memory_space<vmem_shared>>, %arg11: memref<!tpu.dma_semaphore, #tpu.memory_space<semaphore_mem>>, %arg12: memref<!tpu.dma_semaphore, #tpu.memory_space<semaphore_mem>>) attributes {dimension_semantics = [#tpu.dimension_semantics<core_parallel>, #tpu.dimension_semantics<subcore_parallel>], iteration_bounds = array<i64: 2, 16>, scalar_prefetch = 0 : i64, scratch_operands = 7 : i64, tpu.core_type = #tpu.core_type<sc_vector_subcore>, window_params = [{transform_indices = #map}, {transform_indices = #map1}, {transform_indices = #map1}, {transform_indices = #map1}]} {
    %mul3A = arith.constant 16 : i32
    %mul3A_0 = arith.muli %arg0, %mul3A : i32
    %add3A = arith.addi %mul3A_0, %arg1 : i32
    %scan3A = arith.constant 0 : i32
    %scan3A_1 = arith.constant 32 : i32
    %scan3A_2 = arith.addi %scan3A, %scan3A_1 : i32
    %scan3A_3 = arith.constant 1 : i32
    scf.for %scan3A_201 = %scan3A to %scan3A_2 step %scan3A_3  : i32 {
      %mul3A_202 = arith.constant 1 : i32
      %mul3A_203 = arith.muli %scan3A_201, %mul3A_202 : i32
      %add3A_204 = arith.constant 0 : i32
      %add3A_205 = arith.addi %add3A_204, %mul3A_203 : i32
      %scan3A_206 = arith.constant 0 : i32
      %scan3A_207 = arith.constant 8 : i32
      %scan3A_208 = arith.addi %scan3A_206, %scan3A_207 : i32
      %scan3A_209 = arith.constant 1 : i32
      scf.for %scan3A_211 = %scan3A_206 to %scan3A_208 step %scan3A_209  : i32 {
        %mul3A_212 = arith.constant 16 : i32
        %mul3A_213 = arith.muli %scan3A_211, %mul3A_212 : i32
        %add3A_214 = arith.constant 0 : i32
        %add3A_215 = arith.addi %add3A_214, %mul3A_213 : i32
        %broadcast_in_dim3A = arith.constant 0.000000e+00 : f32
        %broadcast_in_dim3A_216 = vector.broadcast %broadcast_in_dim3A : f32 to vector<16xf32>
        %swap3A = arith.index_cast %add3A_205 : i32 to index
        %swap3A_217 = arith.index_cast %add3A_215 : i32 to index
        %swap3A_218 = tpu.vector_load %arg9[%swap3A, %swap3A_217] {strides = array<i32>} : memref<32x128xf32, #tpu.memory_space<vmem>>, vector<1x16xf32>,
        %swap3A_219 = vector.shape_cast %swap3A_218 : vector<1x16xf32> to vector<16xf32>
        %swap3A_220 = vector.shape_cast %broadcast_in_dim3A_216 : vector<16xf32> to vector<1x16xf32>
        tpu.vector_store %arg9[%swap3A, %swap3A_217], %swap3A_220 {strides = array<i32>} : memref<32x128xf32, #tpu.memory_space<vmem>>, vector<1x16xf32>,
      }
      %scan3A_210 = arith.constant 8 : i32
    }
    %scan3A_4 = arith.constant 32 : i32
    %mul3A_5 = arith.constant 640 : i32
    %mul3A_6 = arith.muli %arg1, %mul3A_5 : i32
    %add3A_7 = arith.constant 0 : i32
    %add3A_8 = arith.addi %mul3A_6, %add3A_7 : i32
    "tpu.region"() ({
      %run_scoped3A_201 = tpu.sem_alloc : memref<!tpu.dma_semaphore, #tpu.memory_space<semaphore_mem>>
      %dma_start3A_202 = arith.constant 0 : i32
      %dma_start3A_203 = tpu.memref_slice %arg10[%add3A_8, %dma_start3A_202] : memref<10240x128xf32, #tpu.memory_space<vmem_shared>> -> memref<32x128xf32, #tpu.memory_space<vmem_shared>>
      %dma_start3A_204 = arith.constant 0 : i32
      %dma_start3A_205 = tpu.memref_slice %arg10[%add3A_8, %dma_start3A_204] : memref<10240x128xf32, #tpu.memory_space<vmem_shared>> -> memref<32x128xf32, #tpu.memory_space<vmem_shared>>
      tpu.enqueue_dma source(%arg9 : memref<32x128xf32, #tpu.memory_space<vmem>>) target(%dma_start3A_205 : memref<32x128xf32, #tpu.memory_space<vmem_shared>>) target_semaphore(%run_scoped3A_201 : memref<!tpu.dma_semaphore, #tpu.memory_space<semaphore_mem>>)
      %dma_wait3A_206 = arith.constant 0 : i32
      %dma_wait3A_207 = tpu.memref_slice %arg10[%add3A_8, %dma_wait3A_206] : memref<10240x128xf32, #tpu.memory_space<vmem_shared>> -> memref<32x128xf32, #tpu.memory_space<vmem_shared>>
      %dma_wait3A_208 = arith.constant 0 : i32
      %dma_wait3A_209 = tpu.memref_slice %arg10[%add3A_8, %dma_wait3A_208] : memref<10240x128xf32, #tpu.memory_space<vmem_shared>> -> memref<32x128xf32, #tpu.memory_space<vmem_shared>>
      tpu.wait_dma2 semaphore(%run_scoped3A_201 : memref<!tpu.dma_semaphore, #tpu.memory_space<semaphore_mem>>) src(%arg9 : memref<32x128xf32, #tpu.memory_space<vmem>>) dst(%dma_wait3A_209 : memref<32x128xf32, #tpu.memory_space<vmem_shared>>)
      tpu.yield
    }) : () -> ()
    %mul3A_9 = arith.constant 640 : i32
    %mul3A_10 = arith.muli %arg1, %mul3A_9 : i32
    %add3A_11 = arith.constant 32 : i32
    %add3A_12 = arith.addi %mul3A_10, %add3A_11 : i32
    "tpu.region"() ({
      %run_scoped3A_201 = tpu.sem_alloc : memref<!tpu.dma_semaphore, #tpu.memory_space<semaphore_mem>>
      %dma_start3A_202 = arith.constant 0 : i32
      %dma_start3A_203 = tpu.memref_slice %arg10[%add3A_12, %dma_start3A_202] : memref<10240x128xf32, #tpu.memory_space<vmem_shared>> -> memref<32x128xf32, #tpu.memory_space<vmem_shared>>
      %dma_start3A_204 = arith.constant 0 : i32
      %dma_start3A_205 = tpu.memref_slice %arg10[%add3A_12, %dma_start3A_204] : memref<10240x128xf32, #tpu.memory_space<vmem_shared>> -> memref<32x128xf32, #tpu.memory_space<vmem_shared>>
      tpu.enqueue_dma source(%arg9 : memref<32x128xf32, #tpu.memory_space<vmem>>) target(%dma_start3A_205 : memref<32x128xf32, #tpu.memory_space<vmem_shared>>) target_semaphore(%run_scoped3A_201 : memref<!tpu.dma_semaphore, #tpu.memory_space<semaphore_mem>>)
      %dma_wait3A_206 = arith.constant 0 : i32
      %dma_wait3A_207 = tpu.memref_slice %arg10[%add3A_12, %dma_wait3A_206] : memref<10240x128xf32, #tpu.memory_space<vmem_shared>> -> memref<32x128xf32, #tpu.memory_space<vmem_shared>>
      %dma_wait3A_208 = arith.constant 0 : i32
      %dma_wait3A_209 = tpu.memref_slice %arg10[%add3A_12, %dma_wait3A_208] : memref<10240x128xf32, #tpu.memory_space<vmem_shared>> -> memref<32x128xf32, #tpu.memory_space<vmem_shared>>
      tpu.wait_dma2 semaphore(%run_scoped3A_201 : memref<!tpu.dma_semaphore, #tpu.memory_space<semaphore_mem>>) src(%arg9 : memref<32x128xf32, #tpu.memory_space<vmem>>) dst(%dma_wait3A_209 : memref<32x128xf32, #tpu.memory_space<vmem_shared>>)
      tpu.yield
    }) : () -> ()
    %mul3A_13 = arith.constant 640 : i32
    %mul3A_14 = arith.muli %arg1, %mul3A_13 : i32
    %add3A_15 = arith.constant 64 : i32
    %add3A_16 = arith.addi %mul3A_14, %add3A_15 : i32
    "tpu.region"() ({
      %run_scoped3A_201 = tpu.sem_alloc : memref<!tpu.dma_semaphore, #tpu.memory_space<semaphore_mem>>
      %dma_start3A_202 = arith.constant 0 : i32
      %dma_start3A_203 = tpu.memref_slice %arg10[%add3A_16, %dma_start3A_202] : memref<10240x128xf32, #tpu.memory_space<vmem_shared>> -> memref<32x128xf32, #tpu.memory_space<vmem_shared>>
      %dma_start3A_204 = arith.constant 0 : i32
      %dma_start3A_205 = tpu.memref_slice %arg10[%add3A_16, %dma_start3A_204] : memref<10240x128xf32, #tpu.memory_space<vmem_shared>> -> memref<32x128xf32, #tpu.memory_space<vmem_shared>>
      tpu.enqueue_dma source(%arg9 : memref<32x128xf32, #tpu.memory_space<vmem>>) target(%dma_start3A_205 : memref<32x128xf32, #tpu.memory_space<vmem_shared>>) target_semaphore(%run_scoped3A_201 : memref<!tpu.dma_semaphore, #tpu.memory_space<semaphore_mem>>)
      %dma_wait3A_206 = arith.constant 0 : i32
      %dma_wait3A_207 = tpu.memref_slice %arg10[%add3A_16, %dma_wait3A_206] : memref<10240x128xf32, #tpu.memory_space<vmem_shared>> -> memref<32x128xf32, #tpu.memory_space<vmem_shared>>
      %dma_wait3A_208 = arith.constant 0 : i32
      %dma_wait3A_209 = tpu.memref_slice %arg10[%add3A_16, %dma_wait3A_208] : memref<10240x128xf32, #tpu.memory_space<vmem_shared>> -> memref<32x128xf32, #tpu.memory_space<vmem_shared>>
      tpu.wait_dma2 semaphore(%run_scoped3A_201 : memref<!tpu.dma_semaphore, #tpu.memory_space<semaphore_mem>>) src(%arg9 : memref<32x128xf32, #tpu.memory_space<vmem>>) dst(%dma_wait3A_209 : memref<32x128xf32, #tpu.memory_space<vmem_shared>>)
      tpu.yield
    }) : () -> ()
    %mul3A_17 = arith.constant 640 : i32
    %mul3A_18 = arith.muli %arg1, %mul3A_17 : i32
    %add3A_19 = arith.constant 96 : i32
    %add3A_20 = arith.addi %mul3A_18, %add3A_19 : i32
    "tpu.region"() ({
      %run_scoped3A_201 = tpu.sem_alloc : memref<!tpu.dma_semaphore, #tpu.memory_space<semaphore_mem>>
      %dma_start3A_202 = arith.constant 0 : i32
      %dma_start3A_203 = tpu.memref_slice %arg10[%add3A_20, %dma_start3A_202] : memref<10240x128xf32, #tpu.memory_space<vmem_shared>> -> memref<32x128xf32, #tpu.memory_space<vmem_shared>>
      %dma_start3A_204 = arith.constant 0 : i32
      %dma_start3A_205 = tpu.memref_slice %arg10[%add3A_20, %dma_start3A_204] : memref<10240x128xf32, #tpu.memory_space<vmem_shared>> -> memref<32x128xf32, #tpu.memory_space<vmem_shared>>
      tpu.enqueue_dma source(%arg9 : memref<32x128xf32, #tpu.memory_space<vmem>>) target(%dma_start3A_205 : memref<32x128xf32, #tpu.memory_space<vmem_shared>>) target_semaphore(%run_scoped3A_201 : memref<!tpu.dma_semaphore, #tpu.memory_space<semaphore_mem>>)
      %dma_wait3A_206 = arith.constant 0 : i32
      %dma_wait3A_207 = tpu.memref_slice %arg10[%add3A_20, %dma_wait3A_206] : memref<10240x128xf32, #tpu.memory_space<vmem_shared>> -> memref<32x128xf32, #tpu.memory_space<vmem_shared>>
      %dma_wait3A_208 = arith.constant 0 : i32
      %dma_wait3A_209 = tpu.memref_slice %arg10[%add3A_20, %dma_wait3A_208] : memref<10240x128xf32, #tpu.memory_space<vmem_shared>> -> memref<32x128xf32, #tpu.memory_space<vmem_shared>>
      tpu.wait_dma2 semaphore(%run_scoped3A_201 : memref<!tpu.dma_semaphore, #tpu.memory_space<semaphore_mem>>) src(%arg9 : memref<32x128xf32, #tpu.memory_space<vmem>>) dst(%dma_wait3A_209 : memref<32x128xf32, #tpu.memory_space<vmem_shared>>)
      tpu.yield
    }) : () -> ()
    %mul3A_21 = arith.constant 640 : i32
    %mul3A_22 = arith.muli %arg1, %mul3A_21 : i32
    %add3A_23 = arith.constant 128 : i32
    %add3A_24 = arith.addi %mul3A_22, %add3A_23 : i32
    "tpu.region"() ({
      %run_scoped3A_201 = tpu.sem_alloc : memref<!tpu.dma_semaphore, #tpu.memory_space<semaphore_mem>>
      %dma_start3A_202 = arith.constant 0 : i32
      %dma_start3A_203 = tpu.memref_slice %arg10[%add3A_24, %dma_start3A_202] : memref<10240x128xf32, #tpu.memory_space<vmem_shared>> -> memref<32x128xf32, #tpu.memory_space<vmem_shared>>
      %dma_start3A_204 = arith.constant 0 : i32
      %dma_start3A_205 = tpu.memref_slice %arg10[%add3A_24, %dma_start3A_204] : memref<10240x128xf32, #tpu.memory_space<vmem_shared>> -> memref<32x128xf32, #tpu.memory_space<vmem_shared>>
      tpu.enqueue_dma source(%arg9 : memref<32x128xf32, #tpu.memory_space<vmem>>) target(%dma_start3A_205 : memref<32x128xf32, #tpu.memory_space<vmem_shared>>) target_semaphore(%run_scoped3A_201 : memref<!tpu.dma_semaphore, #tpu.memory_space<semaphore_mem>>)
      %dma_wait3A_206 = arith.constant 0 : i32
      %dma_wait3A_207 = tpu.memref_slice %arg10[%add3A_24, %dma_wait3A_206] : memref<10240x128xf32, #tpu.memory_space<vmem_shared>> -> memref<32x128xf32, #tpu.memory_space<vmem_shared>>
      %dma_wait3A_208 = arith.constant 0 : i32
      %dma_wait3A_209 = tpu.memref_slice %arg10[%add3A_24, %dma_wait3A_208] : memref<10240x128xf32, #tpu.memory_space<vmem_shared>> -> memref<32x128xf32, #tpu.memory_space<vmem_shared>>
      tpu.wait_dma2 semaphore(%run_scoped3A_201 : memref<!tpu.dma_semaphore, #tpu.memory_space<semaphore_mem>>) src(%arg9 : memref<32x128xf32, #tpu.memory_space<vmem>>) dst(%dma_wait3A_209 : memref<32x128xf32, #tpu.memory_space<vmem_shared>>)
      tpu.yield
    }) : () -> ()
    %mul3A_25 = arith.constant 640 : i32
    %mul3A_26 = arith.muli %arg1, %mul3A_25 : i32
    %add3A_27 = arith.constant 160 : i32
    %add3A_28 = arith.addi %mul3A_26, %add3A_27 : i32
    "tpu.region"() ({
      %run_scoped3A_201 = tpu.sem_alloc : memref<!tpu.dma_semaphore, #tpu.memory_space<semaphore_mem>>
      %dma_start3A_202 = arith.constant 0 : i32
      %dma_start3A_203 = tpu.memref_slice %arg10[%add3A_28, %dma_start3A_202] : memref<10240x128xf32, #tpu.memory_space<vmem_shared>> -> memref<32x128xf32, #tpu.memory_space<vmem_shared>>
      %dma_start3A_204 = arith.constant 0 : i32
      %dma_start3A_205 = tpu.memref_slice %arg10[%add3A_28, %dma_start3A_204] : memref<10240x128xf32, #tpu.memory_space<vmem_shared>> -> memref<32x128xf32, #tpu.memory_space<vmem_shared>>
      tpu.enqueue_dma source(%arg9 : memref<32x128xf32, #tpu.memory_space<vmem>>) target(%dma_start3A_205 : memref<32x128xf32, #tpu.memory_space<vmem_shared>>) target_semaphore(%run_scoped3A_201 : memref<!tpu.dma_semaphore, #tpu.memory_space<semaphore_mem>>)
      %dma_wait3A_206 = arith.constant 0 : i32
      %dma_wait3A_207 = tpu.memref_slice %arg10[%add3A_28, %dma_wait3A_206] : memref<10240x128xf32, #tpu.memory_space<vmem_shared>> -> memref<32x128xf32, #tpu.memory_space<vmem_shared>>
      %dma_wait3A_208 = arith.constant 0 : i32
      %dma_wait3A_209 = tpu.memref_slice %arg10[%add3A_28, %dma_wait3A_208] : memref<10240x128xf32, #tpu.memory_space<vmem_shared>> -> memref<32x128xf32, #tpu.memory_space<vmem_shared>>
      tpu.wait_dma2 semaphore(%run_scoped3A_201 : memref<!tpu.dma_semaphore, #tpu.memory_space<semaphore_mem>>) src(%arg9 : memref<32x128xf32, #tpu.memory_space<vmem>>) dst(%dma_wait3A_209 : memref<32x128xf32, #tpu.memory_space<vmem_shared>>)
      tpu.yield
    }) : () -> ()
    %mul3A_29 = arith.constant 640 : i32
    %mul3A_30 = arith.muli %arg1, %mul3A_29 : i32
    %add3A_31 = arith.constant 192 : i32
    %add3A_32 = arith.addi %mul3A_30, %add3A_31 : i32
    "tpu.region"() ({
      %run_scoped3A_201 = tpu.sem_alloc : memref<!tpu.dma_semaphore, #tpu.memory_space<semaphore_mem>>
      %dma_start3A_202 = arith.constant 0 : i32
      %dma_start3A_203 = tpu.memref_slice %arg10[%add3A_32, %dma_start3A_202] : memref<10240x128xf32, #tpu.memory_space<vmem_shared>> -> memref<32x128xf32, #tpu.memory_space<vmem_shared>>
      %dma_start3A_204 = arith.constant 0 : i32
      %dma_start3A_205 = tpu.memref_slice %arg10[%add3A_32, %dma_start3A_204] : memref<10240x128xf32, #tpu.memory_space<vmem_shared>> -> memref<32x128xf32, #tpu.memory_space<vmem_shared>>
      tpu.enqueue_dma source(%arg9 : memref<32x128xf32, #tpu.memory_space<vmem>>) target(%dma_start3A_205 : memref<32x128xf32, #tpu.memory_space<vmem_shared>>) target_semaphore(%run_scoped3A_201 : memref<!tpu.dma_semaphore, #tpu.memory_space<semaphore_mem>>)
      %dma_wait3A_206 = arith.constant 0 : i32
      %dma_wait3A_207 = tpu.memref_slice %arg10[%add3A_32, %dma_wait3A_206] : memref<10240x128xf32, #tpu.memory_space<vmem_shared>> -> memref<32x128xf32, #tpu.memory_space<vmem_shared>>
      %dma_wait3A_208 = arith.constant 0 : i32
      %dma_wait3A_209 = tpu.memref_slice %arg10[%add3A_32, %dma_wait3A_208] : memref<10240x128xf32, #tpu.memory_space<vmem_shared>> -> memref<32x128xf32, #tpu.memory_space<vmem_shared>>
      tpu.wait_dma2 semaphore(%run_scoped3A_201 : memref<!tpu.dma_semaphore, #tpu.memory_space<semaphore_mem>>) src(%arg9 : memref<32x128xf32, #tpu.memory_space<vmem>>) dst(%dma_wait3A_209 : memref<32x128xf32, #tpu.memory_space<vmem_shared>>)
      tpu.yield
    }) : () -> ()
    %mul3A_33 = arith.constant 640 : i32
    %mul3A_34 = arith.muli %arg1, %mul3A_33 : i32
    %add3A_35 = arith.constant 224 : i32
    %add3A_36 = arith.addi %mul3A_34, %add3A_35 : i32
    "tpu.region"() ({
      %run_scoped3A_201 = tpu.sem_alloc : memref<!tpu.dma_semaphore, #tpu.memory_space<semaphore_mem>>
      %dma_start3A_202 = arith.constant 0 : i32
      %dma_start3A_203 = tpu.memref_slice %arg10[%add3A_36, %dma_start3A_202] : memref<10240x128xf32, #tpu.memory_space<vmem_shared>> -> memref<32x128xf32, #tpu.memory_space<vmem_shared>>
      %dma_start3A_204 = arith.constant 0 : i32
      %dma_start3A_205 = tpu.memref_slice %arg10[%add3A_36, %dma_start3A_204] : memref<10240x128xf32, #tpu.memory_space<vmem_shared>> -> memref<32x128xf32, #tpu.memory_space<vmem_shared>>
      tpu.enqueue_dma source(%arg9 : memref<32x128xf32, #tpu.memory_space<vmem>>) target(%dma_start3A_205 : memref<32x128xf32, #tpu.memory_space<vmem_shared>>) target_semaphore(%run_scoped3A_201 : memref<!tpu.dma_semaphore, #tpu.memory_space<semaphore_mem>>)
      %dma_wait3A_206 = arith.constant 0 : i32
      %dma_wait3A_207 = tpu.memref_slice %arg10[%add3A_36, %dma_wait3A_206] : memref<10240x128xf32, #tpu.memory_space<vmem_shared>> -> memref<32x128xf32, #tpu.memory_space<vmem_shared>>
      %dma_wait3A_208 = arith.constant 0 : i32
      %dma_wait3A_209 = tpu.memref_slice %arg10[%add3A_36, %dma_wait3A_208] : memref<10240x128xf32, #tpu.memory_space<vmem_shared>> -> memref<32x128xf32, #tpu.memory_space<vmem_shared>>
      tpu.wait_dma2 semaphore(%run_scoped3A_201 : memref<!tpu.dma_semaphore, #tpu.memory_space<semaphore_mem>>) src(%arg9 : memref<32x128xf32, #tpu.memory_space<vmem>>) dst(%dma_wait3A_209 : memref<32x128xf32, #tpu.memory_space<vmem_shared>>)
      tpu.yield
    }) : () -> ()
    %mul3A_37 = arith.constant 640 : i32
    %mul3A_38 = arith.muli %arg1, %mul3A_37 : i32
    %add3A_39 = arith.constant 256 : i32
    %add3A_40 = arith.addi %mul3A_38, %add3A_39 : i32
    "tpu.region"() ({
      %run_scoped3A_201 = tpu.sem_alloc : memref<!tpu.dma_semaphore, #tpu.memory_space<semaphore_mem>>
      %dma_start3A_202 = arith.constant 0 : i32
      %dma_start3A_203 = tpu.memref_slice %arg10[%add3A_40, %dma_start3A_202] : memref<10240x128xf32, #tpu.memory_space<vmem_shared>> -> memref<32x128xf32, #tpu.memory_space<vmem_shared>>
      %dma_start3A_204 = arith.constant 0 : i32
      %dma_start3A_205 = tpu.memref_slice %arg10[%add3A_40, %dma_start3A_204] : memref<10240x128xf32, #tpu.memory_space<vmem_shared>> -> memref<32x128xf32, #tpu.memory_space<vmem_shared>>
      tpu.enqueue_dma source(%arg9 : memref<32x128xf32, #tpu.memory_space<vmem>>) target(%dma_start3A_205 : memref<32x128xf32, #tpu.memory_space<vmem_shared>>) target_semaphore(%run_scoped3A_201 : memref<!tpu.dma_semaphore, #tpu.memory_space<semaphore_mem>>)
      %dma_wait3A_206 = arith.constant 0 : i32
      %dma_wait3A_207 = tpu.memref_slice %arg10[%add3A_40, %dma_wait3A_206] : memref<10240x128xf32, #tpu.memory_space<vmem_shared>> -> memref<32x128xf32, #tpu.memory_space<vmem_shared>>
      %dma_wait3A_208 = arith.constant 0 : i32
      %dma_wait3A_209 = tpu.memref_slice %arg10[%add3A_40, %dma_wait3A_208] : memref<10240x128xf32, #tpu.memory_space<vmem_shared>> -> memref<32x128xf32, #tpu.memory_space<vmem_shared>>
      tpu.wait_dma2 semaphore(%run_scoped3A_201 : memref<!tpu.dma_semaphore, #tpu.memory_space<semaphore_mem>>) src(%arg9 : memref<32x128xf32, #tpu.memory_space<vmem>>) dst(%dma_wait3A_209 : memref<32x128xf32, #tpu.memory_space<vmem_shared>>)
      tpu.yield
    }) : () -> ()
    %mul3A_41 = arith.constant 640 : i32
    %mul3A_42 = arith.muli %arg1, %mul3A_41 : i32
    %add3A_43 = arith.constant 288 : i32
    %add3A_44 = arith.addi %mul3A_42, %add3A_43 : i32
    "tpu.region"() ({
      %run_scoped3A_201 = tpu.sem_alloc : memref<!tpu.dma_semaphore, #tpu.memory_space<semaphore_mem>>
      %dma_start3A_202 = arith.constant 0 : i32
      %dma_start3A_203 = tpu.memref_slice %arg10[%add3A_44, %dma_start3A_202] : memref<10240x128xf32, #tpu.memory_space<vmem_shared>> -> memref<32x128xf32, #tpu.memory_space<vmem_shared>>
      %dma_start3A_204 = arith.constant 0 : i32
      %dma_start3A_205 = tpu.memref_slice %arg10[%add3A_44, %dma_start3A_204] : memref<10240x128xf32, #tpu.memory_space<vmem_shared>> -> memref<32x128xf32, #tpu.memory_space<vmem_shared>>
      tpu.enqueue_dma source(%arg9 : memref<32x128xf32, #tpu.memory_space<vmem>>) target(%dma_start3A_205 : memref<32x128xf32, #tpu.memory_space<vmem_shared>>) target_semaphore(%run_scoped3A_201 : memref<!tpu.dma_semaphore, #tpu.memory_space<semaphore_mem>>)
      %dma_wait3A_206 = arith.constant 0 : i32
      %dma_wait3A_207 = tpu.memref_slice %arg10[%add3A_44, %dma_wait3A_206] : memref<10240x128xf32, #tpu.memory_space<vmem_shared>> -> memref<32x128xf32, #tpu.memory_space<vmem_shared>>
      %dma_wait3A_208 = arith.constant 0 : i32
      %dma_wait3A_209 = tpu.memref_slice %arg10[%add3A_44, %dma_wait3A_208] : memref<10240x128xf32, #tpu.memory_space<vmem_shared>> -> memref<32x128xf32, #tpu.memory_space<vmem_shared>>
      tpu.wait_dma2 semaphore(%run_scoped3A_201 : memref<!tpu.dma_semaphore, #tpu.memory_space<semaphore_mem>>) src(%arg9 : memref<32x128xf32, #tpu.memory_space<vmem>>) dst(%dma_wait3A_209 : memref<32x128xf32, #tpu.memory_space<vmem_shared>>)
      tpu.yield
    }) : () -> ()
    %mul3A_45 = arith.constant 640 : i32
    %mul3A_46 = arith.muli %arg1, %mul3A_45 : i32
    %add3A_47 = arith.constant 320 : i32
    %add3A_48 = arith.addi %mul3A_46, %add3A_47 : i32
    "tpu.region"() ({
      %run_scoped3A_201 = tpu.sem_alloc : memref<!tpu.dma_semaphore, #tpu.memory_space<semaphore_mem>>
      %dma_start3A_202 = arith.constant 0 : i32
      %dma_start3A_203 = tpu.memref_slice %arg10[%add3A_48, %dma_start3A_202] : memref<10240x128xf32, #tpu.memory_space<vmem_shared>> -> memref<32x128xf32, #tpu.memory_space<vmem_shared>>
      %dma_start3A_204 = arith.constant 0 : i32
      %dma_start3A_205 = tpu.memref_slice %arg10[%add3A_48, %dma_start3A_204] : memref<10240x128xf32, #tpu.memory_space<vmem_shared>> -> memref<32x128xf32, #tpu.memory_space<vmem_shared>>
      tpu.enqueue_dma source(%arg9 : memref<32x128xf32, #tpu.memory_space<vmem>>) target(%dma_start3A_205 : memref<32x128xf32, #tpu.memory_space<vmem_shared>>) target_semaphore(%run_scoped3A_201 : memref<!tpu.dma_semaphore, #tpu.memory_space<semaphore_mem>>)
      %dma_wait3A_206 = arith.constant 0 : i32
      %dma_wait3A_207 = tpu.memref_slice %arg10[%add3A_48, %dma_wait3A_206] : memref<10240x128xf32, #tpu.memory_space<vmem_shared>> -> memref<32x128xf32, #tpu.memory_space<vmem_shared>>
      %dma_wait3A_208 = arith.constant 0 : i32
      %dma_wait3A_209 = tpu.memref_slice %arg10[%add3A_48, %dma_wait3A_208] : memref<10240x128xf32, #tpu.memory_space<vmem_shared>> -> memref<32x128xf32, #tpu.memory_space<vmem_shared>>
      tpu.wait_dma2 semaphore(%run_scoped3A_201 : memref<!tpu.dma_semaphore, #tpu.memory_space<semaphore_mem>>) src(%arg9 : memref<32x128xf32, #tpu.memory_space<vmem>>) dst(%dma_wait3A_209 : memref<32x128xf32, #tpu.memory_space<vmem_shared>>)
      tpu.yield
    }) : () -> ()
    %mul3A_49 = arith.constant 640 : i32
    %mul3A_50 = arith.muli %arg1, %mul3A_49 : i32
    %add3A_51 = arith.constant 352 : i32
    %add3A_52 = arith.addi %mul3A_50, %add3A_51 : i32
    "tpu.region"() ({
      %run_scoped3A_201 = tpu.sem_alloc : memref<!tpu.dma_semaphore, #tpu.memory_space<semaphore_mem>>
      %dma_start3A_202 = arith.constant 0 : i32
      %dma_start3A_203 = tpu.memref_slice %arg10[%add3A_52, %dma_start3A_202] : memref<10240x128xf32, #tpu.memory_space<vmem_shared>> -> memref<32x128xf32, #tpu.memory_space<vmem_shared>>
      %dma_start3A_204 = arith.constant 0 : i32
      %dma_start3A_205 = tpu.memref_slice %arg10[%add3A_52, %dma_start3A_204] : memref<10240x128xf32, #tpu.memory_space<vmem_shared>> -> memref<32x128xf32, #tpu.memory_space<vmem_shared>>
      tpu.enqueue_dma source(%arg9 : memref<32x128xf32, #tpu.memory_space<vmem>>) target(%dma_start3A_205 : memref<32x128xf32, #tpu.memory_space<vmem_shared>>) target_semaphore(%run_scoped3A_201 : memref<!tpu.dma_semaphore, #tpu.memory_space<semaphore_mem>>)
      %dma_wait3A_206 = arith.constant 0 : i32
      %dma_wait3A_207 = tpu.memref_slice %arg10[%add3A_52, %dma_wait3A_206] : memref<10240x128xf32, #tpu.memory_space<vmem_shared>> -> memref<32x128xf32, #tpu.memory_space<vmem_shared>>
      %dma_wait3A_208 = arith.constant 0 : i32
      %dma_wait3A_209 = tpu.memref_slice %arg10[%add3A_52, %dma_wait3A_208] : memref<10240x128xf32, #tpu.memory_space<vmem_shared>> -> memref<32x128xf32, #tpu.memory_space<vmem_shared>>
      tpu.wait_dma2 semaphore(%run_scoped3A_201 : memref<!tpu.dma_semaphore, #tpu.memory_space<semaphore_mem>>) src(%arg9 : memref<32x128xf32, #tpu.memory_space<vmem>>) dst(%dma_wait3A_209 : memref<32x128xf32, #tpu.memory_space<vmem_shared>>)
      tpu.yield
    }) : () -> ()
    %mul3A_53 = arith.constant 640 : i32
    %mul3A_54 = arith.muli %arg1, %mul3A_53 : i32
    %add3A_55 = arith.constant 384 : i32
    %add3A_56 = arith.addi %mul3A_54, %add3A_55 : i32
    "tpu.region"() ({
      %run_scoped3A_201 = tpu.sem_alloc : memref<!tpu.dma_semaphore, #tpu.memory_space<semaphore_mem>>
      %dma_start3A_202 = arith.constant 0 : i32
      %dma_start3A_203 = tpu.memref_slice %arg10[%add3A_56, %dma_start3A_202] : memref<10240x128xf32, #tpu.memory_space<vmem_shared>> -> memref<32x128xf32, #tpu.memory_space<vmem_shared>>
      %dma_start3A_204 = arith.constant 0 : i32
      %dma_start3A_205 = tpu.memref_slice %arg10[%add3A_56, %dma_start3A_204] : memref<10240x128xf32, #tpu.memory_space<vmem_shared>> -> memref<32x128xf32, #tpu.memory_space<vmem_shared>>
      tpu.enqueue_dma source(%arg9 : memref<32x128xf32, #tpu.memory_space<vmem>>) target(%dma_start3A_205 : memref<32x128xf32, #tpu.memory_space<vmem_shared>>) target_semaphore(%run_scoped3A_201 : memref<!tpu.dma_semaphore, #tpu.memory_space<semaphore_mem>>)
      %dma_wait3A_206 = arith.constant 0 : i32
      %dma_wait3A_207 = tpu.memref_slice %arg10[%add3A_56, %dma_wait3A_206] : memref<10240x128xf32, #tpu.memory_space<vmem_shared>> -> memref<32x128xf32, #tpu.memory_space<vmem_shared>>
      %dma_wait3A_208 = arith.constant 0 : i32
      %dma_wait3A_209 = tpu.memref_slice %arg10[%add3A_56, %dma_wait3A_208] : memref<10240x128xf32, #tpu.memory_space<vmem_shared>> -> memref<32x128xf32, #tpu.memory_space<vmem_shared>>
      tpu.wait_dma2 semaphore(%run_scoped3A_201 : memref<!tpu.dma_semaphore, #tpu.memory_space<semaphore_mem>>) src(%arg9 : memref<32x128xf32, #tpu.memory_space<vmem>>) dst(%dma_wait3A_209 : memref<32x128xf32, #tpu.memory_space<vmem_shared>>)
      tpu.yield
    }) : () -> ()
    %mul3A_57 = arith.constant 640 : i32
    %mul3A_58 = arith.muli %arg1, %mul3A_57 : i32
    %add3A_59 = arith.constant 416 : i32
    %add3A_60 = arith.addi %mul3A_58, %add3A_59 : i32
    "tpu.region"() ({
      %run_scoped3A_201 = tpu.sem_alloc : memref<!tpu.dma_semaphore, #tpu.memory_space<semaphore_mem>>
      %dma_start3A_202 = arith.constant 0 : i32
      %dma_start3A_203 = tpu.memref_slice %arg10[%add3A_60, %dma_start3A_202] : memref<10240x128xf32, #tpu.memory_space<vmem_shared>> -> memref<32x128xf32, #tpu.memory_space<vmem_shared>>
      %dma_start3A_204 = arith.constant 0 : i32
      %dma_start3A_205 = tpu.memref_slice %arg10[%add3A_60, %dma_start3A_204] : memref<10240x128xf32, #tpu.memory_space<vmem_shared>> -> memref<32x128xf32, #tpu.memory_space<vmem_shared>>
      tpu.enqueue_dma source(%arg9 : memref<32x128xf32, #tpu.memory_space<vmem>>) target(%dma_start3A_205 : memref<32x128xf32, #tpu.memory_space<vmem_shared>>) target_semaphore(%run_scoped3A_201 : memref<!tpu.dma_semaphore, #tpu.memory_space<semaphore_mem>>)
      %dma_wait3A_206 = arith.constant 0 : i32
      %dma_wait3A_207 = tpu.memref_slice %arg10[%add3A_60, %dma_wait3A_206] : memref<10240x128xf32, #tpu.memory_space<vmem_shared>> -> memref<32x128xf32, #tpu.memory_space<vmem_shared>>
      %dma_wait3A_208 = arith.constant 0 : i32
      %dma_wait3A_209 = tpu.memref_slice %arg10[%add3A_60, %dma_wait3A_208] : memref<10240x128xf32, #tpu.memory_space<vmem_shared>> -> memref<32x128xf32, #tpu.memory_space<vmem_shared>>
      tpu.wait_dma2 semaphore(%run_scoped3A_201 : memref<!tpu.dma_semaphore, #tpu.memory_space<semaphore_mem>>) src(%arg9 : memref<32x128xf32, #tpu.memory_space<vmem>>) dst(%dma_wait3A_209 : memref<32x128xf32, #tpu.memory_space<vmem_shared>>)
      tpu.yield
    }) : () -> ()
    %mul3A_61 = arith.constant 640 : i32
    %mul3A_62 = arith.muli %arg1, %mul3A_61 : i32
    %add3A_63 = arith.constant 448 : i32
    %add3A_64 = arith.addi %mul3A_62, %add3A_63 : i32
    "tpu.region"() ({
      %run_scoped3A_201 = tpu.sem_alloc : memref<!tpu.dma_semaphore, #tpu.memory_space<semaphore_mem>>
      %dma_start3A_202 = arith.constant 0 : i32
      %dma_start3A_203 = tpu.memref_slice %arg10[%add3A_64, %dma_start3A_202] : memref<10240x128xf32, #tpu.memory_space<vmem_shared>> -> memref<32x128xf32, #tpu.memory_space<vmem_shared>>
      %dma_start3A_204 = arith.constant 0 : i32
      %dma_start3A_205 = tpu.memref_slice %arg10[%add3A_64, %dma_start3A_204] : memref<10240x128xf32, #tpu.memory_space<vmem_shared>> -> memref<32x128xf32, #tpu.memory_space<vmem_shared>>
      tpu.enqueue_dma source(%arg9 : memref<32x128xf32, #tpu.memory_space<vmem>>) target(%dma_start3A_205 : memref<32x128xf32, #tpu.memory_space<vmem_shared>>) target_semaphore(%run_scoped3A_201 : memref<!tpu.dma_semaphore, #tpu.memory_space<semaphore_mem>>)
      %dma_wait3A_206 = arith.constant 0 : i32
      %dma_wait3A_207 = tpu.memref_slice %arg10[%add3A_64, %dma_wait3A_206] : memref<10240x128xf32, #tpu.memory_space<vmem_shared>> -> memref<32x128xf32, #tpu.memory_space<vmem_shared>>
      %dma_wait3A_208 = arith.constant 0 : i32
      %dma_wait3A_209 = tpu.memref_slice %arg10[%add3A_64, %dma_wait3A_208] : memref<10240x128xf32, #tpu.memory_space<vmem_shared>> -> memref<32x128xf32, #tpu.memory_space<vmem_shared>>
      tpu.wait_dma2 semaphore(%run_scoped3A_201 : memref<!tpu.dma_semaphore, #tpu.memory_space<semaphore_mem>>) src(%arg9 : memref<32x128xf32, #tpu.memory_space<vmem>>) dst(%dma_wait3A_209 : memref<32x128xf32, #tpu.memory_space<vmem_shared>>)
      tpu.yield
    }) : () -> ()
    %mul3A_65 = arith.constant 640 : i32
    %mul3A_66 = arith.muli %arg1, %mul3A_65 : i32
    %add3A_67 = arith.constant 480 : i32
    %add3A_68 = arith.addi %mul3A_66, %add3A_67 : i32
    "tpu.region"() ({
      %run_scoped3A_201 = tpu.sem_alloc : memref<!tpu.dma_semaphore, #tpu.memory_space<semaphore_mem>>
      %dma_start3A_202 = arith.constant 0 : i32
      %dma_start3A_203 = tpu.memref_slice %arg10[%add3A_68, %dma_start3A_202] : memref<10240x128xf32, #tpu.memory_space<vmem_shared>> -> memref<32x128xf32, #tpu.memory_space<vmem_shared>>
      %dma_start3A_204 = arith.constant 0 : i32
      %dma_start3A_205 = tpu.memref_slice %arg10[%add3A_68, %dma_start3A_204] : memref<10240x128xf32, #tpu.memory_space<vmem_shared>> -> memref<32x128xf32, #tpu.memory_space<vmem_shared>>
      tpu.enqueue_dma source(%arg9 : memref<32x128xf32, #tpu.memory_space<vmem>>) target(%dma_start3A_205 : memref<32x128xf32, #tpu.memory_space<vmem_shared>>) target_semaphore(%run_scoped3A_201 : memref<!tpu.dma_semaphore, #tpu.memory_space<semaphore_mem>>)
      %dma_wait3A_206 = arith.constant 0 : i32
      %dma_wait3A_207 = tpu.memref_slice %arg10[%add3A_68, %dma_wait3A_206] : memref<10240x128xf32, #tpu.memory_space<vmem_shared>> -> memref<32x128xf32, #tpu.memory_space<vmem_shared>>
      %dma_wait3A_208 = arith.constant 0 : i32
      %dma_wait3A_209 = tpu.memref_slice %arg10[%add3A_68, %dma_wait3A_208] : memref<10240x128xf32, #tpu.memory_space<vmem_shared>> -> memref<32x128xf32, #tpu.memory_space<vmem_shared>>
      tpu.wait_dma2 semaphore(%run_scoped3A_201 : memref<!tpu.dma_semaphore, #tpu.memory_space<semaphore_mem>>) src(%arg9 : memref<32x128xf32, #tpu.memory_space<vmem>>) dst(%dma_wait3A_209 : memref<32x128xf32, #tpu.memory_space<vmem_shared>>)
      tpu.yield
    }) : () -> ()
    %mul3A_69 = arith.constant 640 : i32
    %mul3A_70 = arith.muli %arg1, %mul3A_69 : i32
    %add3A_71 = arith.constant 512 : i32
    %add3A_72 = arith.addi %mul3A_70, %add3A_71 : i32
    "tpu.region"() ({
      %run_scoped3A_201 = tpu.sem_alloc : memref<!tpu.dma_semaphore, #tpu.memory_space<semaphore_mem>>
      %dma_start3A_202 = arith.constant 0 : i32
      %dma_start3A_203 = tpu.memref_slice %arg10[%add3A_72, %dma_start3A_202] : memref<10240x128xf32, #tpu.memory_space<vmem_shared>> -> memref<32x128xf32, #tpu.memory_space<vmem_shared>>
      %dma_start3A_204 = arith.constant 0 : i32
      %dma_start3A_205 = tpu.memref_slice %arg10[%add3A_72, %dma_start3A_204] : memref<10240x128xf32, #tpu.memory_space<vmem_shared>> -> memref<32x128xf32, #tpu.memory_space<vmem_shared>>
      tpu.enqueue_dma source(%arg9 : memref<32x128xf32, #tpu.memory_space<vmem>>) target(%dma_start3A_205 : memref<32x128xf32, #tpu.memory_space<vmem_shared>>) target_semaphore(%run_scoped3A_201 : memref<!tpu.dma_semaphore, #tpu.memory_space<semaphore_mem>>)
      %dma_wait3A_206 = arith.constant 0 : i32
      %dma_wait3A_207 = tpu.memref_slice %arg10[%add3A_72, %dma_wait3A_206] : memref<10240x128xf32, #tpu.memory_space<vmem_shared>> -> memref<32x128xf32, #tpu.memory_space<vmem_shared>>
      %dma_wait3A_208 = arith.constant 0 : i32
      %dma_wait3A_209 = tpu.memref_slice %arg10[%add3A_72, %dma_wait3A_208] : memref<10240x128xf32, #tpu.memory_space<vmem_shared>> -> memref<32x128xf32, #tpu.memory_space<vmem_shared>>
      tpu.wait_dma2 semaphore(%run_scoped3A_201 : memref<!tpu.dma_semaphore, #tpu.memory_space<semaphore_mem>>) src(%arg9 : memref<32x128xf32, #tpu.memory_space<vmem>>) dst(%dma_wait3A_209 : memref<32x128xf32, #tpu.memory_space<vmem_shared>>)
      tpu.yield
    }) : () -> ()
    %mul3A_73 = arith.constant 640 : i32
    %mul3A_74 = arith.muli %arg1, %mul3A_73 : i32
    %add3A_75 = arith.constant 544 : i32
    %add3A_76 = arith.addi %mul3A_74, %add3A_75 : i32
    "tpu.region"() ({
      %run_scoped3A_201 = tpu.sem_alloc : memref<!tpu.dma_semaphore, #tpu.memory_space<semaphore_mem>>
      %dma_start3A_202 = arith.constant 0 : i32
      %dma_start3A_203 = tpu.memref_slice %arg10[%add3A_76, %dma_start3A_202] : memref<10240x128xf32, #tpu.memory_space<vmem_shared>> -> memref<32x128xf32, #tpu.memory_space<vmem_shared>>
      %dma_start3A_204 = arith.constant 0 : i32
      %dma_start3A_205 = tpu.memref_slice %arg10[%add3A_76, %dma_start3A_204] : memref<10240x128xf32, #tpu.memory_space<vmem_shared>> -> memref<32x128xf32, #tpu.memory_space<vmem_shared>>
      tpu.enqueue_dma source(%arg9 : memref<32x128xf32, #tpu.memory_space<vmem>>) target(%dma_start3A_205 : memref<32x128xf32, #tpu.memory_space<vmem_shared>>) target_semaphore(%run_scoped3A_201 : memref<!tpu.dma_semaphore, #tpu.memory_space<semaphore_mem>>)
      %dma_wait3A_206 = arith.constant 0 : i32
      %dma_wait3A_207 = tpu.memref_slice %arg10[%add3A_76, %dma_wait3A_206] : memref<10240x128xf32, #tpu.memory_space<vmem_shared>> -> memref<32x128xf32, #tpu.memory_space<vmem_shared>>
      %dma_wait3A_208 = arith.constant 0 : i32
      %dma_wait3A_209 = tpu.memref_slice %arg10[%add3A_76, %dma_wait3A_208] : memref<10240x128xf32, #tpu.memory_space<vmem_shared>> -> memref<32x128xf32, #tpu.memory_space<vmem_shared>>
      tpu.wait_dma2 semaphore(%run_scoped3A_201 : memref<!tpu.dma_semaphore, #tpu.memory_space<semaphore_mem>>) src(%arg9 : memref<32x128xf32, #tpu.memory_space<vmem>>) dst(%dma_wait3A_209 : memref<32x128xf32, #tpu.memory_space<vmem_shared>>)
      tpu.yield
    }) : () -> ()
    %mul3A_77 = arith.constant 640 : i32
    %mul3A_78 = arith.muli %arg1, %mul3A_77 : i32
    %add3A_79 = arith.constant 576 : i32
    %add3A_80 = arith.addi %mul3A_78, %add3A_79 : i32
    "tpu.region"() ({
      %run_scoped3A_201 = tpu.sem_alloc : memref<!tpu.dma_semaphore, #tpu.memory_space<semaphore_mem>>
      %dma_start3A_202 = arith.constant 0 : i32
      %dma_start3A_203 = tpu.memref_slice %arg10[%add3A_80, %dma_start3A_202] : memref<10240x128xf32, #tpu.memory_space<vmem_shared>> -> memref<32x128xf32, #tpu.memory_space<vmem_shared>>
      %dma_start3A_204 = arith.constant 0 : i32
      %dma_start3A_205 = tpu.memref_slice %arg10[%add3A_80, %dma_start3A_204] : memref<10240x128xf32, #tpu.memory_space<vmem_shared>> -> memref<32x128xf32, #tpu.memory_space<vmem_shared>>
      tpu.enqueue_dma source(%arg9 : memref<32x128xf32, #tpu.memory_space<vmem>>) target(%dma_start3A_205 : memref<32x128xf32, #tpu.memory_space<vmem_shared>>) target_semaphore(%run_scoped3A_201 : memref<!tpu.dma_semaphore, #tpu.memory_space<semaphore_mem>>)
      %dma_wait3A_206 = arith.constant 0 : i32
      %dma_wait3A_207 = tpu.memref_slice %arg10[%add3A_80, %dma_wait3A_206] : memref<10240x128xf32, #tpu.memory_space<vmem_shared>> -> memref<32x128xf32, #tpu.memory_space<vmem_shared>>
      %dma_wait3A_208 = arith.constant 0 : i32
      %dma_wait3A_209 = tpu.memref_slice %arg10[%add3A_80, %dma_wait3A_208] : memref<10240x128xf32, #tpu.memory_space<vmem_shared>> -> memref<32x128xf32, #tpu.memory_space<vmem_shared>>
      tpu.wait_dma2 semaphore(%run_scoped3A_201 : memref<!tpu.dma_semaphore, #tpu.memory_space<semaphore_mem>>) src(%arg9 : memref<32x128xf32, #tpu.memory_space<vmem>>) dst(%dma_wait3A_209 : memref<32x128xf32, #tpu.memory_space<vmem_shared>>)
      tpu.yield
    }) : () -> ()
    %mul3A_81 = arith.constant 640 : i32
    %mul3A_82 = arith.muli %arg1, %mul3A_81 : i32
    %add3A_83 = arith.constant 608 : i32
    %add3A_84 = arith.addi %mul3A_82, %add3A_83 : i32
    "tpu.region"() ({
      %run_scoped3A_201 = tpu.sem_alloc : memref<!tpu.dma_semaphore, #tpu.memory_space<semaphore_mem>>
      %dma_start3A_202 = arith.constant 0 : i32
      %dma_start3A_203 = tpu.memref_slice %arg10[%add3A_84, %dma_start3A_202] : memref<10240x128xf32, #tpu.memory_space<vmem_shared>> -> memref<32x128xf32, #tpu.memory_space<vmem_shared>>
      %dma_start3A_204 = arith.constant 0 : i32
      %dma_start3A_205 = tpu.memref_slice %arg10[%add3A_84, %dma_start3A_204] : memref<10240x128xf32, #tpu.memory_space<vmem_shared>> -> memref<32x128xf32, #tpu.memory_space<vmem_shared>>
      tpu.enqueue_dma source(%arg9 : memref<32x128xf32, #tpu.memory_space<vmem>>) target(%dma_start3A_205 : memref<32x128xf32, #tpu.memory_space<vmem_shared>>) target_semaphore(%run_scoped3A_201 : memref<!tpu.dma_semaphore, #tpu.memory_space<semaphore_mem>>)
      %dma_wait3A_206 = arith.constant 0 : i32
      %dma_wait3A_207 = tpu.memref_slice %arg10[%add3A_84, %dma_wait3A_206] : memref<10240x128xf32, #tpu.memory_space<vmem_shared>> -> memref<32x128xf32, #tpu.memory_space<vmem_shared>>
      %dma_wait3A_208 = arith.constant 0 : i32
      %dma_wait3A_209 = tpu.memref_slice %arg10[%add3A_84, %dma_wait3A_208] : memref<10240x128xf32, #tpu.memory_space<vmem_shared>> -> memref<32x128xf32, #tpu.memory_space<vmem_shared>>
      tpu.wait_dma2 semaphore(%run_scoped3A_201 : memref<!tpu.dma_semaphore, #tpu.memory_space<semaphore_mem>>) src(%arg9 : memref<32x128xf32, #tpu.memory_space<vmem>>) dst(%dma_wait3A_209 : memref<32x128xf32, #tpu.memory_space<vmem_shared>>)
      tpu.yield
    }) : () -> ()
    %barrier3A = arith.constant 0 : index
    tpu.barrier barrier_id(%barrier3A)
    "tpu.region"() ({
      %run_scoped3A_201 = tpu.sem_alloc : memref<!tpu.dma_semaphore, #tpu.memory_space<semaphore_mem>>
      %dma_start3A_202 = arith.constant 0 : i32
      %dma_start3A_203 = arith.constant 0 : i32
      %dma_start3A_204 = tpu.memref_slice %arg3[%add3A, %dma_start3A_202, %dma_start3A_203] : memref<32x128x80xi32, #tpu.memory_space<hbm>> -> memref<1x64x80xi32, #tpu.memory_space<hbm>>
      %dma_start3A_205 = tpu.memref_squeeze %dma_start3A_204 : memref<1x64x80xi32, #tpu.memory_space<hbm>> -> memref<64x80xi32, #tpu.memory_space<hbm>>
      %dma_start3A_206 = arith.constant 0 : i32
      %dma_start3A_207 = arith.constant 0 : i32
      %dma_start3A_208 = tpu.memref_slice %arg3[%add3A, %dma_start3A_206, %dma_start3A_207] : memref<32x128x80xi32, #tpu.memory_space<hbm>> -> memref<1x64x80xi32, #tpu.memory_space<hbm>>
      %dma_start3A_209 = tpu.memref_squeeze %dma_start3A_208 : memref<1x64x80xi32, #tpu.memory_space<hbm>> -> memref<64x80xi32, #tpu.memory_space<hbm>>
      tpu.enqueue_dma source(%dma_start3A_209 : memref<64x80xi32, #tpu.memory_space<hbm>>) target(%arg6 : memref<64x80xi32, #tpu.memory_space<vmem>>) target_semaphore(%run_scoped3A_201 : memref<!tpu.dma_semaphore, #tpu.memory_space<semaphore_mem>>)
      %dma_wait3A_210 = arith.constant 0 : i32
      %dma_wait3A_211 = arith.constant 0 : i32
      %dma_wait3A_212 = tpu.memref_slice %arg3[%add3A, %dma_wait3A_210, %dma_wait3A_211] : memref<32x128x80xi32, #tpu.memory_space<hbm>> -> memref<1x64x80xi32, #tpu.memory_space<hbm>>
      %dma_wait3A_213 = tpu.memref_squeeze %dma_wait3A_212 : memref<1x64x80xi32, #tpu.memory_space<hbm>> -> memref<64x80xi32, #tpu.memory_space<hbm>>
      %dma_wait3A_214 = arith.constant 0 : i32
      %dma_wait3A_215 = arith.constant 0 : i32
      %dma_wait3A_216 = tpu.memref_slice %arg3[%add3A, %dma_wait3A_214, %dma_wait3A_215] : memref<32x128x80xi32, #tpu.memory_space<hbm>> -> memref<1x64x80xi32, #tpu.memory_space<hbm>>
      %dma_wait3A_217 = tpu.memref_squeeze %dma_wait3A_216 : memref<1x64x80xi32, #tpu.memory_space<hbm>> -> memref<64x80xi32, #tpu.memory_space<hbm>>
      tpu.wait_dma2 semaphore(%run_scoped3A_201 : memref<!tpu.dma_semaphore, #tpu.memory_space<semaphore_mem>>) src(%dma_wait3A_217 : memref<64x80xi32, #tpu.memory_space<hbm>>) dst(%arg6 : memref<64x80xi32, #tpu.memory_space<vmem>>)
      tpu.yield
    }) : () -> ()
    "tpu.region"() ({
      %run_scoped3A_201 = tpu.sem_alloc : memref<!tpu.dma_semaphore, #tpu.memory_space<semaphore_mem>>
      %dma_start3A_202 = arith.constant 0 : i32
      %dma_start3A_203 = arith.constant 0 : i32
      %dma_start3A_204 = tpu.memref_slice %arg4[%add3A, %dma_start3A_202, %dma_start3A_203] : memref<32x128x80xi32, #tpu.memory_space<hbm>> -> memref<1x64x80xi32, #tpu.memory_space<hbm>>
      %dma_start3A_205 = tpu.memref_squeeze %dma_start3A_204 : memref<1x64x80xi32, #tpu.memory_space<hbm>> -> memref<64x80xi32, #tpu.memory_space<hbm>>
      %dma_start3A_206 = arith.constant 0 : i32
      %dma_start3A_207 = arith.constant 0 : i32
      %dma_start3A_208 = tpu.memref_slice %arg4[%add3A, %dma_start3A_206, %dma_start3A_207] : memref<32x128x80xi32, #tpu.memory_space<hbm>> -> memref<1x64x80xi32, #tpu.memory_space<hbm>>
      %dma_start3A_209 = tpu.memref_squeeze %dma_start3A_208 : memref<1x64x80xi32, #tpu.memory_space<hbm>> -> memref<64x80xi32, #tpu.memory_space<hbm>>
      tpu.enqueue_dma source(%dma_start3A_209 : memref<64x80xi32, #tpu.memory_space<hbm>>) target(%arg7 : memref<64x80xi32, #tpu.memory_space<vmem>>) target_semaphore(%run_scoped3A_201 : memref<!tpu.dma_semaphore, #tpu.memory_space<semaphore_mem>>)
      %dma_wait3A_210 = arith.constant 0 : i32
      %dma_wait3A_211 = arith.constant 0 : i32
      %dma_wait3A_212 = tpu.memref_slice %arg4[%add3A, %dma_wait3A_210, %dma_wait3A_211] : memref<32x128x80xi32, #tpu.memory_space<hbm>> -> memref<1x64x80xi32, #tpu.memory_space<hbm>>
      %dma_wait3A_213 = tpu.memref_squeeze %dma_wait3A_212 : memref<1x64x80xi32, #tpu.memory_space<hbm>> -> memref<64x80xi32, #tpu.memory_space<hbm>>
      %dma_wait3A_214 = arith.constant 0 : i32
      %dma_wait3A_215 = arith.constant 0 : i32
      %dma_wait3A_216 = tpu.memref_slice %arg4[%add3A, %dma_wait3A_214, %dma_wait3A_215] : memref<32x128x80xi32, #tpu.memory_space<hbm>> -> memref<1x64x80xi32, #tpu.memory_space<hbm>>
      %dma_wait3A_217 = tpu.memref_squeeze %dma_wait3A_216 : memref<1x64x80xi32, #tpu.memory_space<hbm>> -> memref<64x80xi32, #tpu.memory_space<hbm>>
      tpu.wait_dma2 semaphore(%run_scoped3A_201 : memref<!tpu.dma_semaphore, #tpu.memory_space<semaphore_mem>>) src(%dma_wait3A_217 : memref<64x80xi32, #tpu.memory_space<hbm>>) dst(%arg7 : memref<64x80xi32, #tpu.memory_space<vmem>>)
      tpu.yield
    }) : () -> ()
    %dma_start3A = arith.constant 0 : i32
    %dma_start3A_85 = arith.constant 0 : i32
    %dma_start3A_86 = arith.constant 0 : i32
    %dma_start3A_87 = arith.constant 0 : i32
    %dma_start3A_88 = tpu.memref_slice %arg8[%dma_start3A_85, %dma_start3A_86, %dma_start3A_87] : memref<2x80x128xf32, #tpu.memory_space<vmem>> -> memref<1x80x128xf32, #tpu.memory_space<vmem>>
    %dma_start3A_89 = tpu.memref_squeeze %dma_start3A_88 : memref<1x80x128xf32, #tpu.memory_space<vmem>> -> memref<80x128xf32, #tpu.memory_space<vmem>>
    %dma_start3A_90 = arith.constant 0 : i32
    %dma_start3A_91 = tpu.memref_slice %arg6[%dma_start3A, %dma_start3A_90] : memref<64x80xi32, #tpu.memory_space<vmem>> -> memref<1x80xi32, #tpu.memory_space<vmem>>
    %dma_start3A_92 = tpu.memref_squeeze %dma_start3A_91 : memref<1x80xi32, #tpu.memory_space<vmem>> -> memref<80xi32, #tpu.memory_space<vmem>>
    %dma_start3A_93 = arith.constant 0 : i32
    %dma_start3A_94 = arith.constant 0 : i32
    %dma_start3A_95 = tpu.memref_slice %arg2[%dma_start3A_93, %dma_start3A_94] : memref<10000x128xf32, #tpu.memory_space<hbm>> -> memref<10000x128xf32, #tpu.memory_space<hbm>>
    tpu.enqueue_indirect_dma source(%dma_start3A_95 : memref<10000x128xf32, #tpu.memory_space<hbm>>) target(%dma_start3A_89 : memref<80x128xf32, #tpu.memory_space<vmem>>) offsets(%dma_start3A_92 : memref<80xi32, #tpu.memory_space<vmem>>) semaphore(%arg11 : memref<!tpu.dma_semaphore, #tpu.memory_space<semaphore_mem>>)
    %dma_start3A_96 = arith.constant 1 : i32
    %dma_start3A_97 = arith.constant 1 : i32
    %dma_start3A_98 = arith.constant 0 : i32
    %dma_start3A_99 = arith.constant 0 : i32
    %dma_start3A_100 = tpu.memref_slice %arg8[%dma_start3A_97, %dma_start3A_98, %dma_start3A_99] : memref<2x80x128xf32, #tpu.memory_space<vmem>> -> memref<1x80x128xf32, #tpu.memory_space<vmem>>
    %dma_start3A_101 = tpu.memref_squeeze %dma_start3A_100 : memref<1x80x128xf32, #tpu.memory_space<vmem>> -> memref<80x128xf32, #tpu.memory_space<vmem>>
    %dma_start3A_102 = arith.constant 0 : i32
    %dma_start3A_103 = tpu.memref_slice %arg6[%dma_start3A_96, %dma_start3A_102] : memref<64x80xi32, #tpu.memory_space<vmem>> -> memref<1x80xi32, #tpu.memory_space<vmem>>
    %dma_start3A_104 = tpu.memref_squeeze %dma_start3A_103 : memref<1x80xi32, #tpu.memory_space<vmem>> -> memref<80xi32, #tpu.memory_space<vmem>>
    %dma_start3A_105 = arith.constant 0 : i32
    %dma_start3A_106 = arith.constant 0 : i32
    %dma_start3A_107 = tpu.memref_slice %arg2[%dma_start3A_105, %dma_start3A_106] : memref<10000x128xf32, #tpu.memory_space<hbm>> -> memref<10000x128xf32, #tpu.memory_space<hbm>>
    tpu.enqueue_indirect_dma source(%dma_start3A_107 : memref<10000x128xf32, #tpu.memory_space<hbm>>) target(%dma_start3A_101 : memref<80x128xf32, #tpu.memory_space<vmem>>) offsets(%dma_start3A_104 : memref<80xi32, #tpu.memory_space<vmem>>) semaphore(%arg12 : memref<!tpu.dma_semaphore, #tpu.memory_space<semaphore_mem>>)
    %scan3A_108 = arith.constant 0 : i32
    %scan3A_109 = arith.constant 31 : i32
    %scan3A_110 = arith.addi %scan3A_108, %scan3A_109 : i32
    %scan3A_111 = arith.constant 1 : i32
    scf.for %scan3A_201 = %scan3A_108 to %scan3A_110 step %scan3A_111  : i32 {
      %mul3A_202 = arith.constant 1 : i32
      %mul3A_203 = arith.muli %scan3A_201, %mul3A_202 : i32
      %add3A_204 = arith.constant 0 : i32
      %add3A_205 = arith.addi %add3A_204, %mul3A_203 : i32
      %mul3A_206 = arith.constant 2 : i32
      %mul3A_207 = arith.muli %mul3A_206, %add3A_205 : i32
      %add3A_208 = arith.constant 0 : i32
      %add3A_209 = arith.addi %mul3A_207, %add3A_208 : i32
      %dma_wait3A_210 = arith.constant 0 : i32
      %dma_wait3A_211 = arith.constant 0 : i32
      %dma_wait3A_212 = arith.constant 0 : i32
      %dma_wait3A_213 = tpu.memref_slice %arg8[%dma_wait3A_210, %dma_wait3A_211, %dma_wait3A_212] : memref<2x80x128xf32, #tpu.memory_space<vmem>> -> memref<1x80x128xf32, #tpu.memory_space<vmem>>
      %dma_wait3A_214 = tpu.memref_squeeze %dma_wait3A_213 : memref<1x80x128xf32, #tpu.memory_space<vmem>> -> memref<80x128xf32, #tpu.memory_space<vmem>>
      %dma_wait3A_215 = arith.constant 0 : i32
      %dma_wait3A_216 = tpu.memref_slice %arg6[%add3A_209, %dma_wait3A_215] : memref<64x80xi32, #tpu.memory_space<vmem>> -> memref<1x80xi32, #tpu.memory_space<vmem>>
      %dma_wait3A_217 = tpu.memref_squeeze %dma_wait3A_216 : memref<1x80xi32, #tpu.memory_space<vmem>> -> memref<80xi32, #tpu.memory_space<vmem>>
      %dma_wait3A_218 = arith.constant 0 : i32
      %dma_wait3A_219 = arith.constant 0 : i32
      %dma_wait3A_220 = tpu.memref_slice %arg2[%dma_wait3A_218, %dma_wait3A_219] : memref<10000x128xf32, #tpu.memory_space<hbm>> -> memref<10000x128xf32, #tpu.memory_space<hbm>>
      tpu.wait_indirect_dma semaphore(%arg11 : memref<!tpu.dma_semaphore, #tpu.memory_space<semaphore_mem>>) src(%dma_wait3A_220 : memref<10000x128xf32, #tpu.memory_space<hbm>>) dst(%dma_wait3A_214 : memref<80x128xf32, #tpu.memory_space<vmem>>)
      %run_scoped3A_221 = arith.constant 0 : i32
      "tpu.region"() ({
        %run_scoped3A_264 = tpu.sem_alloc : memref<!tpu.dma_semaphore, #tpu.memory_space<semaphore_mem>>
        %dma_start3A_265 = arith.constant 0 : i32
        %dma_start3A_266 = arith.constant 0 : i32
        %dma_start3A_267 = tpu.memref_slice %arg8[%run_scoped3A_221, %dma_start3A_265, %dma_start3A_266] : memref<2x80x128xf32, #tpu.memory_space<vmem>> -> memref<1x80x128xf32, #tpu.memory_space<vmem>>
        %dma_start3A_268 = tpu.memref_squeeze %dma_start3A_267 : memref<1x80x128xf32, #tpu.memory_space<vmem>> -> memref<80x128xf32, #tpu.memory_space<vmem>>
        %dma_start3A_269 = arith.constant 0 : i32
        %dma_start3A_270 = tpu.memref_slice %arg7[%add3A_209, %dma_start3A_269] : memref<64x80xi32, #tpu.memory_space<vmem>> -> memref<1x80xi32, #tpu.memory_space<vmem>>
        %dma_start3A_271 = tpu.memref_squeeze %dma_start3A_270 : memref<1x80xi32, #tpu.memory_space<vmem>> -> memref<80xi32, #tpu.memory_space<vmem>>
        %dma_start3A_272 = arith.constant 0 : i32
        %dma_start3A_273 = arith.constant 0 : i32
        %dma_start3A_274 = tpu.memref_slice %arg10[%dma_start3A_272, %dma_start3A_273] : memref<10240x128xf32, #tpu.memory_space<vmem_shared>> -> memref<10240x128xf32, #tpu.memory_space<vmem_shared>>
        tpu.enqueue_indirect_dma source(%dma_start3A_268 : memref<80x128xf32, #tpu.memory_space<vmem>>) target(%dma_start3A_274 : memref<10240x128xf32, #tpu.memory_space<vmem_shared>>) offsets(%dma_start3A_271 : memref<80xi32, #tpu.memory_space<vmem>>) semaphore(%run_scoped3A_264 : memref<!tpu.dma_semaphore, #tpu.memory_space<semaphore_mem>>) {add = true}
        %dma_wait3A_275 = arith.constant 0 : i32
        %dma_wait3A_276 = arith.constant 0 : i32
        %dma_wait3A_277 = tpu.memref_slice %arg8[%run_scoped3A_221, %dma_wait3A_275, %dma_wait3A_276] : memref<2x80x128xf32, #tpu.memory_space<vmem>> -> memref<1x80x128xf32, #tpu.memory_space<vmem>>
        %dma_wait3A_278 = tpu.memref_squeeze %dma_wait3A_277 : memref<1x80x128xf32, #tpu.memory_space<vmem>> -> memref<80x128xf32, #tpu.memory_space<vmem>>
        %dma_wait3A_279 = arith.constant 0 : i32
        %dma_wait3A_280 = tpu.memref_slice %arg7[%add3A_209, %dma_wait3A_279] : memref<64x80xi32, #tpu.memory_space<vmem>> -> memref<1x80xi32, #tpu.memory_space<vmem>>
        %dma_wait3A_281 = tpu.memref_squeeze %dma_wait3A_280 : memref<1x80xi32, #tpu.memory_space<vmem>> -> memref<80xi32, #tpu.memory_space<vmem>>
        %dma_wait3A_282 = arith.constant 0 : i32
        %dma_wait3A_283 = arith.constant 0 : i32
        %dma_wait3A_284 = tpu.memref_slice %arg10[%dma_wait3A_282, %dma_wait3A_283] : memref<10240x128xf32, #tpu.memory_space<vmem_shared>> -> memref<10240x128xf32, #tpu.memory_space<vmem_shared>>
        tpu.wait_indirect_dma semaphore(%run_scoped3A_264 : memref<!tpu.dma_semaphore, #tpu.memory_space<semaphore_mem>>) src(%dma_wait3A_278 : memref<80x128xf32, #tpu.memory_space<vmem>>) dst(%dma_wait3A_284 : memref<10240x128xf32, #tpu.memory_space<vmem_shared>>)
        tpu.yield
      }) : () -> ()
      %add3A_222 = arith.constant 2 : i32
      %add3A_223 = arith.addi %add3A_209, %add3A_222 : i32
      %dma_start3A_224 = arith.constant 0 : i32
      %dma_start3A_225 = arith.constant 0 : i32
      %dma_start3A_226 = arith.constant 0 : i32
      %dma_start3A_227 = tpu.memref_slice %arg8[%dma_start3A_224, %dma_start3A_225, %dma_start3A_226] : memref<2x80x128xf32, #tpu.memory_space<vmem>> -> memref<1x80x128xf32, #tpu.memory_space<vmem>>
      %dma_start3A_228 = tpu.memref_squeeze %dma_start3A_227 : memref<1x80x128xf32, #tpu.memory_space<vmem>> -> memref<80x128xf32, #tpu.memory_space<vmem>>
      %dma_start3A_229 = arith.constant 0 : i32
      %dma_start3A_230 = tpu.memref_slice %arg6[%add3A_223, %dma_start3A_229] : memref<64x80xi32, #tpu.memory_space<vmem>> -> memref<1x80xi32, #tpu.memory_space<vmem>>
      %dma_start3A_231 = tpu.memref_squeeze %dma_start3A_230 : memref<1x80xi32, #tpu.memory_space<vmem>> -> memref<80xi32, #tpu.memory_space<vmem>>
      %dma_start3A_232 = arith.constant 0 : i32
      %dma_start3A_233 = arith.constant 0 : i32
      %dma_start3A_234 = tpu.memref_slice %arg2[%dma_start3A_232, %dma_start3A_233] : memref<10000x128xf32, #tpu.memory_space<hbm>> -> memref<10000x128xf32, #tpu.memory_space<hbm>>
      tpu.enqueue_indirect_dma source(%dma_start3A_234 : memref<10000x128xf32, #tpu.memory_space<hbm>>) target(%dma_start3A_228 : memref<80x128xf32, #tpu.memory_space<vmem>>) offsets(%dma_start3A_231 : memref<80xi32, #tpu.memory_space<vmem>>) semaphore(%arg11 : memref<!tpu.dma_semaphore, #tpu.memory_space<semaphore_mem>>)
      %mul3A_235 = arith.constant 2 : i32
      %mul3A_236 = arith.muli %mul3A_235, %add3A_205 : i32
      %add3A_237 = arith.constant 1 : i32
      %add3A_238 = arith.addi %mul3A_236, %add3A_237 : i32
      %dma_wait3A_239 = arith.constant 1 : i32
      %dma_wait3A_240 = arith.constant 0 : i32
      %dma_wait3A_241 = arith.constant 0 : i32
      %dma_wait3A_242 = tpu.memref_slice %arg8[%dma_wait3A_239, %dma_wait3A_240, %dma_wait3A_241] : memref<2x80x128xf32, #tpu.memory_space<vmem>> -> memref<1x80x128xf32, #tpu.memory_space<vmem>>
      %dma_wait3A_243 = tpu.memref_squeeze %dma_wait3A_242 : memref<1x80x128xf32, #tpu.memory_space<vmem>> -> memref<80x128xf32, #tpu.memory_space<vmem>>
      %dma_wait3A_244 = arith.constant 0 : i32
      %dma_wait3A_245 = tpu.memref_slice %arg6[%add3A_238, %dma_wait3A_244] : memref<64x80xi32, #tpu.memory_space<vmem>> -> memref<1x80xi32, #tpu.memory_space<vmem>>
      %dma_wait3A_246 = tpu.memref_squeeze %dma_wait3A_245 : memref<1x80xi32, #tpu.memory_space<vmem>> -> memref<80xi32, #tpu.memory_space<vmem>>
      %dma_wait3A_247 = arith.constant 0 : i32
      %dma_wait3A_248 = arith.constant 0 : i32
      %dma_wait3A_249 = tpu.memref_slice %arg2[%dma_wait3A_247, %dma_wait3A_248] : memref<10000x128xf32, #tpu.memory_space<hbm>> -> memref<10000x128xf32, #tpu.memory_space<hbm>>
      tpu.wait_indirect_dma semaphore(%arg12 : memref<!tpu.dma_semaphore, #tpu.memory_space<semaphore_mem>>) src(%dma_wait3A_249 : memref<10000x128xf32, #tpu.memory_space<hbm>>) dst(%dma_wait3A_243 : memref<80x128xf32, #tpu.memory_space<vmem>>)
      %run_scoped3A_250 = arith.constant 1 : i32
      "tpu.region"() ({
        %run_scoped3A_264 = tpu.sem_alloc : memref<!tpu.dma_semaphore, #tpu.memory_space<semaphore_mem>>
        %dma_start3A_265 = arith.constant 0 : i32
        %dma_start3A_266 = arith.constant 0 : i32
        %dma_start3A_267 = tpu.memref_slice %arg8[%run_scoped3A_250, %dma_start3A_265, %dma_start3A_266] : memref<2x80x128xf32, #tpu.memory_space<vmem>> -> memref<1x80x128xf32, #tpu.memory_space<vmem>>
        %dma_start3A_268 = tpu.memref_squeeze %dma_start3A_267 : memref<1x80x128xf32, #tpu.memory_space<vmem>> -> memref<80x128xf32, #tpu.memory_space<vmem>>
        %dma_start3A_269 = arith.constant 0 : i32
        %dma_start3A_270 = tpu.memref_slice %arg7[%add3A_238, %dma_start3A_269] : memref<64x80xi32, #tpu.memory_space<vmem>> -> memref<1x80xi32, #tpu.memory_space<vmem>>
        %dma_start3A_271 = tpu.memref_squeeze %dma_start3A_270 : memref<1x80xi32, #tpu.memory_space<vmem>> -> memref<80xi32, #tpu.memory_space<vmem>>
        %dma_start3A_272 = arith.constant 0 : i32
        %dma_start3A_273 = arith.constant 0 : i32
        %dma_start3A_274 = tpu.memref_slice %arg10[%dma_start3A_272, %dma_start3A_273] : memref<10240x128xf32, #tpu.memory_space<vmem_shared>> -> memref<10240x128xf32, #tpu.memory_space<vmem_shared>>
        tpu.enqueue_indirect_dma source(%dma_start3A_268 : memref<80x128xf32, #tpu.memory_space<vmem>>) target(%dma_start3A_274 : memref<10240x128xf32, #tpu.memory_space<vmem_shared>>) offsets(%dma_start3A_271 : memref<80xi32, #tpu.memory_space<vmem>>) semaphore(%run_scoped3A_264 : memref<!tpu.dma_semaphore, #tpu.memory_space<semaphore_mem>>) {add = true}
        %dma_wait3A_275 = arith.constant 0 : i32
        %dma_wait3A_276 = arith.constant 0 : i32
        %dma_wait3A_277 = tpu.memref_slice %arg8[%run_scoped3A_250, %dma_wait3A_275, %dma_wait3A_276] : memref<2x80x128xf32, #tpu.memory_space<vmem>> -> memref<1x80x128xf32, #tpu.memory_space<vmem>>
        %dma_wait3A_278 = tpu.memref_squeeze %dma_wait3A_277 : memref<1x80x128xf32, #tpu.memory_space<vmem>> -> memref<80x128xf32, #tpu.memory_space<vmem>>
        %dma_wait3A_279 = arith.constant 0 : i32
        %dma_wait3A_280 = tpu.memref_slice %arg7[%add3A_238, %dma_wait3A_279] : memref<64x80xi32, #tpu.memory_space<vmem>> -> memref<1x80xi32, #tpu.memory_space<vmem>>
        %dma_wait3A_281 = tpu.memref_squeeze %dma_wait3A_280 : memref<1x80xi32, #tpu.memory_space<vmem>> -> memref<80xi32, #tpu.memory_space<vmem>>
        %dma_wait3A_282 = arith.constant 0 : i32
        %dma_wait3A_283 = arith.constant 0 : i32
        %dma_wait3A_284 = tpu.memref_slice %arg10[%dma_wait3A_282, %dma_wait3A_283] : memref<10240x128xf32, #tpu.memory_space<vmem_shared>> -> memref<10240x128xf32, #tpu.memory_space<vmem_shared>>
        tpu.wait_indirect_dma semaphore(%run_scoped3A_264 : memref<!tpu.dma_semaphore, #tpu.memory_space<semaphore_mem>>) src(%dma_wait3A_278 : memref<80x128xf32, #tpu.memory_space<vmem>>) dst(%dma_wait3A_284 : memref<10240x128xf32, #tpu.memory_space<vmem_shared>>)
        tpu.yield
      }) : () -> ()
      %add3A_251 = arith.constant 2 : i32
      %add3A_252 = arith.addi %add3A_238, %add3A_251 : i32
      %dma_start3A_253 = arith.constant 1 : i32
      %dma_start3A_254 = arith.constant 0 : i32
      %dma_start3A_255 = arith.constant 0 : i32
      %dma_start3A_256 = tpu.memref_slice %arg8[%dma_start3A_253, %dma_start3A_254, %dma_start3A_255] : memref<2x80x128xf32, #tpu.memory_space<vmem>> -> memref<1x80x128xf32, #tpu.memory_space<vmem>>
      %dma_start3A_257 = tpu.memref_squeeze %dma_start3A_256 : memref<1x80x128xf32, #tpu.memory_space<vmem>> -> memref<80x128xf32, #tpu.memory_space<vmem>>
      %dma_start3A_258 = arith.constant 0 : i32
      %dma_start3A_259 = tpu.memref_slice %arg6[%add3A_252, %dma_start3A_258] : memref<64x80xi32, #tpu.memory_space<vmem>> -> memref<1x80xi32, #tpu.memory_space<vmem>>
      %dma_start3A_260 = tpu.memref_squeeze %dma_start3A_259 : memref<1x80xi32, #tpu.memory_space<vmem>> -> memref<80xi32, #tpu.memory_space<vmem>>
      %dma_start3A_261 = arith.constant 0 : i32
      %dma_start3A_262 = arith.constant 0 : i32
      %dma_start3A_263 = tpu.memref_slice %arg2[%dma_start3A_261, %dma_start3A_262] : memref<10000x128xf32, #tpu.memory_space<hbm>> -> memref<10000x128xf32, #tpu.memory_space<hbm>>
      tpu.enqueue_indirect_dma source(%dma_start3A_263 : memref<10000x128xf32, #tpu.memory_space<hbm>>) target(%dma_start3A_257 : memref<80x128xf32, #tpu.memory_space<vmem>>) offsets(%dma_start3A_260 : memref<80xi32, #tpu.memory_space<vmem>>) semaphore(%arg12 : memref<!tpu.dma_semaphore, #tpu.memory_space<semaphore_mem>>)
    }
    %scan3A_112 = arith.constant 31 : i32
    %dma_wait3A = arith.constant 62 : i32
    %dma_wait3A_113 = arith.constant 0 : i32
    %dma_wait3A_114 = arith.constant 0 : i32
    %dma_wait3A_115 = arith.constant 0 : i32
    %dma_wait3A_116 = tpu.memref_slice %arg8[%dma_wait3A_113, %dma_wait3A_114, %dma_wait3A_115] : memref<2x80x128xf32, #tpu.memory_space<vmem>> -> memref<1x80x128xf32, #tpu.memory_space<vmem>>
    %dma_wait3A_117 = tpu.memref_squeeze %dma_wait3A_116 : memref<1x80x128xf32, #tpu.memory_space<vmem>> -> memref<80x128xf32, #tpu.memory_space<vmem>>
    %dma_wait3A_118 = arith.constant 0 : i32
    %dma_wait3A_119 = tpu.memref_slice %arg6[%dma_wait3A, %dma_wait3A_118] : memref<64x80xi32, #tpu.memory_space<vmem>> -> memref<1x80xi32, #tpu.memory_space<vmem>>
    %dma_wait3A_120 = tpu.memref_squeeze %dma_wait3A_119 : memref<1x80xi32, #tpu.memory_space<vmem>> -> memref<80xi32, #tpu.memory_space<vmem>>
    %dma_wait3A_121 = arith.constant 0 : i32
    %dma_wait3A_122 = arith.constant 0 : i32
    %dma_wait3A_123 = tpu.memref_slice %arg2[%dma_wait3A_121, %dma_wait3A_122] : memref<10000x128xf32, #tpu.memory_space<hbm>> -> memref<10000x128xf32, #tpu.memory_space<hbm>>
    tpu.wait_indirect_dma semaphore(%arg11 : memref<!tpu.dma_semaphore, #tpu.memory_space<semaphore_mem>>) src(%dma_wait3A_123 : memref<10000x128xf32, #tpu.memory_space<hbm>>) dst(%dma_wait3A_117 : memref<80x128xf32, #tpu.memory_space<vmem>>)
    %run_scoped3A = arith.constant 0 : i32
    %run_scoped3A_124 = arith.constant 62 : i32
    "tpu.region"() ({
      %run_scoped3A_201 = tpu.sem_alloc : memref<!tpu.dma_semaphore, #tpu.memory_space<semaphore_mem>>
      %dma_start3A_202 = arith.constant 0 : i32
      %dma_start3A_203 = arith.constant 0 : i32
      %dma_start3A_204 = tpu.memref_slice %arg8[%run_scoped3A, %dma_start3A_202, %dma_start3A_203] : memref<2x80x128xf32, #tpu.memory_space<vmem>> -> memref<1x80x128xf32, #tpu.memory_space<vmem>>
      %dma_start3A_205 = tpu.memref_squeeze %dma_start3A_204 : memref<1x80x128xf32, #tpu.memory_space<vmem>> -> memref<80x128xf32, #tpu.memory_space<vmem>>
      %dma_start3A_206 = arith.constant 0 : i32
      %dma_start3A_207 = tpu.memref_slice %arg7[%run_scoped3A_124, %dma_start3A_206] : memref<64x80xi32, #tpu.memory_space<vmem>> -> memref<1x80xi32, #tpu.memory_space<vmem>>
      %dma_start3A_208 = tpu.memref_squeeze %dma_start3A_207 : memref<1x80xi32, #tpu.memory_space<vmem>> -> memref<80xi32, #tpu.memory_space<vmem>>
      %dma_start3A_209 = arith.constant 0 : i32
      %dma_start3A_210 = arith.constant 0 : i32
      %dma_start3A_211 = tpu.memref_slice %arg10[%dma_start3A_209, %dma_start3A_210] : memref<10240x128xf32, #tpu.memory_space<vmem_shared>> -> memref<10240x128xf32, #tpu.memory_space<vmem_shared>>
      tpu.enqueue_indirect_dma source(%dma_start3A_205 : memref<80x128xf32, #tpu.memory_space<vmem>>) target(%dma_start3A_211 : memref<10240x128xf32, #tpu.memory_space<vmem_shared>>) offsets(%dma_start3A_208 : memref<80xi32, #tpu.memory_space<vmem>>) semaphore(%run_scoped3A_201 : memref<!tpu.dma_semaphore, #tpu.memory_space<semaphore_mem>>) {add = true}
      %dma_wait3A_212 = arith.constant 0 : i32
      %dma_wait3A_213 = arith.constant 0 : i32
      %dma_wait3A_214 = tpu.memref_slice %arg8[%run_scoped3A, %dma_wait3A_212, %dma_wait3A_213] : memref<2x80x128xf32, #tpu.memory_space<vmem>> -> memref<1x80x128xf32, #tpu.memory_space<vmem>>
      %dma_wait3A_215 = tpu.memref_squeeze %dma_wait3A_214 : memref<1x80x128xf32, #tpu.memory_space<vmem>> -> memref<80x128xf32, #tpu.memory_space<vmem>>
      %dma_wait3A_216 = arith.constant 0 : i32
      %dma_wait3A_217 = tpu.memref_slice %arg7[%run_scoped3A_124, %dma_wait3A_216] : memref<64x80xi32, #tpu.memory_space<vmem>> -> memref<1x80xi32, #tpu.memory_space<vmem>>
      %dma_wait3A_218 = tpu.memref_squeeze %dma_wait3A_217 : memref<1x80xi32, #tpu.memory_space<vmem>> -> memref<80xi32, #tpu.memory_space<vmem>>
      %dma_wait3A_219 = arith.constant 0 : i32
      %dma_wait3A_220 = arith.constant 0 : i32
      %dma_wait3A_221 = tpu.memref_slice %arg10[%dma_wait3A_219, %dma_wait3A_220] : memref<10240x128xf32, #tpu.memory_space<vmem_shared>> -> memref<10240x128xf32, #tpu.memory_space<vmem_shared>>
      tpu.wait_indirect_dma semaphore(%run_scoped3A_201 : memref<!tpu.dma_semaphore, #tpu.memory_space<semaphore_mem>>) src(%dma_wait3A_215 : memref<80x128xf32, #tpu.memory_space<vmem>>) dst(%dma_wait3A_221 : memref<10240x128xf32, #tpu.memory_space<vmem_shared>>)
      tpu.yield
    }) : () -> ()
    %dma_wait3A_125 = arith.constant 63 : i32
    %dma_wait3A_126 = arith.constant 1 : i32
    %dma_wait3A_127 = arith.constant 0 : i32
    %dma_wait3A_128 = arith.constant 0 : i32
    %dma_wait3A_129 = tpu.memref_slice %arg8[%dma_wait3A_126, %dma_wait3A_127, %dma_wait3A_128] : memref<2x80x128xf32, #tpu.memory_space<vmem>> -> memref<1x80x128xf32, #tpu.memory_space<vmem>>
    %dma_wait3A_130 = tpu.memref_squeeze %dma_wait3A_129 : memref<1x80x128xf32, #tpu.memory_space<vmem>> -> memref<80x128xf32, #tpu.memory_space<vmem>>
    %dma_wait3A_131 = arith.constant 0 : i32
    %dma_wait3A_132 = tpu.memref_slice %arg6[%dma_wait3A_125, %dma_wait3A_131] : memref<64x80xi32, #tpu.memory_space<vmem>> -> memref<1x80xi32, #tpu.memory_space<vmem>>
    %dma_wait3A_133 = tpu.memref_squeeze %dma_wait3A_132 : memref<1x80xi32, #tpu.memory_space<vmem>> -> memref<80xi32, #tpu.memory_space<vmem>>
    %dma_wait3A_134 = arith.constant 0 : i32
    %dma_wait3A_135 = arith.constant 0 : i32
    %dma_wait3A_136 = tpu.memref_slice %arg2[%dma_wait3A_134, %dma_wait3A_135] : memref<10000x128xf32, #tpu.memory_space<hbm>> -> memref<10000x128xf32, #tpu.memory_space<hbm>>
    tpu.wait_indirect_dma semaphore(%arg12 : memref<!tpu.dma_semaphore, #tpu.memory_space<semaphore_mem>>) src(%dma_wait3A_136 : memref<10000x128xf32, #tpu.memory_space<hbm>>) dst(%dma_wait3A_130 : memref<80x128xf32, #tpu.memory_space<vmem>>)
    %run_scoped3A_137 = arith.constant 1 : i32
    %run_scoped3A_138 = arith.constant 63 : i32
    "tpu.region"() ({
      %run_scoped3A_201 = tpu.sem_alloc : memref<!tpu.dma_semaphore, #tpu.memory_space<semaphore_mem>>
      %dma_start3A_202 = arith.constant 0 : i32
      %dma_start3A_203 = arith.constant 0 : i32
      %dma_start3A_204 = tpu.memref_slice %arg8[%run_scoped3A_137, %dma_start3A_202, %dma_start3A_203] : memref<2x80x128xf32, #tpu.memory_space<vmem>> -> memref<1x80x128xf32, #tpu.memory_space<vmem>>
      %dma_start3A_205 = tpu.memref_squeeze %dma_start3A_204 : memref<1x80x128xf32, #tpu.memory_space<vmem>> -> memref<80x128xf32, #tpu.memory_space<vmem>>
      %dma_start3A_206 = arith.constant 0 : i32
      %dma_start3A_207 = tpu.memref_slice %arg7[%run_scoped3A_138, %dma_start3A_206] : memref<64x80xi32, #tpu.memory_space<vmem>> -> memref<1x80xi32, #tpu.memory_space<vmem>>
      %dma_start3A_208 = tpu.memref_squeeze %dma_start3A_207 : memref<1x80xi32, #tpu.memory_space<vmem>> -> memref<80xi32, #tpu.memory_space<vmem>>
      %dma_start3A_209 = arith.constant 0 : i32
      %dma_start3A_210 = arith.constant 0 : i32
      %dma_start3A_211 = tpu.memref_slice %arg10[%dma_start3A_209, %dma_start3A_210] : memref<10240x128xf32, #tpu.memory_space<vmem_shared>> -> memref<10240x128xf32, #tpu.memory_space<vmem_shared>>
      tpu.enqueue_indirect_dma source(%dma_start3A_205 : memref<80x128xf32, #tpu.memory_space<vmem>>) target(%dma_start3A_211 : memref<10240x128xf32, #tpu.memory_space<vmem_shared>>) offsets(%dma_start3A_208 : memref<80xi32, #tpu.memory_space<vmem>>) semaphore(%run_scoped3A_201 : memref<!tpu.dma_semaphore, #tpu.memory_space<semaphore_mem>>) {add = true}
      %dma_wait3A_212 = arith.constant 0 : i32
      %dma_wait3A_213 = arith.constant 0 : i32
      %dma_wait3A_214 = tpu.memref_slice %arg8[%run_scoped3A_137, %dma_wait3A_212, %dma_wait3A_213] : memref<2x80x128xf32, #tpu.memory_space<vmem>> -> memref<1x80x128xf32, #tpu.memory_space<vmem>>
      %dma_wait3A_215 = tpu.memref_squeeze %dma_wait3A_214 : memref<1x80x128xf32, #tpu.memory_space<vmem>> -> memref<80x128xf32, #tpu.memory_space<vmem>>
      %dma_wait3A_216 = arith.constant 0 : i32
      %dma_wait3A_217 = tpu.memref_slice %arg7[%run_scoped3A_138, %dma_wait3A_216] : memref<64x80xi32, #tpu.memory_space<vmem>> -> memref<1x80xi32, #tpu.memory_space<vmem>>
      %dma_wait3A_218 = tpu.memref_squeeze %dma_wait3A_217 : memref<1x80xi32, #tpu.memory_space<vmem>> -> memref<80xi32, #tpu.memory_space<vmem>>
      %dma_wait3A_219 = arith.constant 0 : i32
      %dma_wait3A_220 = arith.constant 0 : i32
      %dma_wait3A_221 = tpu.memref_slice %arg10[%dma_wait3A_219, %dma_wait3A_220] : memref<10240x128xf32, #tpu.memory_space<vmem_shared>> -> memref<10240x128xf32, #tpu.memory_space<vmem_shared>>
      tpu.wait_indirect_dma semaphore(%run_scoped3A_201 : memref<!tpu.dma_semaphore, #tpu.memory_space<semaphore_mem>>) src(%dma_wait3A_215 : memref<80x128xf32, #tpu.memory_space<vmem>>) dst(%dma_wait3A_221 : memref<10240x128xf32, #tpu.memory_space<vmem_shared>>)
      tpu.yield
    }) : () -> ()
    "tpu.region"() ({
      %run_scoped3A_201 = tpu.sem_alloc : memref<!tpu.dma_semaphore, #tpu.memory_space<semaphore_mem>>
      %dma_start3A_202 = arith.constant 64 : i32
      %dma_start3A_203 = arith.constant 0 : i32
      %dma_start3A_204 = tpu.memref_slice %arg3[%add3A, %dma_start3A_202, %dma_start3A_203] : memref<32x128x80xi32, #tpu.memory_space<hbm>> -> memref<1x64x80xi32, #tpu.memory_space<hbm>>
      %dma_start3A_205 = tpu.memref_squeeze %dma_start3A_204 : memref<1x64x80xi32, #tpu.memory_space<hbm>> -> memref<64x80xi32, #tpu.memory_space<hbm>>
      %dma_start3A_206 = arith.constant 64 : i32
      %dma_start3A_207 = arith.constant 0 : i32
      %dma_start3A_208 = tpu.memref_slice %arg3[%add3A, %dma_start3A_206, %dma_start3A_207] : memref<32x128x80xi32, #tpu.memory_space<hbm>> -> memref<1x64x80xi32, #tpu.memory_space<hbm>>
      %dma_start3A_209 = tpu.memref_squeeze %dma_start3A_208 : memref<1x64x80xi32, #tpu.memory_space<hbm>> -> memref<64x80xi32, #tpu.memory_space<hbm>>
      tpu.enqueue_dma source(%dma_start3A_209 : memref<64x80xi32, #tpu.memory_space<hbm>>) target(%arg6 : memref<64x80xi32, #tpu.memory_space<vmem>>) target_semaphore(%run_scoped3A_201 : memref<!tpu.dma_semaphore, #tpu.memory_space<semaphore_mem>>)
      %dma_wait3A_210 = arith.constant 64 : i32
      %dma_wait3A_211 = arith.constant 0 : i32
      %dma_wait3A_212 = tpu.memref_slice %arg3[%add3A, %dma_wait3A_210, %dma_wait3A_211] : memref<32x128x80xi32, #tpu.memory_space<hbm>> -> memref<1x64x80xi32, #tpu.memory_space<hbm>>
      %dma_wait3A_213 = tpu.memref_squeeze %dma_wait3A_212 : memref<1x64x80xi32, #tpu.memory_space<hbm>> -> memref<64x80xi32, #tpu.memory_space<hbm>>
      %dma_wait3A_214 = arith.constant 64 : i32
      %dma_wait3A_215 = arith.constant 0 : i32
      %dma_wait3A_216 = tpu.memref_slice %arg3[%add3A, %dma_wait3A_214, %dma_wait3A_215] : memref<32x128x80xi32, #tpu.memory_space<hbm>> -> memref<1x64x80xi32, #tpu.memory_space<hbm>>
      %dma_wait3A_217 = tpu.memref_squeeze %dma_wait3A_216 : memref<1x64x80xi32, #tpu.memory_space<hbm>> -> memref<64x80xi32, #tpu.memory_space<hbm>>
      tpu.wait_dma2 semaphore(%run_scoped3A_201 : memref<!tpu.dma_semaphore, #tpu.memory_space<semaphore_mem>>) src(%dma_wait3A_217 : memref<64x80xi32, #tpu.memory_space<hbm>>) dst(%arg6 : memref<64x80xi32, #tpu.memory_space<vmem>>)
      tpu.yield
    }) : () -> ()
    "tpu.region"() ({
      %run_scoped3A_201 = tpu.sem_alloc : memref<!tpu.dma_semaphore, #tpu.memory_space<semaphore_mem>>
      %dma_start3A_202 = arith.constant 64 : i32
      %dma_start3A_203 = arith.constant 0 : i32
      %dma_start3A_204 = tpu.memref_slice %arg4[%add3A, %dma_start3A_202, %dma_start3A_203] : memref<32x128x80xi32, #tpu.memory_space<hbm>> -> memref<1x64x80xi32, #tpu.memory_space<hbm>>
      %dma_start3A_205 = tpu.memref_squeeze %dma_start3A_204 : memref<1x64x80xi32, #tpu.memory_space<hbm>> -> memref<64x80xi32, #tpu.memory_space<hbm>>
      %dma_start3A_206 = arith.constant 64 : i32
      %dma_start3A_207 = arith.constant 0 : i32
      %dma_start3A_208 = tpu.memref_slice %arg4[%add3A, %dma_start3A_206, %dma_start3A_207] : memref<32x128x80xi32, #tpu.memory_space<hbm>> -> memref<1x64x80xi32, #tpu.memory_space<hbm>>
      %dma_start3A_209 = tpu.memref_squeeze %dma_start3A_208 : memref<1x64x80xi32, #tpu.memory_space<hbm>> -> memref<64x80xi32, #tpu.memory_space<hbm>>
      tpu.enqueue_dma source(%dma_start3A_209 : memref<64x80xi32, #tpu.memory_space<hbm>>) target(%arg7 : memref<64x80xi32, #tpu.memory_space<vmem>>) target_semaphore(%run_scoped3A_201 : memref<!tpu.dma_semaphore, #tpu.memory_space<semaphore_mem>>)
      %dma_wait3A_210 = arith.constant 64 : i32
      %dma_wait3A_211 = arith.constant 0 : i32
      %dma_wait3A_212 = tpu.memref_slice %arg4[%add3A, %dma_wait3A_210, %dma_wait3A_211] : memref<32x128x80xi32, #tpu.memory_space<hbm>> -> memref<1x64x80xi32, #tpu.memory_space<hbm>>
      %dma_wait3A_213 = tpu.memref_squeeze %dma_wait3A_212 : memref<1x64x80xi32, #tpu.memory_space<hbm>> -> memref<64x80xi32, #tpu.memory_space<hbm>>
      %dma_wait3A_214 = arith.constant 64 : i32
      %dma_wait3A_215 = arith.constant 0 : i32
      %dma_wait3A_216 = tpu.memref_slice %arg4[%add3A, %dma_wait3A_214, %dma_wait3A_215] : memref<32x128x80xi32, #tpu.memory_space<hbm>> -> memref<1x64x80xi32, #tpu.memory_space<hbm>>
      %dma_wait3A_217 = tpu.memref_squeeze %dma_wait3A_216 : memref<1x64x80xi32, #tpu.memory_space<hbm>> -> memref<64x80xi32, #tpu.memory_space<hbm>>
      tpu.wait_dma2 semaphore(%run_scoped3A_201 : memref<!tpu.dma_semaphore, #tpu.memory_space<semaphore_mem>>) src(%dma_wait3A_217 : memref<64x80xi32, #tpu.memory_space<hbm>>) dst(%arg7 : memref<64x80xi32, #tpu.memory_space<vmem>>)
      tpu.yield
    }) : () -> ()
    %dma_start3A_139 = arith.constant 0 : i32
    %dma_start3A_140 = arith.constant 0 : i32
    %dma_start3A_141 = arith.constant 0 : i32
    %dma_start3A_142 = arith.constant 0 : i32
    %dma_start3A_143 = tpu.memref_slice %arg8[%dma_start3A_140, %dma_start3A_141, %dma_start3A_142] : memref<2x80x128xf32, #tpu.memory_space<vmem>> -> memref<1x80x128xf32, #tpu.memory_space<vmem>>
    %dma_start3A_144 = tpu.memref_squeeze %dma_start3A_143 : memref<1x80x128xf32, #tpu.memory_space<vmem>> -> memref<80x128xf32, #tpu.memory_space<vmem>>
    %dma_start3A_145 = arith.constant 0 : i32
    %dma_start3A_146 = tpu.memref_slice %arg6[%dma_start3A_139, %dma_start3A_145] : memref<64x80xi32, #tpu.memory_space<vmem>> -> memref<1x80xi32, #tpu.memory_space<vmem>>
    %dma_start3A_147 = tpu.memref_squeeze %dma_start3A_146 : memref<1x80xi32, #tpu.memory_space<vmem>> -> memref<80xi32, #tpu.memory_space<vmem>>
    %dma_start3A_148 = arith.constant 0 : i32
    %dma_start3A_149 = arith.constant 0 : i32
    %dma_start3A_150 = tpu.memref_slice %arg2[%dma_start3A_148, %dma_start3A_149] : memref<10000x128xf32, #tpu.memory_space<hbm>> -> memref<10000x128xf32, #tpu.memory_space<hbm>>
    tpu.enqueue_indirect_dma source(%dma_start3A_150 : memref<10000x128xf32, #tpu.memory_space<hbm>>) target(%dma_start3A_144 : memref<80x128xf32, #tpu.memory_space<vmem>>) offsets(%dma_start3A_147 : memref<80xi32, #tpu.memory_space<vmem>>) semaphore(%arg11 : memref<!tpu.dma_semaphore, #tpu.memory_space<semaphore_mem>>)
    %dma_start3A_151 = arith.constant 1 : i32
    %dma_start3A_152 = arith.constant 1 : i32
    %dma_start3A_153 = arith.constant 0 : i32
    %dma_start3A_154 = arith.constant 0 : i32
    %dma_start3A_155 = tpu.memref_slice %arg8[%dma_start3A_152, %dma_start3A_153, %dma_start3A_154] : memref<2x80x128xf32, #tpu.memory_space<vmem>> -> memref<1x80x128xf32, #tpu.memory_space<vmem>>
    %dma_start3A_156 = tpu.memref_squeeze %dma_start3A_155 : memref<1x80x128xf32, #tpu.memory_space<vmem>> -> memref<80x128xf32, #tpu.memory_space<vmem>>
    %dma_start3A_157 = arith.constant 0 : i32
    %dma_start3A_158 = tpu.memref_slice %arg6[%dma_start3A_151, %dma_start3A_157] : memref<64x80xi32, #tpu.memory_space<vmem>> -> memref<1x80xi32, #tpu.memory_space<vmem>>
    %dma_start3A_159 = tpu.memref_squeeze %dma_start3A_158 : memref<1x80xi32, #tpu.memory_space<vmem>> -> memref<80xi32, #tpu.memory_space<vmem>>
    %dma_start3A_160 = arith.constant 0 : i32
    %dma_start3A_161 = arith.constant 0 : i32
    %dma_start3A_162 = tpu.memref_slice %arg2[%dma_start3A_160, %dma_start3A_161] : memref<10000x128xf32, #tpu.memory_space<hbm>> -> memref<10000x128xf32, #tpu.memory_space<hbm>>
    tpu.enqueue_indirect_dma source(%dma_start3A_162 : memref<10000x128xf32, #tpu.memory_space<hbm>>) target(%dma_start3A_156 : memref<80x128xf32, #tpu.memory_space<vmem>>) offsets(%dma_start3A_159 : memref<80xi32, #tpu.memory_space<vmem>>) semaphore(%arg12 : memref<!tpu.dma_semaphore, #tpu.memory_space<semaphore_mem>>)
    %scan3A_163 = arith.constant 0 : i32
    %scan3A_164 = arith.constant 31 : i32
    %scan3A_165 = arith.addi %scan3A_163, %scan3A_164 : i32
    %scan3A_166 = arith.constant 1 : i32
    scf.for %scan3A_201 = %scan3A_163 to %scan3A_165 step %scan3A_166  : i32 {
      %mul3A_202 = arith.constant 1 : i32
      %mul3A_203 = arith.muli %scan3A_201, %mul3A_202 : i32
      %add3A_204 = arith.constant 0 : i32
      %add3A_205 = arith.addi %add3A_204, %mul3A_203 : i32
      %mul3A_206 = arith.constant 2 : i32
      %mul3A_207 = arith.muli %mul3A_206, %add3A_205 : i32
      %add3A_208 = arith.constant 0 : i32
      %add3A_209 = arith.addi %mul3A_207, %add3A_208 : i32
      %dma_wait3A_210 = arith.constant 0 : i32
      %dma_wait3A_211 = arith.constant 0 : i32
      %dma_wait3A_212 = arith.constant 0 : i32
      %dma_wait3A_213 = tpu.memref_slice %arg8[%dma_wait3A_210, %dma_wait3A_211, %dma_wait3A_212] : memref<2x80x128xf32, #tpu.memory_space<vmem>> -> memref<1x80x128xf32, #tpu.memory_space<vmem>>
      %dma_wait3A_214 = tpu.memref_squeeze %dma_wait3A_213 : memref<1x80x128xf32, #tpu.memory_space<vmem>> -> memref<80x128xf32, #tpu.memory_space<vmem>>
      %dma_wait3A_215 = arith.constant 0 : i32
      %dma_wait3A_216 = tpu.memref_slice %arg6[%add3A_209, %dma_wait3A_215] : memref<64x80xi32, #tpu.memory_space<vmem>> -> memref<1x80xi32, #tpu.memory_space<vmem>>
      %dma_wait3A_217 = tpu.memref_squeeze %dma_wait3A_216 : memref<1x80xi32, #tpu.memory_space<vmem>> -> memref<80xi32, #tpu.memory_space<vmem>>
      %dma_wait3A_218 = arith.constant 0 : i32
      %dma_wait3A_219 = arith.constant 0 : i32
      %dma_wait3A_220 = tpu.memref_slice %arg2[%dma_wait3A_218, %dma_wait3A_219] : memref<10000x128xf32, #tpu.memory_space<hbm>> -> memref<10000x128xf32, #tpu.memory_space<hbm>>
      tpu.wait_indirect_dma semaphore(%arg11 : memref<!tpu.dma_semaphore, #tpu.memory_space<semaphore_mem>>) src(%dma_wait3A_220 : memref<10000x128xf32, #tpu.memory_space<hbm>>) dst(%dma_wait3A_214 : memref<80x128xf32, #tpu.memory_space<vmem>>)
      %run_scoped3A_221 = arith.constant 0 : i32
      "tpu.region"() ({
        %run_scoped3A_264 = tpu.sem_alloc : memref<!tpu.dma_semaphore, #tpu.memory_space<semaphore_mem>>
        %dma_start3A_265 = arith.constant 0 : i32
        %dma_start3A_266 = arith.constant 0 : i32
        %dma_start3A_267 = tpu.memref_slice %arg8[%run_scoped3A_221, %dma_start3A_265, %dma_start3A_266] : memref<2x80x128xf32, #tpu.memory_space<vmem>> -> memref<1x80x128xf32, #tpu.memory_space<vmem>>
        %dma_start3A_268 = tpu.memref_squeeze %dma_start3A_267 : memref<1x80x128xf32, #tpu.memory_space<vmem>> -> memref<80x128xf32, #tpu.memory_space<vmem>>
        %dma_start3A_269 = arith.constant 0 : i32
        %dma_start3A_270 = tpu.memref_slice %arg7[%add3A_209, %dma_start3A_269] : memref<64x80xi32, #tpu.memory_space<vmem>> -> memref<1x80xi32, #tpu.memory_space<vmem>>
        %dma_start3A_271 = tpu.memref_squeeze %dma_start3A_270 : memref<1x80xi32, #tpu.memory_space<vmem>> -> memref<80xi32, #tpu.memory_space<vmem>>
        %dma_start3A_272 = arith.constant 0 : i32
        %dma_start3A_273 = arith.constant 0 : i32
        %dma_start3A_274 = tpu.memref_slice %arg10[%dma_start3A_272, %dma_start3A_273] : memref<10240x128xf32, #tpu.memory_space<vmem_shared>> -> memref<10240x128xf32, #tpu.memory_space<vmem_shared>>
        tpu.enqueue_indirect_dma source(%dma_start3A_268 : memref<80x128xf32, #tpu.memory_space<vmem>>) target(%dma_start3A_274 : memref<10240x128xf32, #tpu.memory_space<vmem_shared>>) offsets(%dma_start3A_271 : memref<80xi32, #tpu.memory_space<vmem>>) semaphore(%run_scoped3A_264 : memref<!tpu.dma_semaphore, #tpu.memory_space<semaphore_mem>>) {add = true}
        %dma_wait3A_275 = arith.constant 0 : i32
        %dma_wait3A_276 = arith.constant 0 : i32
        %dma_wait3A_277 = tpu.memref_slice %arg8[%run_scoped3A_221, %dma_wait3A_275, %dma_wait3A_276] : memref<2x80x128xf32, #tpu.memory_space<vmem>> -> memref<1x80x128xf32, #tpu.memory_space<vmem>>
        %dma_wait3A_278 = tpu.memref_squeeze %dma_wait3A_277 : memref<1x80x128xf32, #tpu.memory_space<vmem>> -> memref<80x128xf32, #tpu.memory_space<vmem>>
        %dma_wait3A_279 = arith.constant 0 : i32
        %dma_wait3A_280 = tpu.memref_slice %arg7[%add3A_209, %dma_wait3A_279] : memref<64x80xi32, #tpu.memory_space<vmem>> -> memref<1x80xi32, #tpu.memory_space<vmem>>
        %dma_wait3A_281 = tpu.memref_squeeze %dma_wait3A_280 : memref<1x80xi32, #tpu.memory_space<vmem>> -> memref<80xi32, #tpu.memory_space<vmem>>
        %dma_wait3A_282 = arith.constant 0 : i32
        %dma_wait3A_283 = arith.constant 0 : i32
        %dma_wait3A_284 = tpu.memref_slice %arg10[%dma_wait3A_282, %dma_wait3A_283] : memref<10240x128xf32, #tpu.memory_space<vmem_shared>> -> memref<10240x128xf32, #tpu.memory_space<vmem_shared>>
        tpu.wait_indirect_dma semaphore(%run_scoped3A_264 : memref<!tpu.dma_semaphore, #tpu.memory_space<semaphore_mem>>) src(%dma_wait3A_278 : memref<80x128xf32, #tpu.memory_space<vmem>>) dst(%dma_wait3A_284 : memref<10240x128xf32, #tpu.memory_space<vmem_shared>>)
        tpu.yield
      }) : () -> ()
      %add3A_222 = arith.constant 2 : i32
      %add3A_223 = arith.addi %add3A_209, %add3A_222 : i32
      %dma_start3A_224 = arith.constant 0 : i32
      %dma_start3A_225 = arith.constant 0 : i32
      %dma_start3A_226 = arith.constant 0 : i32
      %dma_start3A_227 = tpu.memref_slice %arg8[%dma_start3A_224, %dma_start3A_225, %dma_start3A_226] : memref<2x80x128xf32, #tpu.memory_space<vmem>> -> memref<1x80x128xf32, #tpu.memory_space<vmem>>
      %dma_start3A_228 = tpu.memref_squeeze %dma_start3A_227 : memref<1x80x128xf32, #tpu.memory_space<vmem>> -> memref<80x128xf32, #tpu.memory_space<vmem>>
      %dma_start3A_229 = arith.constant 0 : i32
      %dma_start3A_230 = tpu.memref_slice %arg6[%add3A_223, %dma_start3A_229] : memref<64x80xi32, #tpu.memory_space<vmem>> -> memref<1x80xi32, #tpu.memory_space<vmem>>
      %dma_start3A_231 = tpu.memref_squeeze %dma_start3A_230 : memref<1x80xi32, #tpu.memory_space<vmem>> -> memref<80xi32, #tpu.memory_space<vmem>>
      %dma_start3A_232 = arith.constant 0 : i32
      %dma_start3A_233 = arith.constant 0 : i32
      %dma_start3A_234 = tpu.memref_slice %arg2[%dma_start3A_232, %dma_start3A_233] : memref<10000x128xf32, #tpu.memory_space<hbm>> -> memref<10000x128xf32, #tpu.memory_space<hbm>>
      tpu.enqueue_indirect_dma source(%dma_start3A_234 : memref<10000x128xf32, #tpu.memory_space<hbm>>) target(%dma_start3A_228 : memref<80x128xf32, #tpu.memory_space<vmem>>) offsets(%dma_start3A_231 : memref<80xi32, #tpu.memory_space<vmem>>) semaphore(%arg11 : memref<!tpu.dma_semaphore, #tpu.memory_space<semaphore_mem>>)
      %mul3A_235 = arith.constant 2 : i32
      %mul3A_236 = arith.muli %mul3A_235, %add3A_205 : i32
      %add3A_237 = arith.constant 1 : i32
      %add3A_238 = arith.addi %mul3A_236, %add3A_237 : i32
      %dma_wait3A_239 = arith.constant 1 : i32
      %dma_wait3A_240 = arith.constant 0 : i32
      %dma_wait3A_241 = arith.constant 0 : i32
      %dma_wait3A_242 = tpu.memref_slice %arg8[%dma_wait3A_239, %dma_wait3A_240, %dma_wait3A_241] : memref<2x80x128xf32, #tpu.memory_space<vmem>> -> memref<1x80x128xf32, #tpu.memory_space<vmem>>
      %dma_wait3A_243 = tpu.memref_squeeze %dma_wait3A_242 : memref<1x80x128xf32, #tpu.memory_space<vmem>> -> memref<80x128xf32, #tpu.memory_space<vmem>>
      %dma_wait3A_244 = arith.constant 0 : i32
      %dma_wait3A_245 = tpu.memref_slice %arg6[%add3A_238, %dma_wait3A_244] : memref<64x80xi32, #tpu.memory_space<vmem>> -> memref<1x80xi32, #tpu.memory_space<vmem>>
      %dma_wait3A_246 = tpu.memref_squeeze %dma_wait3A_245 : memref<1x80xi32, #tpu.memory_space<vmem>> -> memref<80xi32, #tpu.memory_space<vmem>>
      %dma_wait3A_247 = arith.constant 0 : i32
      %dma_wait3A_248 = arith.constant 0 : i32
      %dma_wait3A_249 = tpu.memref_slice %arg2[%dma_wait3A_247, %dma_wait3A_248] : memref<10000x128xf32, #tpu.memory_space<hbm>> -> memref<10000x128xf32, #tpu.memory_space<hbm>>
      tpu.wait_indirect_dma semaphore(%arg12 : memref<!tpu.dma_semaphore, #tpu.memory_space<semaphore_mem>>) src(%dma_wait3A_249 : memref<10000x128xf32, #tpu.memory_space<hbm>>) dst(%dma_wait3A_243 : memref<80x128xf32, #tpu.memory_space<vmem>>)
      %run_scoped3A_250 = arith.constant 1 : i32
      "tpu.region"() ({
        %run_scoped3A_264 = tpu.sem_alloc : memref<!tpu.dma_semaphore, #tpu.memory_space<semaphore_mem>>
        %dma_start3A_265 = arith.constant 0 : i32
        %dma_start3A_266 = arith.constant 0 : i32
        %dma_start3A_267 = tpu.memref_slice %arg8[%run_scoped3A_250, %dma_start3A_265, %dma_start3A_266] : memref<2x80x128xf32, #tpu.memory_space<vmem>> -> memref<1x80x128xf32, #tpu.memory_space<vmem>>
        %dma_start3A_268 = tpu.memref_squeeze %dma_start3A_267 : memref<1x80x128xf32, #tpu.memory_space<vmem>> -> memref<80x128xf32, #tpu.memory_space<vmem>>
        %dma_start3A_269 = arith.constant 0 : i32
        %dma_start3A_270 = tpu.memref_slice %arg7[%add3A_238, %dma_start3A_269] : memref<64x80xi32, #tpu.memory_space<vmem>> -> memref<1x80xi32, #tpu.memory_space<vmem>>
        %dma_start3A_271 = tpu.memref_squeeze %dma_start3A_270 : memref<1x80xi32, #tpu.memory_space<vmem>> -> memref<80xi32, #tpu.memory_space<vmem>>
        %dma_start3A_272 = arith.constant 0 : i32
        %dma_start3A_273 = arith.constant 0 : i32
        %dma_start3A_274 = tpu.memref_slice %arg10[%dma_start3A_272, %dma_start3A_273] : memref<10240x128xf32, #tpu.memory_space<vmem_shared>> -> memref<10240x128xf32, #tpu.memory_space<vmem_shared>>
        tpu.enqueue_indirect_dma source(%dma_start3A_268 : memref<80x128xf32, #tpu.memory_space<vmem>>) target(%dma_start3A_274 : memref<10240x128xf32, #tpu.memory_space<vmem_shared>>) offsets(%dma_start3A_271 : memref<80xi32, #tpu.memory_space<vmem>>) semaphore(%run_scoped3A_264 : memref<!tpu.dma_semaphore, #tpu.memory_space<semaphore_mem>>) {add = true}
        %dma_wait3A_275 = arith.constant 0 : i32
        %dma_wait3A_276 = arith.constant 0 : i32
        %dma_wait3A_277 = tpu.memref_slice %arg8[%run_scoped3A_250, %dma_wait3A_275, %dma_wait3A_276] : memref<2x80x128xf32, #tpu.memory_space<vmem>> -> memref<1x80x128xf32, #tpu.memory_space<vmem>>
        %dma_wait3A_278 = tpu.memref_squeeze %dma_wait3A_277 : memref<1x80x128xf32, #tpu.memory_space<vmem>> -> memref<80x128xf32, #tpu.memory_space<vmem>>
        %dma_wait3A_279 = arith.constant 0 : i32
        %dma_wait3A_280 = tpu.memref_slice %arg7[%add3A_238, %dma_wait3A_279] : memref<64x80xi32, #tpu.memory_space<vmem>> -> memref<1x80xi32, #tpu.memory_space<vmem>>
        %dma_wait3A_281 = tpu.memref_squeeze %dma_wait3A_280 : memref<1x80xi32, #tpu.memory_space<vmem>> -> memref<80xi32, #tpu.memory_space<vmem>>
        %dma_wait3A_282 = arith.constant 0 : i32
        %dma_wait3A_283 = arith.constant 0 : i32
        %dma_wait3A_284 = tpu.memref_slice %arg10[%dma_wait3A_282, %dma_wait3A_283] : memref<10240x128xf32, #tpu.memory_space<vmem_shared>> -> memref<10240x128xf32, #tpu.memory_space<vmem_shared>>
        tpu.wait_indirect_dma semaphore(%run_scoped3A_264 : memref<!tpu.dma_semaphore, #tpu.memory_space<semaphore_mem>>) src(%dma_wait3A_278 : memref<80x128xf32, #tpu.memory_space<vmem>>) dst(%dma_wait3A_284 : memref<10240x128xf32, #tpu.memory_space<vmem_shared>>)
        tpu.yield
      }) : () -> ()
      %add3A_251 = arith.constant 2 : i32
      %add3A_252 = arith.addi %add3A_238, %add3A_251 : i32
      %dma_start3A_253 = arith.constant 1 : i32
      %dma_start3A_254 = arith.constant 0 : i32
      %dma_start3A_255 = arith.constant 0 : i32
      %dma_start3A_256 = tpu.memref_slice %arg8[%dma_start3A_253, %dma_start3A_254, %dma_start3A_255] : memref<2x80x128xf32, #tpu.memory_space<vmem>> -> memref<1x80x128xf32, #tpu.memory_space<vmem>>
      %dma_start3A_257 = tpu.memref_squeeze %dma_start3A_256 : memref<1x80x128xf32, #tpu.memory_space<vmem>> -> memref<80x128xf32, #tpu.memory_space<vmem>>
      %dma_start3A_258 = arith.constant 0 : i32
      %dma_start3A_259 = tpu.memref_slice %arg6[%add3A_252, %dma_start3A_258] : memref<64x80xi32, #tpu.memory_space<vmem>> -> memref<1x80xi32, #tpu.memory_space<vmem>>
      %dma_start3A_260 = tpu.memref_squeeze %dma_start3A_259 : memref<1x80xi32, #tpu.memory_space<vmem>> -> memref<80xi32, #tpu.memory_space<vmem>>
      %dma_start3A_261 = arith.constant 0 : i32
      %dma_start3A_262 = arith.constant 0 : i32
      %dma_start3A_263 = tpu.memref_slice %arg2[%dma_start3A_261, %dma_start3A_262] : memref<10000x128xf32, #tpu.memory_space<hbm>> -> memref<10000x128xf32, #tpu.memory_space<hbm>>
      tpu.enqueue_indirect_dma source(%dma_start3A_263 : memref<10000x128xf32, #tpu.memory_space<hbm>>) target(%dma_start3A_257 : memref<80x128xf32, #tpu.memory_space<vmem>>) offsets(%dma_start3A_260 : memref<80xi32, #tpu.memory_space<vmem>>) semaphore(%arg12 : memref<!tpu.dma_semaphore, #tpu.memory_space<semaphore_mem>>)
    }
    %scan3A_167 = arith.constant 31 : i32
    %dma_wait3A_168 = arith.constant 62 : i32
    %dma_wait3A_169 = arith.constant 0 : i32
    %dma_wait3A_170 = arith.constant 0 : i32
    %dma_wait3A_171 = arith.constant 0 : i32
    %dma_wait3A_172 = tpu.memref_slice %arg8[%dma_wait3A_169, %dma_wait3A_170, %dma_wait3A_171] : memref<2x80x128xf32, #tpu.memory_space<vmem>> -> memref<1x80x128xf32, #tpu.memory_space<vmem>>
    %dma_wait3A_173 = tpu.memref_squeeze %dma_wait3A_172 : memref<1x80x128xf32, #tpu.memory_space<vmem>> -> memref<80x128xf32, #tpu.memory_space<vmem>>
    %dma_wait3A_174 = arith.constant 0 : i32
    %dma_wait3A_175 = tpu.memref_slice %arg6[%dma_wait3A_168, %dma_wait3A_174] : memref<64x80xi32, #tpu.memory_space<vmem>> -> memref<1x80xi32, #tpu.memory_space<vmem>>
    %dma_wait3A_176 = tpu.memref_squeeze %dma_wait3A_175 : memref<1x80xi32, #tpu.memory_space<vmem>> -> memref<80xi32, #tpu.memory_space<vmem>>
    %dma_wait3A_177 = arith.constant 0 : i32
    %dma_wait3A_178 = arith.constant 0 : i32
    %dma_wait3A_179 = tpu.memref_slice %arg2[%dma_wait3A_177, %dma_wait3A_178] : memref<10000x128xf32, #tpu.memory_space<hbm>> -> memref<10000x128xf32, #tpu.memory_space<hbm>>
    tpu.wait_indirect_dma semaphore(%arg11 : memref<!tpu.dma_semaphore, #tpu.memory_space<semaphore_mem>>) src(%dma_wait3A_179 : memref<10000x128xf32, #tpu.memory_space<hbm>>) dst(%dma_wait3A_173 : memref<80x128xf32, #tpu.memory_space<vmem>>)
    %run_scoped3A_180 = arith.constant 0 : i32
    %run_scoped3A_181 = arith.constant 62 : i32
    "tpu.region"() ({
      %run_scoped3A_201 = tpu.sem_alloc : memref<!tpu.dma_semaphore, #tpu.memory_space<semaphore_mem>>
      %dma_start3A_202 = arith.constant 0 : i32
      %dma_start3A_203 = arith.constant 0 : i32
      %dma_start3A_204 = tpu.memref_slice %arg8[%run_scoped3A_180, %dma_start3A_202, %dma_start3A_203] : memref<2x80x128xf32, #tpu.memory_space<vmem>> -> memref<1x80x128xf32, #tpu.memory_space<vmem>>
      %dma_start3A_205 = tpu.memref_squeeze %dma_start3A_204 : memref<1x80x128xf32, #tpu.memory_space<vmem>> -> memref<80x128xf32, #tpu.memory_space<vmem>>
      %dma_start3A_206 = arith.constant 0 : i32
      %dma_start3A_207 = tpu.memref_slice %arg7[%run_scoped3A_181, %dma_start3A_206] : memref<64x80xi32, #tpu.memory_space<vmem>> -> memref<1x80xi32, #tpu.memory_space<vmem>>
      %dma_start3A_208 = tpu.memref_squeeze %dma_start3A_207 : memref<1x80xi32, #tpu.memory_space<vmem>> -> memref<80xi32, #tpu.memory_space<vmem>>
      %dma_start3A_209 = arith.constant 0 : i32
      %dma_start3A_210 = arith.constant 0 : i32
      %dma_start3A_211 = tpu.memref_slice %arg10[%dma_start3A_209, %dma_start3A_210] : memref<10240x128xf32, #tpu.memory_space<vmem_shared>> -> memref<10240x128xf32, #tpu.memory_space<vmem_shared>>
      tpu.enqueue_indirect_dma source(%dma_start3A_205 : memref<80x128xf32, #tpu.memory_space<vmem>>) target(%dma_start3A_211 : memref<10240x128xf32, #tpu.memory_space<vmem_shared>>) offsets(%dma_start3A_208 : memref<80xi32, #tpu.memory_space<vmem>>) semaphore(%run_scoped3A_201 : memref<!tpu.dma_semaphore, #tpu.memory_space<semaphore_mem>>) {add = true}
      %dma_wait3A_212 = arith.constant 0 : i32
      %dma_wait3A_213 = arith.constant 0 : i32
      %dma_wait3A_214 = tpu.memref_slice %arg8[%run_scoped3A_180, %dma_wait3A_212, %dma_wait3A_213] : memref<2x80x128xf32, #tpu.memory_space<vmem>> -> memref<1x80x128xf32, #tpu.memory_space<vmem>>
      %dma_wait3A_215 = tpu.memref_squeeze %dma_wait3A_214 : memref<1x80x128xf32, #tpu.memory_space<vmem>> -> memref<80x128xf32, #tpu.memory_space<vmem>>
      %dma_wait3A_216 = arith.constant 0 : i32
      %dma_wait3A_217 = tpu.memref_slice %arg7[%run_scoped3A_181, %dma_wait3A_216] : memref<64x80xi32, #tpu.memory_space<vmem>> -> memref<1x80xi32, #tpu.memory_space<vmem>>
      %dma_wait3A_218 = tpu.memref_squeeze %dma_wait3A_217 : memref<1x80xi32, #tpu.memory_space<vmem>> -> memref<80xi32, #tpu.memory_space<vmem>>
      %dma_wait3A_219 = arith.constant 0 : i32
      %dma_wait3A_220 = arith.constant 0 : i32
      %dma_wait3A_221 = tpu.memref_slice %arg10[%dma_wait3A_219, %dma_wait3A_220] : memref<10240x128xf32, #tpu.memory_space<vmem_shared>> -> memref<10240x128xf32, #tpu.memory_space<vmem_shared>>
      tpu.wait_indirect_dma semaphore(%run_scoped3A_201 : memref<!tpu.dma_semaphore, #tpu.memory_space<semaphore_mem>>) src(%dma_wait3A_215 : memref<80x128xf32, #tpu.memory_space<vmem>>) dst(%dma_wait3A_221 : memref<10240x128xf32, #tpu.memory_space<vmem_shared>>)
      tpu.yield
    }) : () -> ()
    %dma_wait3A_182 = arith.constant 63 : i32
    %dma_wait3A_183 = arith.constant 1 : i32
    %dma_wait3A_184 = arith.constant 0 : i32
    %dma_wait3A_185 = arith.constant 0 : i32
    %dma_wait3A_186 = tpu.memref_slice %arg8[%dma_wait3A_183, %dma_wait3A_184, %dma_wait3A_185] : memref<2x80x128xf32, #tpu.memory_space<vmem>> -> memref<1x80x128xf32, #tpu.memory_space<vmem>>
    %dma_wait3A_187 = tpu.memref_squeeze %dma_wait3A_186 : memref<1x80x128xf32, #tpu.memory_space<vmem>> -> memref<80x128xf32, #tpu.memory_space<vmem>>
    %dma_wait3A_188 = arith.constant 0 : i32
    %dma_wait3A_189 = tpu.memref_slice %arg6[%dma_wait3A_182, %dma_wait3A_188] : memref<64x80xi32, #tpu.memory_space<vmem>> -> memref<1x80xi32, #tpu.memory_space<vmem>>
    %dma_wait3A_190 = tpu.memref_squeeze %dma_wait3A_189 : memref<1x80xi32, #tpu.memory_space<vmem>> -> memref<80xi32, #tpu.memory_space<vmem>>
    %dma_wait3A_191 = arith.constant 0 : i32
    %dma_wait3A_192 = arith.constant 0 : i32
    %dma_wait3A_193 = tpu.memref_slice %arg2[%dma_wait3A_191, %dma_wait3A_192] : memref<10000x128xf32, #tpu.memory_space<hbm>> -> memref<10000x128xf32, #tpu.memory_space<hbm>>
    tpu.wait_indirect_dma semaphore(%arg12 : memref<!tpu.dma_semaphore, #tpu.memory_space<semaphore_mem>>) src(%dma_wait3A_193 : memref<10000x128xf32, #tpu.memory_space<hbm>>) dst(%dma_wait3A_187 : memref<80x128xf32, #tpu.memory_space<vmem>>)
    %run_scoped3A_194 = arith.constant 1 : i32
    %run_scoped3A_195 = arith.constant 63 : i32
    "tpu.region"() ({
      %run_scoped3A_201 = tpu.sem_alloc : memref<!tpu.dma_semaphore, #tpu.memory_space<semaphore_mem>>
      %dma_start3A_202 = arith.constant 0 : i32
      %dma_start3A_203 = arith.constant 0 : i32
      %dma_start3A_204 = tpu.memref_slice %arg8[%run_scoped3A_194, %dma_start3A_202, %dma_start3A_203] : memref<2x80x128xf32, #tpu.memory_space<vmem>> -> memref<1x80x128xf32, #tpu.memory_space<vmem>>
      %dma_start3A_205 = tpu.memref_squeeze %dma_start3A_204 : memref<1x80x128xf32, #tpu.memory_space<vmem>> -> memref<80x128xf32, #tpu.memory_space<vmem>>
      %dma_start3A_206 = arith.constant 0 : i32
      %dma_start3A_207 = tpu.memref_slice %arg7[%run_scoped3A_195, %dma_start3A_206] : memref<64x80xi32, #tpu.memory_space<vmem>> -> memref<1x80xi32, #tpu.memory_space<vmem>>
      %dma_start3A_208 = tpu.memref_squeeze %dma_start3A_207 : memref<1x80xi32, #tpu.memory_space<vmem>> -> memref<80xi32, #tpu.memory_space<vmem>>
      %dma_start3A_209 = arith.constant 0 : i32
      %dma_start3A_210 = arith.constant 0 : i32
      %dma_start3A_211 = tpu.memref_slice %arg10[%dma_start3A_209, %dma_start3A_210] : memref<10240x128xf32, #tpu.memory_space<vmem_shared>> -> memref<10240x128xf32, #tpu.memory_space<vmem_shared>>
      tpu.enqueue_indirect_dma source(%dma_start3A_205 : memref<80x128xf32, #tpu.memory_space<vmem>>) target(%dma_start3A_211 : memref<10240x128xf32, #tpu.memory_space<vmem_shared>>) offsets(%dma_start3A_208 : memref<80xi32, #tpu.memory_space<vmem>>) semaphore(%run_scoped3A_201 : memref<!tpu.dma_semaphore, #tpu.memory_space<semaphore_mem>>) {add = true}
      %dma_wait3A_212 = arith.constant 0 : i32
      %dma_wait3A_213 = arith.constant 0 : i32
      %dma_wait3A_214 = tpu.memref_slice %arg8[%run_scoped3A_194, %dma_wait3A_212, %dma_wait3A_213] : memref<2x80x128xf32, #tpu.memory_space<vmem>> -> memref<1x80x128xf32, #tpu.memory_space<vmem>>
      %dma_wait3A_215 = tpu.memref_squeeze %dma_wait3A_214 : memref<1x80x128xf32, #tpu.memory_space<vmem>> -> memref<80x128xf32, #tpu.memory_space<vmem>>
      %dma_wait3A_216 = arith.constant 0 : i32
      %dma_wait3A_217 = tpu.memref_slice %arg7[%run_scoped3A_195, %dma_wait3A_216] : memref<64x80xi32, #tpu.memory_space<vmem>> -> memref<1x80xi32, #tpu.memory_space<vmem>>
      %dma_wait3A_218 = tpu.memref_squeeze %dma_wait3A_217 : memref<1x80xi32, #tpu.memory_space<vmem>> -> memref<80xi32, #tpu.memory_space<vmem>>
      %dma_wait3A_219 = arith.constant 0 : i32
      %dma_wait3A_220 = arith.constant 0 : i32
      %dma_wait3A_221 = tpu.memref_slice %arg10[%dma_wait3A_219, %dma_wait3A_220] : memref<10240x128xf32, #tpu.memory_space<vmem_shared>> -> memref<10240x128xf32, #tpu.memory_space<vmem_shared>>
      tpu.wait_indirect_dma semaphore(%run_scoped3A_201 : memref<!tpu.dma_semaphore, #tpu.memory_space<semaphore_mem>>) src(%dma_wait3A_215 : memref<80x128xf32, #tpu.memory_space<vmem>>) dst(%dma_wait3A_221 : memref<10240x128xf32, #tpu.memory_space<vmem_shared>>)
      tpu.yield
    }) : () -> ()
    %barrier3A_196 = arith.constant 0 : index
    tpu.barrier barrier_id(%barrier3A_196)
    %mul3A_197 = arith.constant 640 : i32
    %mul3A_198 = arith.muli %arg1, %mul3A_197 : i32
    %mul3A_199 = arith.constant 640 : i32
    %mul3A_200 = arith.muli %arg1, %mul3A_199 : i32
    "tpu.region"() ({
      %run_scoped3A_201 = tpu.sem_alloc : memref<!tpu.dma_semaphore, #tpu.memory_space<semaphore_mem>>
      %dma_start3A_202 = arith.constant 0 : i32
      %dma_start3A_203 = tpu.memref_slice %arg5[%arg0, %mul3A_200, %dma_start3A_202] : memref<2x10240x128xf32, #tpu.memory_space<hbm>> -> memref<1x640x128xf32, #tpu.memory_space<hbm>>
      %dma_start3A_204 = tpu.memref_squeeze %dma_start3A_203 : memref<1x640x128xf32, #tpu.memory_space<hbm>> -> memref<640x128xf32, #tpu.memory_space<hbm>>
      %dma_start3A_205 = arith.constant 0 : i32
      %dma_start3A_206 = tpu.memref_slice %arg10[%mul3A_198, %dma_start3A_205] : memref<10240x128xf32, #tpu.memory_space<vmem_shared>> -> memref<640x128xf32, #tpu.memory_space<vmem_shared>>
      tpu.enqueue_dma source(%dma_start3A_206 : memref<640x128xf32, #tpu.memory_space<vmem_shared>>) target(%dma_start3A_204 : memref<640x128xf32, #tpu.memory_space<hbm>>) target_semaphore(%run_scoped3A_201 : memref<!tpu.dma_semaphore, #tpu.memory_space<semaphore_mem>>)
      %dma_wait3A_207 = arith.constant 0 : i32
      %dma_wait3A_208 = tpu.memref_slice %arg5[%arg0, %mul3A_200, %dma_wait3A_207] : memref<2x10240x128xf32, #tpu.memory_space<hbm>> -> memref<1x640x128xf32, #tpu.memory_space<hbm>>
      %dma_wait3A_209 = tpu.memref_squeeze %dma_wait3A_208 : memref<1x640x128xf32, #tpu.memory_space<hbm>> -> memref<640x128xf32, #tpu.memory_space<hbm>>
      %dma_wait3A_210 = arith.constant 0 : i32
      %dma_wait3A_211 = tpu.memref_slice %arg10[%mul3A_198, %dma_wait3A_210] : memref<10240x128xf32, #tpu.memory_space<vmem_shared>> -> memref<640x128xf32, #tpu.memory_space<vmem_shared>>
      tpu.wait_dma2 semaphore(%run_scoped3A_201 : memref<!tpu.dma_semaphore, #tpu.memory_space<semaphore_mem>>) src(%dma_wait3A_211 : memref<640x128xf32, #tpu.memory_space<vmem_shared>>) dst(%dma_wait3A_209 : memref<640x128xf32, #tpu.memory_space<hbm>>)
      tpu.yield
    }) : () -> ()
    return
  }
}

#map = affine_map<(d0, d1) -> (0, 0)>
#map1 = affine_map<(d0, d1) -> (0, 0, 0)>
module attributes {stable_mosaic.version = 14 : i64} {
  func.func @sc_kernel(%arg0: i32, %arg1: i32, %arg2: memref<10000x128xf32, #tpu.memory_space<hbm>>, %arg3: memref<32x128x80xi32, #tpu.memory_space<hbm>>, %arg4: memref<32x128x80xi32, #tpu.memory_space<hbm>>, %arg5: memref<2x10240x128xf32, #tpu.memory_space<hbm>>, %arg6: memref<64x80xi32, #tpu.memory_space<vmem>>, %arg7: memref<64x80xi32, #tpu.memory_space<vmem>>, %arg8: memref<2x80x128xf32, #tpu.memory_space<vmem>>, %arg9: memref<32x128xf32, #tpu.memory_space<vmem>>, %arg10: memref<10240x128xf32, #tpu.memory_space<vmem_shared>>, %arg11: memref<!tpu.dma_semaphore, #tpu.memory_space<semaphore_mem>>, %arg12: memref<!tpu.dma_semaphore, #tpu.memory_space<semaphore_mem>>) attributes {dimension_semantics = [#tpu.dimension_semantics<core_parallel>, #tpu.dimension_semantics<subcore_parallel>], iteration_bounds = array<i64: 2, 16>, scalar_prefetch = 0 : i64, scratch_operands = 7 : i64, tpu.core_type = #tpu.core_type<sc_vector_subcore>, window_params = [{transform_indices = #map}, {transform_indices = #map1}, {transform_indices = #map1}, {transform_indices = #map1}]} {
    %mul3A = arith.constant 16 : i32
    %mul3A_0 = arith.muli %arg0, %mul3A : i32
    %add3A = arith.addi %mul3A_0, %arg1 : i32
    %scan3A = arith.constant 0 : i32
    %scan3A_1 = arith.constant 32 : i32
    %scan3A_2 = arith.addi %scan3A, %scan3A_1 : i32
    %scan3A_3 = arith.constant 1 : i32
    scf.for %scan3A_201 = %scan3A to %scan3A_2 step %scan3A_3  : i32 {
      %mul3A_202 = arith.constant 1 : i32
      %mul3A_203 = arith.muli %scan3A_201, %mul3A_202 : i32
      %add3A_204 = arith.constant 0 : i32
      %add3A_205 = arith.addi %add3A_204, %mul3A_203 : i32
      %scan3A_206 = arith.constant 0 : i32
      %scan3A_207 = arith.constant 8 : i32
      %scan3A_208 = arith.addi %scan3A_206, %scan3A_207 : i32
      %scan3A_209 = arith.constant 1 : i32
      scf.for %scan3A_211 = %scan3A_206 to %scan3A_208 step %scan3A_209  : i32 {
        %mul3A_212 = arith.constant 16 : i32
        %mul3A_213 = arith.muli %scan3A_211, %mul3A_212 : i32
        %add3A_214 = arith.constant 0 : i32
        %add3A_215 = arith.addi %add3A_214, %mul3A_213 : i32
        %broadcast_in_dim3A = arith.constant 0.000000e+00 : f32
        %broadcast_in_dim3A_216 = vector.broadcast %broadcast_in_dim3A : f32 to vector<16xf32>
        %swap3A = arith.index_cast %add3A_205 : i32 to index
        %swap3A_217 = arith.index_cast %add3A_215 : i32 to index
        %swap3A_218 = tpu.vector_load %arg9[%swap3A, %swap3A_217] {strides = array<i32>} : memref<32x128xf32, #tpu.memory_space<vmem>>, vector<1x16xf32>,
        %swap3A_219 = vector.shape_cast %swap3A_218 : vector<1x16xf32> to vector<16xf32>
        %swap3A_220 = vector.shape_cast %broadcast_in_dim3A_216 : vector<16xf32> to vector<1x16xf32>
        tpu.vector_store %arg9[%swap3A, %swap3A_217], %swap3A_220 {strides = array<i32>} : memref<32x128xf32, #tpu.memory_space<vmem>>, vector<1x16xf32>,
      }
      %scan3A_210 = arith.constant 8 : i32
    }
    %scan3A_4 = arith.constant 32 : i32
    %mul3A_5 = arith.constant 640 : i32
    %mul3A_6 = arith.muli %arg1, %mul3A_5 : i32
    %add3A_7 = arith.constant 0 : i32
    %add3A_8 = arith.addi %mul3A_6, %add3A_7 : i32
    "tpu.region"() ({
      %run_scoped3A_201 = tpu.sem_alloc : memref<!tpu.dma_semaphore, #tpu.memory_space<semaphore_mem>>
      %dma_start3A_202 = arith.constant 0 : i32
      %dma_start3A_203 = tpu.memref_slice %arg10[%add3A_8, %dma_start3A_202] : memref<10240x128xf32, #tpu.memory_space<vmem_shared>> -> memref<32x128xf32, #tpu.memory_space<vmem_shared>>
      %dma_start3A_204 = arith.constant 0 : i32
      %dma_start3A_205 = tpu.memref_slice %arg10[%add3A_8, %dma_start3A_204] : memref<10240x128xf32, #tpu.memory_space<vmem_shared>> -> memref<32x128xf32, #tpu.memory_space<vmem_shared>>
      tpu.enqueue_dma source(%arg9 : memref<32x128xf32, #tpu.memory_space<vmem>>) target(%dma_start3A_205 : memref<32x128xf32, #tpu.memory_space<vmem_shared>>) target_semaphore(%run_scoped3A_201 : memref<!tpu.dma_semaphore, #tpu.memory_space<semaphore_mem>>)
      %dma_wait3A_206 = arith.constant 0 : i32
      %dma_wait3A_207 = tpu.memref_slice %arg10[%add3A_8, %dma_wait3A_206] : memref<10240x128xf32, #tpu.memory_space<vmem_shared>> -> memref<32x128xf32, #tpu.memory_space<vmem_shared>>
      %dma_wait3A_208 = arith.constant 0 : i32
      %dma_wait3A_209 = tpu.memref_slice %arg10[%add3A_8, %dma_wait3A_208] : memref<10240x128xf32, #tpu.memory_space<vmem_shared>> -> memref<32x128xf32, #tpu.memory_space<vmem_shared>>
      tpu.wait_dma2 semaphore(%run_scoped3A_201 : memref<!tpu.dma_semaphore, #tpu.memory_space<semaphore_mem>>) src(%arg9 : memref<32x128xf32, #tpu.memory_space<vmem>>) dst(%dma_wait3A_209 : memref<32x128xf32, #tpu.memory_space<vmem_shared>>)
      tpu.yield
    }) : () -> ()
    %mul3A_9 = arith.constant 640 : i32
    %mul3A_10 = arith.muli %arg1, %mul3A_9 : i32
    %add3A_11 = arith.constant 32 : i32
    %add3A_12 = arith.addi %mul3A_10, %add3A_11 : i32
    "tpu.region"() ({
      %run_scoped3A_201 = tpu.sem_alloc : memref<!tpu.dma_semaphore, #tpu.memory_space<semaphore_mem>>
      %dma_start3A_202 = arith.constant 0 : i32
      %dma_start3A_203 = tpu.memref_slice %arg10[%add3A_12, %dma_start3A_202] : memref<10240x128xf32, #tpu.memory_space<vmem_shared>> -> memref<32x128xf32, #tpu.memory_space<vmem_shared>>
      %dma_start3A_204 = arith.constant 0 : i32
      %dma_start3A_205 = tpu.memref_slice %arg10[%add3A_12, %dma_start3A_204] : memref<10240x128xf32, #tpu.memory_space<vmem_shared>> -> memref<32x128xf32, #tpu.memory_space<vmem_shared>>
      tpu.enqueue_dma source(%arg9 : memref<32x128xf32, #tpu.memory_space<vmem>>) target(%dma_start3A_205 : memref<32x128xf32, #tpu.memory_space<vmem_shared>>) target_semaphore(%run_scoped3A_201 : memref<!tpu.dma_semaphore, #tpu.memory_space<semaphore_mem>>)
      %dma_wait3A_206 = arith.constant 0 : i32
      %dma_wait3A_207 = tpu.memref_slice %arg10[%add3A_12, %dma_wait3A_206] : memref<10240x128xf32, #tpu.memory_space<vmem_shared>> -> memref<32x128xf32, #tpu.memory_space<vmem_shared>>
      %dma_wait3A_208 = arith.constant 0 : i32
      %dma_wait3A_209 = tpu.memref_slice %arg10[%add3A_12, %dma_wait3A_208] : memref<10240x128xf32, #tpu.memory_space<vmem_shared>> -> memref<32x128xf32, #tpu.memory_space<vmem_shared>>
      tpu.wait_dma2 semaphore(%run_scoped3A_201 : memref<!tpu.dma_semaphore, #tpu.memory_space<semaphore_mem>>) src(%arg9 : memref<32x128xf32, #tpu.memory_space<vmem>>) dst(%dma_wait3A_209 : memref<32x128xf32, #tpu.memory_space<vmem_shared>>)
      tpu.yield
    }) : () -> ()
    %mul3A_13 = arith.constant 640 : i32
    %mul3A_14 = arith.muli %arg1, %mul3A_13 : i32
    %add3A_15 = arith.constant 64 : i32
    %add3A_16 = arith.addi %mul3A_14, %add3A_15 : i32
    "tpu.region"() ({
      %run_scoped3A_201 = tpu.sem_alloc : memref<!tpu.dma_semaphore, #tpu.memory_space<semaphore_mem>>
      %dma_start3A_202 = arith.constant 0 : i32
      %dma_start3A_203 = tpu.memref_slice %arg10[%add3A_16, %dma_start3A_202] : memref<10240x128xf32, #tpu.memory_space<vmem_shared>> -> memref<32x128xf32, #tpu.memory_space<vmem_shared>>
      %dma_start3A_204 = arith.constant 0 : i32
      %dma_start3A_205 = tpu.memref_slice %arg10[%add3A_16, %dma_start3A_204] : memref<10240x128xf32, #tpu.memory_space<vmem_shared>> -> memref<32x128xf32, #tpu.memory_space<vmem_shared>>
      tpu.enqueue_dma source(%arg9 : memref<32x128xf32, #tpu.memory_space<vmem>>) target(%dma_start3A_205 : memref<32x128xf32, #tpu.memory_space<vmem_shared>>) target_semaphore(%run_scoped3A_201 : memref<!tpu.dma_semaphore, #tpu.memory_space<semaphore_mem>>)
      %dma_wait3A_206 = arith.constant 0 : i32
      %dma_wait3A_207 = tpu.memref_slice %arg10[%add3A_16, %dma_wait3A_206] : memref<10240x128xf32, #tpu.memory_space<vmem_shared>> -> memref<32x128xf32, #tpu.memory_space<vmem_shared>>
      %dma_wait3A_208 = arith.constant 0 : i32
      %dma_wait3A_209 = tpu.memref_slice %arg10[%add3A_16, %dma_wait3A_208] : memref<10240x128xf32, #tpu.memory_space<vmem_shared>> -> memref<32x128xf32, #tpu.memory_space<vmem_shared>>
      tpu.wait_dma2 semaphore(%run_scoped3A_201 : memref<!tpu.dma_semaphore, #tpu.memory_space<semaphore_mem>>) src(%arg9 : memref<32x128xf32, #tpu.memory_space<vmem>>) dst(%dma_wait3A_209 : memref<32x128xf32, #tpu.memory_space<vmem_shared>>)
      tpu.yield
    }) : () -> ()
    %mul3A_17 = arith.constant 640 : i32
    %mul3A_18 = arith.muli %arg1, %mul3A_17 : i32
    %add3A_19 = arith.constant 96 : i32
    %add3A_20 = arith.addi %mul3A_18, %add3A_19 : i32
    "tpu.region"() ({
      %run_scoped3A_201 = tpu.sem_alloc : memref<!tpu.dma_semaphore, #tpu.memory_space<semaphore_mem>>
      %dma_start3A_202 = arith.constant 0 : i32
      %dma_start3A_203 = tpu.memref_slice %arg10[%add3A_20, %dma_start3A_202] : memref<10240x128xf32, #tpu.memory_space<vmem_shared>> -> memref<32x128xf32, #tpu.memory_space<vmem_shared>>
      %dma_start3A_204 = arith.constant 0 : i32
      %dma_start3A_205 = tpu.memref_slice %arg10[%add3A_20, %dma_start3A_204] : memref<10240x128xf32, #tpu.memory_space<vmem_shared>> -> memref<32x128xf32, #tpu.memory_space<vmem_shared>>
      tpu.enqueue_dma source(%arg9 : memref<32x128xf32, #tpu.memory_space<vmem>>) target(%dma_start3A_205 : memref<32x128xf32, #tpu.memory_space<vmem_shared>>) target_semaphore(%run_scoped3A_201 : memref<!tpu.dma_semaphore, #tpu.memory_space<semaphore_mem>>)
      %dma_wait3A_206 = arith.constant 0 : i32
      %dma_wait3A_207 = tpu.memref_slice %arg10[%add3A_20, %dma_wait3A_206] : memref<10240x128xf32, #tpu.memory_space<vmem_shared>> -> memref<32x128xf32, #tpu.memory_space<vmem_shared>>
      %dma_wait3A_208 = arith.constant 0 : i32
      %dma_wait3A_209 = tpu.memref_slice %arg10[%add3A_20, %dma_wait3A_208] : memref<10240x128xf32, #tpu.memory_space<vmem_shared>> -> memref<32x128xf32, #tpu.memory_space<vmem_shared>>
      tpu.wait_dma2 semaphore(%run_scoped3A_201 : memref<!tpu.dma_semaphore, #tpu.memory_space<semaphore_mem>>) src(%arg9 : memref<32x128xf32, #tpu.memory_space<vmem>>) dst(%dma_wait3A_209 : memref<32x128xf32, #tpu.memory_space<vmem_shared>>)
      tpu.yield
    }) : () -> ()
    %mul3A_21 = arith.constant 640 : i32
    %mul3A_22 = arith.muli %arg1, %mul3A_21 : i32
    %add3A_23 = arith.constant 128 : i32
    %add3A_24 = arith.addi %mul3A_22, %add3A_23 : i32
    "tpu.region"() ({
      %run_scoped3A_201 = tpu.sem_alloc : memref<!tpu.dma_semaphore, #tpu.memory_space<semaphore_mem>>
      %dma_start3A_202 = arith.constant 0 : i32
      %dma_start3A_203 = tpu.memref_slice %arg10[%add3A_24, %dma_start3A_202] : memref<10240x128xf32, #tpu.memory_space<vmem_shared>> -> memref<32x128xf32, #tpu.memory_space<vmem_shared>>
      %dma_start3A_204 = arith.constant 0 : i32
      %dma_start3A_205 = tpu.memref_slice %arg10[%add3A_24, %dma_start3A_204] : memref<10240x128xf32, #tpu.memory_space<vmem_shared>> -> memref<32x128xf32, #tpu.memory_space<vmem_shared>>
      tpu.enqueue_dma source(%arg9 : memref<32x128xf32, #tpu.memory_space<vmem>>) target(%dma_start3A_205 : memref<32x128xf32, #tpu.memory_space<vmem_shared>>) target_semaphore(%run_scoped3A_201 : memref<!tpu.dma_semaphore, #tpu.memory_space<semaphore_mem>>)
      %dma_wait3A_206 = arith.constant 0 : i32
      %dma_wait3A_207 = tpu.memref_slice %arg10[%add3A_24, %dma_wait3A_206] : memref<10240x128xf32, #tpu.memory_space<vmem_shared>> -> memref<32x128xf32, #tpu.memory_space<vmem_shared>>
      %dma_wait3A_208 = arith.constant 0 : i32
      %dma_wait3A_209 = tpu.memref_slice %arg10[%add3A_24, %dma_wait3A_208] : memref<10240x128xf32, #tpu.memory_space<vmem_shared>> -> memref<32x128xf32, #tpu.memory_space<vmem_shared>>
      tpu.wait_dma2 semaphore(%run_scoped3A_201 : memref<!tpu.dma_semaphore, #tpu.memory_space<semaphore_mem>>) src(%arg9 : memref<32x128xf32, #tpu.memory_space<vmem>>) dst(%dma_wait3A_209 : memref<32x128xf32, #tpu.memory_space<vmem_shared>>)
      tpu.yield
    }) : () -> ()
    %mul3A_25 = arith.constant 640 : i32
    %mul3A_26 = arith.muli %arg1, %mul3A_25 : i32
    %add3A_27 = arith.constant 160 : i32
    %add3A_28 = arith.addi %mul3A_26, %add3A_27 : i32
    "tpu.region"() ({
      %run_scoped3A_201 = tpu.sem_alloc : memref<!tpu.dma_semaphore, #tpu.memory_space<semaphore_mem>>
      %dma_start3A_202 = arith.constant 0 : i32
      %dma_start3A_203 = tpu.memref_slice %arg10[%add3A_28, %dma_start3A_202] : memref<10240x128xf32, #tpu.memory_space<vmem_shared>> -> memref<32x128xf32, #tpu.memory_space<vmem_shared>>
      %dma_start3A_204 = arith.constant 0 : i32
      %dma_start3A_205 = tpu.memref_slice %arg10[%add3A_28, %dma_start3A_204] : memref<10240x128xf32, #tpu.memory_space<vmem_shared>> -> memref<32x128xf32, #tpu.memory_space<vmem_shared>>
      tpu.enqueue_dma source(%arg9 : memref<32x128xf32, #tpu.memory_space<vmem>>) target(%dma_start3A_205 : memref<32x128xf32, #tpu.memory_space<vmem_shared>>) target_semaphore(%run_scoped3A_201 : memref<!tpu.dma_semaphore, #tpu.memory_space<semaphore_mem>>)
      %dma_wait3A_206 = arith.constant 0 : i32
      %dma_wait3A_207 = tpu.memref_slice %arg10[%add3A_28, %dma_wait3A_206] : memref<10240x128xf32, #tpu.memory_space<vmem_shared>> -> memref<32x128xf32, #tpu.memory_space<vmem_shared>>
      %dma_wait3A_208 = arith.constant 0 : i32
      %dma_wait3A_209 = tpu.memref_slice %arg10[%add3A_28, %dma_wait3A_208] : memref<10240x128xf32, #tpu.memory_space<vmem_shared>> -> memref<32x128xf32, #tpu.memory_space<vmem_shared>>
      tpu.wait_dma2 semaphore(%run_scoped3A_201 : memref<!tpu.dma_semaphore, #tpu.memory_space<semaphore_mem>>) src(%arg9 : memref<32x128xf32, #tpu.memory_space<vmem>>) dst(%dma_wait3A_209 : memref<32x128xf32, #tpu.memory_space<vmem_shared>>)
      tpu.yield
    }) : () -> ()
    %mul3A_29 = arith.constant 640 : i32
    %mul3A_30 = arith.muli %arg1, %mul3A_29 : i32
    %add3A_31 = arith.constant 192 : i32
    %add3A_32 = arith.addi %mul3A_30, %add3A_31 : i32
    "tpu.region"() ({
      %run_scoped3A_201 = tpu.sem_alloc : memref<!tpu.dma_semaphore, #tpu.memory_space<semaphore_mem>>
      %dma_start3A_202 = arith.constant 0 : i32
      %dma_start3A_203 = tpu.memref_slice %arg10[%add3A_32, %dma_start3A_202] : memref<10240x128xf32, #tpu.memory_space<vmem_shared>> -> memref<32x128xf32, #tpu.memory_space<vmem_shared>>
      %dma_start3A_204 = arith.constant 0 : i32
      %dma_start3A_205 = tpu.memref_slice %arg10[%add3A_32, %dma_start3A_204] : memref<10240x128xf32, #tpu.memory_space<vmem_shared>> -> memref<32x128xf32, #tpu.memory_space<vmem_shared>>
      tpu.enqueue_dma source(%arg9 : memref<32x128xf32, #tpu.memory_space<vmem>>) target(%dma_start3A_205 : memref<32x128xf32, #tpu.memory_space<vmem_shared>>) target_semaphore(%run_scoped3A_201 : memref<!tpu.dma_semaphore, #tpu.memory_space<semaphore_mem>>)
      %dma_wait3A_206 = arith.constant 0 : i32
      %dma_wait3A_207 = tpu.memref_slice %arg10[%add3A_32, %dma_wait3A_206] : memref<10240x128xf32, #tpu.memory_space<vmem_shared>> -> memref<32x128xf32, #tpu.memory_space<vmem_shared>>
      %dma_wait3A_208 = arith.constant 0 : i32
      %dma_wait3A_209 = tpu.memref_slice %arg10[%add3A_32, %dma_wait3A_208] : memref<10240x128xf32, #tpu.memory_space<vmem_shared>> -> memref<32x128xf32, #tpu.memory_space<vmem_shared>>
      tpu.wait_dma2 semaphore(%run_scoped3A_201 : memref<!tpu.dma_semaphore, #tpu.memory_space<semaphore_mem>>) src(%arg9 : memref<32x128xf32, #tpu.memory_space<vmem>>) dst(%dma_wait3A_209 : memref<32x128xf32, #tpu.memory_space<vmem_shared>>)
      tpu.yield
    }) : () -> ()
    %mul3A_33 = arith.constant 640 : i32
    %mul3A_34 = arith.muli %arg1, %mul3A_33 : i32
    %add3A_35 = arith.constant 224 : i32
    %add3A_36 = arith.addi %mul3A_34, %add3A_35 : i32
    "tpu.region"() ({
      %run_scoped3A_201 = tpu.sem_alloc : memref<!tpu.dma_semaphore, #tpu.memory_space<semaphore_mem>>
      %dma_start3A_202 = arith.constant 0 : i32
      %dma_start3A_203 = tpu.memref_slice %arg10[%add3A_36, %dma_start3A_202] : memref<10240x128xf32, #tpu.memory_space<vmem_shared>> -> memref<32x128xf32, #tpu.memory_space<vmem_shared>>
      %dma_start3A_204 = arith.constant 0 : i32
      %dma_start3A_205 = tpu.memref_slice %arg10[%add3A_36, %dma_start3A_204] : memref<10240x128xf32, #tpu.memory_space<vmem_shared>> -> memref<32x128xf32, #tpu.memory_space<vmem_shared>>
      tpu.enqueue_dma source(%arg9 : memref<32x128xf32, #tpu.memory_space<vmem>>) target(%dma_start3A_205 : memref<32x128xf32, #tpu.memory_space<vmem_shared>>) target_semaphore(%run_scoped3A_201 : memref<!tpu.dma_semaphore, #tpu.memory_space<semaphore_mem>>)
      %dma_wait3A_206 = arith.constant 0 : i32
      %dma_wait3A_207 = tpu.memref_slice %arg10[%add3A_36, %dma_wait3A_206] : memref<10240x128xf32, #tpu.memory_space<vmem_shared>> -> memref<32x128xf32, #tpu.memory_space<vmem_shared>>
      %dma_wait3A_208 = arith.constant 0 : i32
      %dma_wait3A_209 = tpu.memref_slice %arg10[%add3A_36, %dma_wait3A_208] : memref<10240x128xf32, #tpu.memory_space<vmem_shared>> -> memref<32x128xf32, #tpu.memory_space<vmem_shared>>
      tpu.wait_dma2 semaphore(%run_scoped3A_201 : memref<!tpu.dma_semaphore, #tpu.memory_space<semaphore_mem>>) src(%arg9 : memref<32x128xf32, #tpu.memory_space<vmem>>) dst(%dma_wait3A_209 : memref<32x128xf32, #tpu.memory_space<vmem_shared>>)
      tpu.yield
    }) : () -> ()
    %mul3A_37 = arith.constant 640 : i32
    %mul3A_38 = arith.muli %arg1, %mul3A_37 : i32
    %add3A_39 = arith.constant 256 : i32
    %add3A_40 = arith.addi %mul3A_38, %add3A_39 : i32
    "tpu.region"() ({
      %run_scoped3A_201 = tpu.sem_alloc : memref<!tpu.dma_semaphore, #tpu.memory_space<semaphore_mem>>
      %dma_start3A_202 = arith.constant 0 : i32
      %dma_start3A_203 = tpu.memref_slice %arg10[%add3A_40, %dma_start3A_202] : memref<10240x128xf32, #tpu.memory_space<vmem_shared>> -> memref<32x128xf32, #tpu.memory_space<vmem_shared>>
      %dma_start3A_204 = arith.constant 0 : i32
      %dma_start3A_205 = tpu.memref_slice %arg10[%add3A_40, %dma_start3A_204] : memref<10240x128xf32, #tpu.memory_space<vmem_shared>> -> memref<32x128xf32, #tpu.memory_space<vmem_shared>>
      tpu.enqueue_dma source(%arg9 : memref<32x128xf32, #tpu.memory_space<vmem>>) target(%dma_start3A_205 : memref<32x128xf32, #tpu.memory_space<vmem_shared>>) target_semaphore(%run_scoped3A_201 : memref<!tpu.dma_semaphore, #tpu.memory_space<semaphore_mem>>)
      %dma_wait3A_206 = arith.constant 0 : i32
      %dma_wait3A_207 = tpu.memref_slice %arg10[%add3A_40, %dma_wait3A_206] : memref<10240x128xf32, #tpu.memory_space<vmem_shared>> -> memref<32x128xf32, #tpu.memory_space<vmem_shared>>
      %dma_wait3A_208 = arith.constant 0 : i32
      %dma_wait3A_209 = tpu.memref_slice %arg10[%add3A_40, %dma_wait3A_208] : memref<10240x128xf32, #tpu.memory_space<vmem_shared>> -> memref<32x128xf32, #tpu.memory_space<vmem_shared>>
      tpu.wait_dma2 semaphore(%run_scoped3A_201 : memref<!tpu.dma_semaphore, #tpu.memory_space<semaphore_mem>>) src(%arg9 : memref<32x128xf32, #tpu.memory_space<vmem>>) dst(%dma_wait3A_209 : memref<32x128xf32, #tpu.memory_space<vmem_shared>>)
      tpu.yield
    }) : () -> ()
    %mul3A_41 = arith.constant 640 : i32
    %mul3A_42 = arith.muli %arg1, %mul3A_41 : i32
    %add3A_43 = arith.constant 288 : i32
    %add3A_44 = arith.addi %mul3A_42, %add3A_43 : i32
    "tpu.region"() ({
      %run_scoped3A_201 = tpu.sem_alloc : memref<!tpu.dma_semaphore, #tpu.memory_space<semaphore_mem>>
      %dma_start3A_202 = arith.constant 0 : i32
      %dma_start3A_203 = tpu.memref_slice %arg10[%add3A_44, %dma_start3A_202] : memref<10240x128xf32, #tpu.memory_space<vmem_shared>> -> memref<32x128xf32, #tpu.memory_space<vmem_shared>>
      %dma_start3A_204 = arith.constant 0 : i32
      %dma_start3A_205 = tpu.memref_slice %arg10[%add3A_44, %dma_start3A_204] : memref<10240x128xf32, #tpu.memory_space<vmem_shared>> -> memref<32x128xf32, #tpu.memory_space<vmem_shared>>
      tpu.enqueue_dma source(%arg9 : memref<32x128xf32, #tpu.memory_space<vmem>>) target(%dma_start3A_205 : memref<32x128xf32, #tpu.memory_space<vmem_shared>>) target_semaphore(%run_scoped3A_201 : memref<!tpu.dma_semaphore, #tpu.memory_space<semaphore_mem>>)
      %dma_wait3A_206 = arith.constant 0 : i32
      %dma_wait3A_207 = tpu.memref_slice %arg10[%add3A_44, %dma_wait3A_206] : memref<10240x128xf32, #tpu.memory_space<vmem_shared>> -> memref<32x128xf32, #tpu.memory_space<vmem_shared>>
      %dma_wait3A_208 = arith.constant 0 : i32
      %dma_wait3A_209 = tpu.memref_slice %arg10[%add3A_44, %dma_wait3A_208] : memref<10240x128xf32, #tpu.memory_space<vmem_shared>> -> memref<32x128xf32, #tpu.memory_space<vmem_shared>>
      tpu.wait_dma2 semaphore(%run_scoped3A_201 : memref<!tpu.dma_semaphore, #tpu.memory_space<semaphore_mem>>) src(%arg9 : memref<32x128xf32, #tpu.memory_space<vmem>>) dst(%dma_wait3A_209 : memref<32x128xf32, #tpu.memory_space<vmem_shared>>)
      tpu.yield
    }) : () -> ()
    %mul3A_45 = arith.constant 640 : i32
    %mul3A_46 = arith.muli %arg1, %mul3A_45 : i32
    %add3A_47 = arith.constant 320 : i32
    %add3A_48 = arith.addi %mul3A_46, %add3A_47 : i32
    "tpu.region"() ({
      %run_scoped3A_201 = tpu.sem_alloc : memref<!tpu.dma_semaphore, #tpu.memory_space<semaphore_mem>>
      %dma_start3A_202 = arith.constant 0 : i32
      %dma_start3A_203 = tpu.memref_slice %arg10[%add3A_48, %dma_start3A_202] : memref<10240x128xf32, #tpu.memory_space<vmem_shared>> -> memref<32x128xf32, #tpu.memory_space<vmem_shared>>
      %dma_start3A_204 = arith.constant 0 : i32
      %dma_start3A_205 = tpu.memref_slice %arg10[%add3A_48, %dma_start3A_204] : memref<10240x128xf32, #tpu.memory_space<vmem_shared>> -> memref<32x128xf32, #tpu.memory_space<vmem_shared>>
      tpu.enqueue_dma source(%arg9 : memref<32x128xf32, #tpu.memory_space<vmem>>) target(%dma_start3A_205 : memref<32x128xf32, #tpu.memory_space<vmem_shared>>) target_semaphore(%run_scoped3A_201 : memref<!tpu.dma_semaphore, #tpu.memory_space<semaphore_mem>>)
      %dma_wait3A_206 = arith.constant 0 : i32
      %dma_wait3A_207 = tpu.memref_slice %arg10[%add3A_48, %dma_wait3A_206] : memref<10240x128xf32, #tpu.memory_space<vmem_shared>> -> memref<32x128xf32, #tpu.memory_space<vmem_shared>>
      %dma_wait3A_208 = arith.constant 0 : i32
      %dma_wait3A_209 = tpu.memref_slice %arg10[%add3A_48, %dma_wait3A_208] : memref<10240x128xf32, #tpu.memory_space<vmem_shared>> -> memref<32x128xf32, #tpu.memory_space<vmem_shared>>
      tpu.wait_dma2 semaphore(%run_scoped3A_201 : memref<!tpu.dma_semaphore, #tpu.memory_space<semaphore_mem>>) src(%arg9 : memref<32x128xf32, #tpu.memory_space<vmem>>) dst(%dma_wait3A_209 : memref<32x128xf32, #tpu.memory_space<vmem_shared>>)
      tpu.yield
    }) : () -> ()
    %mul3A_49 = arith.constant 640 : i32
    %mul3A_50 = arith.muli %arg1, %mul3A_49 : i32
    %add3A_51 = arith.constant 352 : i32
    %add3A_52 = arith.addi %mul3A_50, %add3A_51 : i32
    "tpu.region"() ({
      %run_scoped3A_201 = tpu.sem_alloc : memref<!tpu.dma_semaphore, #tpu.memory_space<semaphore_mem>>
      %dma_start3A_202 = arith.constant 0 : i32
      %dma_start3A_203 = tpu.memref_slice %arg10[%add3A_52, %dma_start3A_202] : memref<10240x128xf32, #tpu.memory_space<vmem_shared>> -> memref<32x128xf32, #tpu.memory_space<vmem_shared>>
      %dma_start3A_204 = arith.constant 0 : i32
      %dma_start3A_205 = tpu.memref_slice %arg10[%add3A_52, %dma_start3A_204] : memref<10240x128xf32, #tpu.memory_space<vmem_shared>> -> memref<32x128xf32, #tpu.memory_space<vmem_shared>>
      tpu.enqueue_dma source(%arg9 : memref<32x128xf32, #tpu.memory_space<vmem>>) target(%dma_start3A_205 : memref<32x128xf32, #tpu.memory_space<vmem_shared>>) target_semaphore(%run_scoped3A_201 : memref<!tpu.dma_semaphore, #tpu.memory_space<semaphore_mem>>)
      %dma_wait3A_206 = arith.constant 0 : i32
      %dma_wait3A_207 = tpu.memref_slice %arg10[%add3A_52, %dma_wait3A_206] : memref<10240x128xf32, #tpu.memory_space<vmem_shared>> -> memref<32x128xf32, #tpu.memory_space<vmem_shared>>
      %dma_wait3A_208 = arith.constant 0 : i32
      %dma_wait3A_209 = tpu.memref_slice %arg10[%add3A_52, %dma_wait3A_208] : memref<10240x128xf32, #tpu.memory_space<vmem_shared>> -> memref<32x128xf32, #tpu.memory_space<vmem_shared>>
      tpu.wait_dma2 semaphore(%run_scoped3A_201 : memref<!tpu.dma_semaphore, #tpu.memory_space<semaphore_mem>>) src(%arg9 : memref<32x128xf32, #tpu.memory_space<vmem>>) dst(%dma_wait3A_209 : memref<32x128xf32, #tpu.memory_space<vmem_shared>>)
      tpu.yield
    }) : () -> ()
    %mul3A_53 = arith.constant 640 : i32
    %mul3A_54 = arith.muli %arg1, %mul3A_53 : i32
    %add3A_55 = arith.constant 384 : i32
    %add3A_56 = arith.addi %mul3A_54, %add3A_55 : i32
    "tpu.region"() ({
      %run_scoped3A_201 = tpu.sem_alloc : memref<!tpu.dma_semaphore, #tpu.memory_space<semaphore_mem>>
      %dma_start3A_202 = arith.constant 0 : i32
      %dma_start3A_203 = tpu.memref_slice %arg10[%add3A_56, %dma_start3A_202] : memref<10240x128xf32, #tpu.memory_space<vmem_shared>> -> memref<32x128xf32, #tpu.memory_space<vmem_shared>>
      %dma_start3A_204 = arith.constant 0 : i32
      %dma_start3A_205 = tpu.memref_slice %arg10[%add3A_56, %dma_start3A_204] : memref<10240x128xf32, #tpu.memory_space<vmem_shared>> -> memref<32x128xf32, #tpu.memory_space<vmem_shared>>
      tpu.enqueue_dma source(%arg9 : memref<32x128xf32, #tpu.memory_space<vmem>>) target(%dma_start3A_205 : memref<32x128xf32, #tpu.memory_space<vmem_shared>>) target_semaphore(%run_scoped3A_201 : memref<!tpu.dma_semaphore, #tpu.memory_space<semaphore_mem>>)
      %dma_wait3A_206 = arith.constant 0 : i32
      %dma_wait3A_207 = tpu.memref_slice %arg10[%add3A_56, %dma_wait3A_206] : memref<10240x128xf32, #tpu.memory_space<vmem_shared>> -> memref<32x128xf32, #tpu.memory_space<vmem_shared>>
      %dma_wait3A_208 = arith.constant 0 : i32
      %dma_wait3A_209 = tpu.memref_slice %arg10[%add3A_56, %dma_wait3A_208] : memref<10240x128xf32, #tpu.memory_space<vmem_shared>> -> memref<32x128xf32, #tpu.memory_space<vmem_shared>>
      tpu.wait_dma2 semaphore(%run_scoped3A_201 : memref<!tpu.dma_semaphore, #tpu.memory_space<semaphore_mem>>) src(%arg9 : memref<32x128xf32, #tpu.memory_space<vmem>>) dst(%dma_wait3A_209 : memref<32x128xf32, #tpu.memory_space<vmem_shared>>)
      tpu.yield
    }) : () -> ()
    %mul3A_57 = arith.constant 640 : i32
    %mul3A_58 = arith.muli %arg1, %mul3A_57 : i32
    %add3A_59 = arith.constant 416 : i32
    %add3A_60 = arith.addi %mul3A_58, %add3A_59 : i32
    "tpu.region"() ({
      %run_scoped3A_201 = tpu.sem_alloc : memref<!tpu.dma_semaphore, #tpu.memory_space<semaphore_mem>>
      %dma_start3A_202 = arith.constant 0 : i32
      %dma_start3A_203 = tpu.memref_slice %arg10[%add3A_60, %dma_start3A_202] : memref<10240x128xf32, #tpu.memory_space<vmem_shared>> -> memref<32x128xf32, #tpu.memory_space<vmem_shared>>
      %dma_start3A_204 = arith.constant 0 : i32
      %dma_start3A_205 = tpu.memref_slice %arg10[%add3A_60, %dma_start3A_204] : memref<10240x128xf32, #tpu.memory_space<vmem_shared>> -> memref<32x128xf32, #tpu.memory_space<vmem_shared>>
      tpu.enqueue_dma source(%arg9 : memref<32x128xf32, #tpu.memory_space<vmem>>) target(%dma_start3A_205 : memref<32x128xf32, #tpu.memory_space<vmem_shared>>) target_semaphore(%run_scoped3A_201 : memref<!tpu.dma_semaphore, #tpu.memory_space<semaphore_mem>>)
      %dma_wait3A_206 = arith.constant 0 : i32
      %dma_wait3A_207 = tpu.memref_slice %arg10[%add3A_60, %dma_wait3A_206] : memref<10240x128xf32, #tpu.memory_space<vmem_shared>> -> memref<32x128xf32, #tpu.memory_space<vmem_shared>>
      %dma_wait3A_208 = arith.constant 0 : i32
      %dma_wait3A_209 = tpu.memref_slice %arg10[%add3A_60, %dma_wait3A_208] : memref<10240x128xf32, #tpu.memory_space<vmem_shared>> -> memref<32x128xf32, #tpu.memory_space<vmem_shared>>
      tpu.wait_dma2 semaphore(%run_scoped3A_201 : memref<!tpu.dma_semaphore, #tpu.memory_space<semaphore_mem>>) src(%arg9 : memref<32x128xf32, #tpu.memory_space<vmem>>) dst(%dma_wait3A_209 : memref<32x128xf32, #tpu.memory_space<vmem_shared>>)
      tpu.yield
    }) : () -> ()
    %mul3A_61 = arith.constant 640 : i32
    %mul3A_62 = arith.muli %arg1, %mul3A_61 : i32
    %add3A_63 = arith.constant 448 : i32
    %add3A_64 = arith.addi %mul3A_62, %add3A_63 : i32
    "tpu.region"() ({
      %run_scoped3A_201 = tpu.sem_alloc : memref<!tpu.dma_semaphore, #tpu.memory_space<semaphore_mem>>
      %dma_start3A_202 = arith.constant 0 : i32
      %dma_start3A_203 = tpu.memref_slice %arg10[%add3A_64, %dma_start3A_202] : memref<10240x128xf32, #tpu.memory_space<vmem_shared>> -> memref<32x128xf32, #tpu.memory_space<vmem_shared>>
      %dma_start3A_204 = arith.constant 0 : i32
      %dma_start3A_205 = tpu.memref_slice %arg10[%add3A_64, %dma_start3A_204] : memref<10240x128xf32, #tpu.memory_space<vmem_shared>> -> memref<32x128xf32, #tpu.memory_space<vmem_shared>>
      tpu.enqueue_dma source(%arg9 : memref<32x128xf32, #tpu.memory_space<vmem>>) target(%dma_start3A_205 : memref<32x128xf32, #tpu.memory_space<vmem_shared>>) target_semaphore(%run_scoped3A_201 : memref<!tpu.dma_semaphore, #tpu.memory_space<semaphore_mem>>)
      %dma_wait3A_206 = arith.constant 0 : i32
      %dma_wait3A_207 = tpu.memref_slice %arg10[%add3A_64, %dma_wait3A_206] : memref<10240x128xf32, #tpu.memory_space<vmem_shared>> -> memref<32x128xf32, #tpu.memory_space<vmem_shared>>
      %dma_wait3A_208 = arith.constant 0 : i32
      %dma_wait3A_209 = tpu.memref_slice %arg10[%add3A_64, %dma_wait3A_208] : memref<10240x128xf32, #tpu.memory_space<vmem_shared>> -> memref<32x128xf32, #tpu.memory_space<vmem_shared>>
      tpu.wait_dma2 semaphore(%run_scoped3A_201 : memref<!tpu.dma_semaphore, #tpu.memory_space<semaphore_mem>>) src(%arg9 : memref<32x128xf32, #tpu.memory_space<vmem>>) dst(%dma_wait3A_209 : memref<32x128xf32, #tpu.memory_space<vmem_shared>>)
      tpu.yield
    }) : () -> ()
    %mul3A_65 = arith.constant 640 : i32
    %mul3A_66 = arith.muli %arg1, %mul3A_65 : i32
    %add3A_67 = arith.constant 480 : i32
    %add3A_68 = arith.addi %mul3A_66, %add3A_67 : i32
    "tpu.region"() ({
      %run_scoped3A_201 = tpu.sem_alloc : memref<!tpu.dma_semaphore, #tpu.memory_space<semaphore_mem>>
      %dma_start3A_202 = arith.constant 0 : i32
      %dma_start3A_203 = tpu.memref_slice %arg10[%add3A_68, %dma_start3A_202] : memref<10240x128xf32, #tpu.memory_space<vmem_shared>> -> memref<32x128xf32, #tpu.memory_space<vmem_shared>>
      %dma_start3A_204 = arith.constant 0 : i32
      %dma_start3A_205 = tpu.memref_slice %arg10[%add3A_68, %dma_start3A_204] : memref<10240x128xf32, #tpu.memory_space<vmem_shared>> -> memref<32x128xf32, #tpu.memory_space<vmem_shared>>
      tpu.enqueue_dma source(%arg9 : memref<32x128xf32, #tpu.memory_space<vmem>>) target(%dma_start3A_205 : memref<32x128xf32, #tpu.memory_space<vmem_shared>>) target_semaphore(%run_scoped3A_201 : memref<!tpu.dma_semaphore, #tpu.memory_space<semaphore_mem>>)
      %dma_wait3A_206 = arith.constant 0 : i32
      %dma_wait3A_207 = tpu.memref_slice %arg10[%add3A_68, %dma_wait3A_206] : memref<10240x128xf32, #tpu.memory_space<vmem_shared>> -> memref<32x128xf32, #tpu.memory_space<vmem_shared>>
      %dma_wait3A_208 = arith.constant 0 : i32
      %dma_wait3A_209 = tpu.memref_slice %arg10[%add3A_68, %dma_wait3A_208] : memref<10240x128xf32, #tpu.memory_space<vmem_shared>> -> memref<32x128xf32, #tpu.memory_space<vmem_shared>>
      tpu.wait_dma2 semaphore(%run_scoped3A_201 : memref<!tpu.dma_semaphore, #tpu.memory_space<semaphore_mem>>) src(%arg9 : memref<32x128xf32, #tpu.memory_space<vmem>>) dst(%dma_wait3A_209 : memref<32x128xf32, #tpu.memory_space<vmem_shared>>)
      tpu.yield
    }) : () -> ()
    %mul3A_69 = arith.constant 640 : i32
    %mul3A_70 = arith.muli %arg1, %mul3A_69 : i32
    %add3A_71 = arith.constant 512 : i32
    %add3A_72 = arith.addi %mul3A_70, %add3A_71 : i32
    "tpu.region"() ({
      %run_scoped3A_201 = tpu.sem_alloc : memref<!tpu.dma_semaphore, #tpu.memory_space<semaphore_mem>>
      %dma_start3A_202 = arith.constant 0 : i32
      %dma_start3A_203 = tpu.memref_slice %arg10[%add3A_72, %dma_start3A_202] : memref<10240x128xf32, #tpu.memory_space<vmem_shared>> -> memref<32x128xf32, #tpu.memory_space<vmem_shared>>
      %dma_start3A_204 = arith.constant 0 : i32
      %dma_start3A_205 = tpu.memref_slice %arg10[%add3A_72, %dma_start3A_204] : memref<10240x128xf32, #tpu.memory_space<vmem_shared>> -> memref<32x128xf32, #tpu.memory_space<vmem_shared>>
      tpu.enqueue_dma source(%arg9 : memref<32x128xf32, #tpu.memory_space<vmem>>) target(%dma_start3A_205 : memref<32x128xf32, #tpu.memory_space<vmem_shared>>) target_semaphore(%run_scoped3A_201 : memref<!tpu.dma_semaphore, #tpu.memory_space<semaphore_mem>>)
      %dma_wait3A_206 = arith.constant 0 : i32
      %dma_wait3A_207 = tpu.memref_slice %arg10[%add3A_72, %dma_wait3A_206] : memref<10240x128xf32, #tpu.memory_space<vmem_shared>> -> memref<32x128xf32, #tpu.memory_space<vmem_shared>>
      %dma_wait3A_208 = arith.constant 0 : i32
      %dma_wait3A_209 = tpu.memref_slice %arg10[%add3A_72, %dma_wait3A_208] : memref<10240x128xf32, #tpu.memory_space<vmem_shared>> -> memref<32x128xf32, #tpu.memory_space<vmem_shared>>
      tpu.wait_dma2 semaphore(%run_scoped3A_201 : memref<!tpu.dma_semaphore, #tpu.memory_space<semaphore_mem>>) src(%arg9 : memref<32x128xf32, #tpu.memory_space<vmem>>) dst(%dma_wait3A_209 : memref<32x128xf32, #tpu.memory_space<vmem_shared>>)
      tpu.yield
    }) : () -> ()
    %mul3A_73 = arith.constant 640 : i32
    %mul3A_74 = arith.muli %arg1, %mul3A_73 : i32
    %add3A_75 = arith.constant 544 : i32
    %add3A_76 = arith.addi %mul3A_74, %add3A_75 : i32
    "tpu.region"() ({
      %run_scoped3A_201 = tpu.sem_alloc : memref<!tpu.dma_semaphore, #tpu.memory_space<semaphore_mem>>
      %dma_start3A_202 = arith.constant 0 : i32
      %dma_start3A_203 = tpu.memref_slice %arg10[%add3A_76, %dma_start3A_202] : memref<10240x128xf32, #tpu.memory_space<vmem_shared>> -> memref<32x128xf32, #tpu.memory_space<vmem_shared>>
      %dma_start3A_204 = arith.constant 0 : i32
      %dma_start3A_205 = tpu.memref_slice %arg10[%add3A_76, %dma_start3A_204] : memref<10240x128xf32, #tpu.memory_space<vmem_shared>> -> memref<32x128xf32, #tpu.memory_space<vmem_shared>>
      tpu.enqueue_dma source(%arg9 : memref<32x128xf32, #tpu.memory_space<vmem>>) target(%dma_start3A_205 : memref<32x128xf32, #tpu.memory_space<vmem_shared>>) target_semaphore(%run_scoped3A_201 : memref<!tpu.dma_semaphore, #tpu.memory_space<semaphore_mem>>)
      %dma_wait3A_206 = arith.constant 0 : i32
      %dma_wait3A_207 = tpu.memref_slice %arg10[%add3A_76, %dma_wait3A_206] : memref<10240x128xf32, #tpu.memory_space<vmem_shared>> -> memref<32x128xf32, #tpu.memory_space<vmem_shared>>
      %dma_wait3A_208 = arith.constant 0 : i32
      %dma_wait3A_209 = tpu.memref_slice %arg10[%add3A_76, %dma_wait3A_208] : memref<10240x128xf32, #tpu.memory_space<vmem_shared>> -> memref<32x128xf32, #tpu.memory_space<vmem_shared>>
      tpu.wait_dma2 semaphore(%run_scoped3A_201 : memref<!tpu.dma_semaphore, #tpu.memory_space<semaphore_mem>>) src(%arg9 : memref<32x128xf32, #tpu.memory_space<vmem>>) dst(%dma_wait3A_209 : memref<32x128xf32, #tpu.memory_space<vmem_shared>>)
      tpu.yield
    }) : () -> ()
    %mul3A_77 = arith.constant 640 : i32
    %mul3A_78 = arith.muli %arg1, %mul3A_77 : i32
    %add3A_79 = arith.constant 576 : i32
    %add3A_80 = arith.addi %mul3A_78, %add3A_79 : i32
    "tpu.region"() ({
      %run_scoped3A_201 = tpu.sem_alloc : memref<!tpu.dma_semaphore, #tpu.memory_space<semaphore_mem>>
      %dma_start3A_202 = arith.constant 0 : i32
      %dma_start3A_203 = tpu.memref_slice %arg10[%add3A_80, %dma_start3A_202] : memref<10240x128xf32, #tpu.memory_space<vmem_shared>> -> memref<32x128xf32, #tpu.memory_space<vmem_shared>>
      %dma_start3A_204 = arith.constant 0 : i32
      %dma_start3A_205 = tpu.memref_slice %arg10[%add3A_80, %dma_start3A_204] : memref<10240x128xf32, #tpu.memory_space<vmem_shared>> -> memref<32x128xf32, #tpu.memory_space<vmem_shared>>
      tpu.enqueue_dma source(%arg9 : memref<32x128xf32, #tpu.memory_space<vmem>>) target(%dma_start3A_205 : memref<32x128xf32, #tpu.memory_space<vmem_shared>>) target_semaphore(%run_scoped3A_201 : memref<!tpu.dma_semaphore, #tpu.memory_space<semaphore_mem>>)
      %dma_wait3A_206 = arith.constant 0 : i32
      %dma_wait3A_207 = tpu.memref_slice %arg10[%add3A_80, %dma_wait3A_206] : memref<10240x128xf32, #tpu.memory_space<vmem_shared>> -> memref<32x128xf32, #tpu.memory_space<vmem_shared>>
      %dma_wait3A_208 = arith.constant 0 : i32
      %dma_wait3A_209 = tpu.memref_slice %arg10[%add3A_80, %dma_wait3A_208] : memref<10240x128xf32, #tpu.memory_space<vmem_shared>> -> memref<32x128xf32, #tpu.memory_space<vmem_shared>>
      tpu.wait_dma2 semaphore(%run_scoped3A_201 : memref<!tpu.dma_semaphore, #tpu.memory_space<semaphore_mem>>) src(%arg9 : memref<32x128xf32, #tpu.memory_space<vmem>>) dst(%dma_wait3A_209 : memref<32x128xf32, #tpu.memory_space<vmem_shared>>)
      tpu.yield
    }) : () -> ()
    %mul3A_81 = arith.constant 640 : i32
    %mul3A_82 = arith.muli %arg1, %mul3A_81 : i32
    %add3A_83 = arith.constant 608 : i32
    %add3A_84 = arith.addi %mul3A_82, %add3A_83 : i32
    "tpu.region"() ({
      %run_scoped3A_201 = tpu.sem_alloc : memref<!tpu.dma_semaphore, #tpu.memory_space<semaphore_mem>>
      %dma_start3A_202 = arith.constant 0 : i32
      %dma_start3A_203 = tpu.memref_slice %arg10[%add3A_84, %dma_start3A_202] : memref<10240x128xf32, #tpu.memory_space<vmem_shared>> -> memref<32x128xf32, #tpu.memory_space<vmem_shared>>
      %dma_start3A_204 = arith.constant 0 : i32
      %dma_start3A_205 = tpu.memref_slice %arg10[%add3A_84, %dma_start3A_204] : memref<10240x128xf32, #tpu.memory_space<vmem_shared>> -> memref<32x128xf32, #tpu.memory_space<vmem_shared>>
      tpu.enqueue_dma source(%arg9 : memref<32x128xf32, #tpu.memory_space<vmem>>) target(%dma_start3A_205 : memref<32x128xf32, #tpu.memory_space<vmem_shared>>) target_semaphore(%run_scoped3A_201 : memref<!tpu.dma_semaphore, #tpu.memory_space<semaphore_mem>>)
      %dma_wait3A_206 = arith.constant 0 : i32
      %dma_wait3A_207 = tpu.memref_slice %arg10[%add3A_84, %dma_wait3A_206] : memref<10240x128xf32, #tpu.memory_space<vmem_shared>> -> memref<32x128xf32, #tpu.memory_space<vmem_shared>>
      %dma_wait3A_208 = arith.constant 0 : i32
      %dma_wait3A_209 = tpu.memref_slice %arg10[%add3A_84, %dma_wait3A_208] : memref<10240x128xf32, #tpu.memory_space<vmem_shared>> -> memref<32x128xf32, #tpu.memory_space<vmem_shared>>
      tpu.wait_dma2 semaphore(%run_scoped3A_201 : memref<!tpu.dma_semaphore, #tpu.memory_space<semaphore_mem>>) src(%arg9 : memref<32x128xf32, #tpu.memory_space<vmem>>) dst(%dma_wait3A_209 : memref<32x128xf32, #tpu.memory_space<vmem_shared>>)
      tpu.yield
    }) : () -> ()
    %barrier3A = arith.constant 0 : index
    tpu.barrier barrier_id(%barrier3A)
    "tpu.region"() ({
      %run_scoped3A_201 = tpu.sem_alloc : memref<!tpu.dma_semaphore, #tpu.memory_space<semaphore_mem>>
      %dma_start3A_202 = arith.constant 0 : i32
      %dma_start3A_203 = arith.constant 0 : i32
      %dma_start3A_204 = tpu.memref_slice %arg3[%add3A, %dma_start3A_202, %dma_start3A_203] : memref<32x128x80xi32, #tpu.memory_space<hbm>> -> memref<1x64x80xi32, #tpu.memory_space<hbm>>
      %dma_start3A_205 = tpu.memref_squeeze %dma_start3A_204 : memref<1x64x80xi32, #tpu.memory_space<hbm>> -> memref<64x80xi32, #tpu.memory_space<hbm>>
      %dma_start3A_206 = arith.constant 0 : i32
      %dma_start3A_207 = arith.constant 0 : i32
      %dma_start3A_208 = tpu.memref_slice %arg3[%add3A, %dma_start3A_206, %dma_start3A_207] : memref<32x128x80xi32, #tpu.memory_space<hbm>> -> memref<1x64x80xi32, #tpu.memory_space<hbm>>
      %dma_start3A_209 = tpu.memref_squeeze %dma_start3A_208 : memref<1x64x80xi32, #tpu.memory_space<hbm>> -> memref<64x80xi32, #tpu.memory_space<hbm>>
      tpu.enqueue_dma source(%dma_start3A_209 : memref<64x80xi32, #tpu.memory_space<hbm>>) target(%arg6 : memref<64x80xi32, #tpu.memory_space<vmem>>) target_semaphore(%run_scoped3A_201 : memref<!tpu.dma_semaphore, #tpu.memory_space<semaphore_mem>>)
      %dma_wait3A_210 = arith.constant 0 : i32
      %dma_wait3A_211 = arith.constant 0 : i32
      %dma_wait3A_212 = tpu.memref_slice %arg3[%add3A, %dma_wait3A_210, %dma_wait3A_211] : memref<32x128x80xi32, #tpu.memory_space<hbm>> -> memref<1x64x80xi32, #tpu.memory_space<hbm>>
      %dma_wait3A_213 = tpu.memref_squeeze %dma_wait3A_212 : memref<1x64x80xi32, #tpu.memory_space<hbm>> -> memref<64x80xi32, #tpu.memory_space<hbm>>
      %dma_wait3A_214 = arith.constant 0 : i32
      %dma_wait3A_215 = arith.constant 0 : i32
      %dma_wait3A_216 = tpu.memref_slice %arg3[%add3A, %dma_wait3A_214, %dma_wait3A_215] : memref<32x128x80xi32, #tpu.memory_space<hbm>> -> memref<1x64x80xi32, #tpu.memory_space<hbm>>
      %dma_wait3A_217 = tpu.memref_squeeze %dma_wait3A_216 : memref<1x64x80xi32, #tpu.memory_space<hbm>> -> memref<64x80xi32, #tpu.memory_space<hbm>>
      tpu.wait_dma2 semaphore(%run_scoped3A_201 : memref<!tpu.dma_semaphore, #tpu.memory_space<semaphore_mem>>) src(%dma_wait3A_217 : memref<64x80xi32, #tpu.memory_space<hbm>>) dst(%arg6 : memref<64x80xi32, #tpu.memory_space<vmem>>)
      tpu.yield
    }) : () -> ()
    "tpu.region"() ({
      %run_scoped3A_201 = tpu.sem_alloc : memref<!tpu.dma_semaphore, #tpu.memory_space<semaphore_mem>>
      %dma_start3A_202 = arith.constant 0 : i32
      %dma_start3A_203 = arith.constant 0 : i32
      %dma_start3A_204 = tpu.memref_slice %arg4[%add3A, %dma_start3A_202, %dma_start3A_203] : memref<32x128x80xi32, #tpu.memory_space<hbm>> -> memref<1x64x80xi32, #tpu.memory_space<hbm>>
      %dma_start3A_205 = tpu.memref_squeeze %dma_start3A_204 : memref<1x64x80xi32, #tpu.memory_space<hbm>> -> memref<64x80xi32, #tpu.memory_space<hbm>>
      %dma_start3A_206 = arith.constant 0 : i32
      %dma_start3A_207 = arith.constant 0 : i32
      %dma_start3A_208 = tpu.memref_slice %arg4[%add3A, %dma_start3A_206, %dma_start3A_207] : memref<32x128x80xi32, #tpu.memory_space<hbm>> -> memref<1x64x80xi32, #tpu.memory_space<hbm>>
      %dma_start3A_209 = tpu.memref_squeeze %dma_start3A_208 : memref<1x64x80xi32, #tpu.memory_space<hbm>> -> memref<64x80xi32, #tpu.memory_space<hbm>>
      tpu.enqueue_dma source(%dma_start3A_209 : memref<64x80xi32, #tpu.memory_space<hbm>>) target(%arg7 : memref<64x80xi32, #tpu.memory_space<vmem>>) target_semaphore(%run_scoped3A_201 : memref<!tpu.dma_semaphore, #tpu.memory_space<semaphore_mem>>)
      %dma_wait3A_210 = arith.constant 0 : i32
      %dma_wait3A_211 = arith.constant 0 : i32
      %dma_wait3A_212 = tpu.memref_slice %arg4[%add3A, %dma_wait3A_210, %dma_wait3A_211] : memref<32x128x80xi32, #tpu.memory_space<hbm>> -> memref<1x64x80xi32, #tpu.memory_space<hbm>>
      %dma_wait3A_213 = tpu.memref_squeeze %dma_wait3A_212 : memref<1x64x80xi32, #tpu.memory_space<hbm>> -> memref<64x80xi32, #tpu.memory_space<hbm>>
      %dma_wait3A_214 = arith.constant 0 : i32
      %dma_wait3A_215 = arith.constant 0 : i32
      %dma_wait3A_216 = tpu.memref_slice %arg4[%add3A, %dma_wait3A_214, %dma_wait3A_215] : memref<32x128x80xi32, #tpu.memory_space<hbm>> -> memref<1x64x80xi32, #tpu.memory_space<hbm>>
      %dma_wait3A_217 = tpu.memref_squeeze %dma_wait3A_216 : memref<1x64x80xi32, #tpu.memory_space<hbm>> -> memref<64x80xi32, #tpu.memory_space<hbm>>
      tpu.wait_dma2 semaphore(%run_scoped3A_201 : memref<!tpu.dma_semaphore, #tpu.memory_space<semaphore_mem>>) src(%dma_wait3A_217 : memref<64x80xi32, #tpu.memory_space<hbm>>) dst(%arg7 : memref<64x80xi32, #tpu.memory_space<vmem>>)
      tpu.yield
    }) : () -> ()
    %dma_start3A = arith.constant 0 : i32
    %dma_start3A_85 = arith.constant 0 : i32
    %dma_start3A_86 = arith.constant 0 : i32
    %dma_start3A_87 = arith.constant 0 : i32
    %dma_start3A_88 = tpu.memref_slice %arg8[%dma_start3A_85, %dma_start3A_86, %dma_start3A_87] : memref<2x80x128xf32, #tpu.memory_space<vmem>> -> memref<1x80x128xf32, #tpu.memory_space<vmem>>
    %dma_start3A_89 = tpu.memref_squeeze %dma_start3A_88 : memref<1x80x128xf32, #tpu.memory_space<vmem>> -> memref<80x128xf32, #tpu.memory_space<vmem>>
    %dma_start3A_90 = arith.constant 0 : i32
    %dma_start3A_91 = tpu.memref_slice %arg6[%dma_start3A, %dma_start3A_90] : memref<64x80xi32, #tpu.memory_space<vmem>> -> memref<1x80xi32, #tpu.memory_space<vmem>>
    %dma_start3A_92 = tpu.memref_squeeze %dma_start3A_91 : memref<1x80xi32, #tpu.memory_space<vmem>> -> memref<80xi32, #tpu.memory_space<vmem>>
    %dma_start3A_93 = arith.constant 0 : i32
    %dma_start3A_94 = arith.constant 0 : i32
    %dma_start3A_95 = tpu.memref_slice %arg2[%dma_start3A_93, %dma_start3A_94] : memref<10000x128xf32, #tpu.memory_space<hbm>> -> memref<10000x128xf32, #tpu.memory_space<hbm>>
    tpu.enqueue_indirect_dma source(%dma_start3A_95 : memref<10000x128xf32, #tpu.memory_space<hbm>>) target(%dma_start3A_89 : memref<80x128xf32, #tpu.memory_space<vmem>>) offsets(%dma_start3A_92 : memref<80xi32, #tpu.memory_space<vmem>>) semaphore(%arg11 : memref<!tpu.dma_semaphore, #tpu.memory_space<semaphore_mem>>)
    %dma_start3A_96 = arith.constant 1 : i32
    %dma_start3A_97 = arith.constant 1 : i32
    %dma_start3A_98 = arith.constant 0 : i32
    %dma_start3A_99 = arith.constant 0 : i32
    %dma_start3A_100 = tpu.memref_slice %arg8[%dma_start3A_97, %dma_start3A_98, %dma_start3A_99] : memref<2x80x128xf32, #tpu.memory_space<vmem>> -> memref<1x80x128xf32, #tpu.memory_space<vmem>>
    %dma_start3A_101 = tpu.memref_squeeze %dma_start3A_100 : memref<1x80x128xf32, #tpu.memory_space<vmem>> -> memref<80x128xf32, #tpu.memory_space<vmem>>
    %dma_start3A_102 = arith.constant 0 : i32
    %dma_start3A_103 = tpu.memref_slice %arg6[%dma_start3A_96, %dma_start3A_102] : memref<64x80xi32, #tpu.memory_space<vmem>> -> memref<1x80xi32, #tpu.memory_space<vmem>>
    %dma_start3A_104 = tpu.memref_squeeze %dma_start3A_103 : memref<1x80xi32, #tpu.memory_space<vmem>> -> memref<80xi32, #tpu.memory_space<vmem>>
    %dma_start3A_105 = arith.constant 0 : i32
    %dma_start3A_106 = arith.constant 0 : i32
    %dma_start3A_107 = tpu.memref_slice %arg2[%dma_start3A_105, %dma_start3A_106] : memref<10000x128xf32, #tpu.memory_space<hbm>> -> memref<10000x128xf32, #tpu.memory_space<hbm>>
    tpu.enqueue_indirect_dma source(%dma_start3A_107 : memref<10000x128xf32, #tpu.memory_space<hbm>>) target(%dma_start3A_101 : memref<80x128xf32, #tpu.memory_space<vmem>>) offsets(%dma_start3A_104 : memref<80xi32, #tpu.memory_space<vmem>>) semaphore(%arg12 : memref<!tpu.dma_semaphore, #tpu.memory_space<semaphore_mem>>)
    %scan3A_108 = arith.constant 0 : i32
    %scan3A_109 = arith.constant 31 : i32
    %scan3A_110 = arith.addi %scan3A_108, %scan3A_109 : i32
    %scan3A_111 = arith.constant 1 : i32
    scf.for %scan3A_201 = %scan3A_108 to %scan3A_110 step %scan3A_111  : i32 {
      %mul3A_202 = arith.constant 1 : i32
      %mul3A_203 = arith.muli %scan3A_201, %mul3A_202 : i32
      %add3A_204 = arith.constant 0 : i32
      %add3A_205 = arith.addi %add3A_204, %mul3A_203 : i32
      %mul3A_206 = arith.constant 2 : i32
      %mul3A_207 = arith.muli %mul3A_206, %add3A_205 : i32
      %add3A_208 = arith.constant 0 : i32
      %add3A_209 = arith.addi %mul3A_207, %add3A_208 : i32
      %dma_wait3A_210 = arith.constant 0 : i32
      %dma_wait3A_211 = arith.constant 0 : i32
      %dma_wait3A_212 = arith.constant 0 : i32
      %dma_wait3A_213 = tpu.memref_slice %arg8[%dma_wait3A_210, %dma_wait3A_211, %dma_wait3A_212] : memref<2x80x128xf32, #tpu.memory_space<vmem>> -> memref<1x80x128xf32, #tpu.memory_space<vmem>>
      %dma_wait3A_214 = tpu.memref_squeeze %dma_wait3A_213 : memref<1x80x128xf32, #tpu.memory_space<vmem>> -> memref<80x128xf32, #tpu.memory_space<vmem>>
      %dma_wait3A_215 = arith.constant 0 : i32
      %dma_wait3A_216 = tpu.memref_slice %arg6[%add3A_209, %dma_wait3A_215] : memref<64x80xi32, #tpu.memory_space<vmem>> -> memref<1x80xi32, #tpu.memory_space<vmem>>
      %dma_wait3A_217 = tpu.memref_squeeze %dma_wait3A_216 : memref<1x80xi32, #tpu.memory_space<vmem>> -> memref<80xi32, #tpu.memory_space<vmem>>
      %dma_wait3A_218 = arith.constant 0 : i32
      %dma_wait3A_219 = arith.constant 0 : i32
      %dma_wait3A_220 = tpu.memref_slice %arg2[%dma_wait3A_218, %dma_wait3A_219] : memref<10000x128xf32, #tpu.memory_space<hbm>> -> memref<10000x128xf32, #tpu.memory_space<hbm>>
      tpu.wait_indirect_dma semaphore(%arg11 : memref<!tpu.dma_semaphore, #tpu.memory_space<semaphore_mem>>) src(%dma_wait3A_220 : memref<10000x128xf32, #tpu.memory_space<hbm>>) dst(%dma_wait3A_214 : memref<80x128xf32, #tpu.memory_space<vmem>>)
      %run_scoped3A_221 = arith.constant 0 : i32
      "tpu.region"() ({
        %run_scoped3A_264 = tpu.sem_alloc : memref<!tpu.dma_semaphore, #tpu.memory_space<semaphore_mem>>
        %dma_start3A_265 = arith.constant 0 : i32
        %dma_start3A_266 = arith.constant 0 : i32
        %dma_start3A_267 = tpu.memref_slice %arg8[%run_scoped3A_221, %dma_start3A_265, %dma_start3A_266] : memref<2x80x128xf32, #tpu.memory_space<vmem>> -> memref<1x80x128xf32, #tpu.memory_space<vmem>>
        %dma_start3A_268 = tpu.memref_squeeze %dma_start3A_267 : memref<1x80x128xf32, #tpu.memory_space<vmem>> -> memref<80x128xf32, #tpu.memory_space<vmem>>
        %dma_start3A_269 = arith.constant 0 : i32
        %dma_start3A_270 = tpu.memref_slice %arg7[%add3A_209, %dma_start3A_269] : memref<64x80xi32, #tpu.memory_space<vmem>> -> memref<1x80xi32, #tpu.memory_space<vmem>>
        %dma_start3A_271 = tpu.memref_squeeze %dma_start3A_270 : memref<1x80xi32, #tpu.memory_space<vmem>> -> memref<80xi32, #tpu.memory_space<vmem>>
        %dma_start3A_272 = arith.constant 0 : i32
        %dma_start3A_273 = arith.constant 0 : i32
        %dma_start3A_274 = tpu.memref_slice %arg10[%dma_start3A_272, %dma_start3A_273] : memref<10240x128xf32, #tpu.memory_space<vmem_shared>> -> memref<10240x128xf32, #tpu.memory_space<vmem_shared>>
        tpu.enqueue_indirect_dma source(%dma_start3A_268 : memref<80x128xf32, #tpu.memory_space<vmem>>) target(%dma_start3A_274 : memref<10240x128xf32, #tpu.memory_space<vmem_shared>>) offsets(%dma_start3A_271 : memref<80xi32, #tpu.memory_space<vmem>>) semaphore(%run_scoped3A_264 : memref<!tpu.dma_semaphore, #tpu.memory_space<semaphore_mem>>) {add = true}
        %dma_wait3A_275 = arith.constant 0 : i32
        %dma_wait3A_276 = arith.constant 0 : i32
        %dma_wait3A_277 = tpu.memref_slice %arg8[%run_scoped3A_221, %dma_wait3A_275, %dma_wait3A_276] : memref<2x80x128xf32, #tpu.memory_space<vmem>> -> memref<1x80x128xf32, #tpu.memory_space<vmem>>
        %dma_wait3A_278 = tpu.memref_squeeze %dma_wait3A_277 : memref<1x80x128xf32, #tpu.memory_space<vmem>> -> memref<80x128xf32, #tpu.memory_space<vmem>>
        %dma_wait3A_279 = arith.constant 0 : i32
        %dma_wait3A_280 = tpu.memref_slice %arg7[%add3A_209, %dma_wait3A_279] : memref<64x80xi32, #tpu.memory_space<vmem>> -> memref<1x80xi32, #tpu.memory_space<vmem>>
        %dma_wait3A_281 = tpu.memref_squeeze %dma_wait3A_280 : memref<1x80xi32, #tpu.memory_space<vmem>> -> memref<80xi32, #tpu.memory_space<vmem>>
        %dma_wait3A_282 = arith.constant 0 : i32
        %dma_wait3A_283 = arith.constant 0 : i32
        %dma_wait3A_284 = tpu.memref_slice %arg10[%dma_wait3A_282, %dma_wait3A_283] : memref<10240x128xf32, #tpu.memory_space<vmem_shared>> -> memref<10240x128xf32, #tpu.memory_space<vmem_shared>>
        tpu.wait_indirect_dma semaphore(%run_scoped3A_264 : memref<!tpu.dma_semaphore, #tpu.memory_space<semaphore_mem>>) src(%dma_wait3A_278 : memref<80x128xf32, #tpu.memory_space<vmem>>) dst(%dma_wait3A_284 : memref<10240x128xf32, #tpu.memory_space<vmem_shared>>)
        tpu.yield
      }) : () -> ()
      %add3A_222 = arith.constant 2 : i32
      %add3A_223 = arith.addi %add3A_209, %add3A_222 : i32
      %dma_start3A_224 = arith.constant 0 : i32
      %dma_start3A_225 = arith.constant 0 : i32
      %dma_start3A_226 = arith.constant 0 : i32
      %dma_start3A_227 = tpu.memref_slice %arg8[%dma_start3A_224, %dma_start3A_225, %dma_start3A_226] : memref<2x80x128xf32, #tpu.memory_space<vmem>> -> memref<1x80x128xf32, #tpu.memory_space<vmem>>
      %dma_start3A_228 = tpu.memref_squeeze %dma_start3A_227 : memref<1x80x128xf32, #tpu.memory_space<vmem>> -> memref<80x128xf32, #tpu.memory_space<vmem>>
      %dma_start3A_229 = arith.constant 0 : i32
      %dma_start3A_230 = tpu.memref_slice %arg6[%add3A_223, %dma_start3A_229] : memref<64x80xi32, #tpu.memory_space<vmem>> -> memref<1x80xi32, #tpu.memory_space<vmem>>
      %dma_start3A_231 = tpu.memref_squeeze %dma_start3A_230 : memref<1x80xi32, #tpu.memory_space<vmem>> -> memref<80xi32, #tpu.memory_space<vmem>>
      %dma_start3A_232 = arith.constant 0 : i32
      %dma_start3A_233 = arith.constant 0 : i32
      %dma_start3A_234 = tpu.memref_slice %arg2[%dma_start3A_232, %dma_start3A_233] : memref<10000x128xf32, #tpu.memory_space<hbm>> -> memref<10000x128xf32, #tpu.memory_space<hbm>>
      tpu.enqueue_indirect_dma source(%dma_start3A_234 : memref<10000x128xf32, #tpu.memory_space<hbm>>) target(%dma_start3A_228 : memref<80x128xf32, #tpu.memory_space<vmem>>) offsets(%dma_start3A_231 : memref<80xi32, #tpu.memory_space<vmem>>) semaphore(%arg11 : memref<!tpu.dma_semaphore, #tpu.memory_space<semaphore_mem>>)
      %mul3A_235 = arith.constant 2 : i32
      %mul3A_236 = arith.muli %mul3A_235, %add3A_205 : i32
      %add3A_237 = arith.constant 1 : i32
      %add3A_238 = arith.addi %mul3A_236, %add3A_237 : i32
      %dma_wait3A_239 = arith.constant 1 : i32
      %dma_wait3A_240 = arith.constant 0 : i32
      %dma_wait3A_241 = arith.constant 0 : i32
      %dma_wait3A_242 = tpu.memref_slice %arg8[%dma_wait3A_239, %dma_wait3A_240, %dma_wait3A_241] : memref<2x80x128xf32, #tpu.memory_space<vmem>> -> memref<1x80x128xf32, #tpu.memory_space<vmem>>
      %dma_wait3A_243 = tpu.memref_squeeze %dma_wait3A_242 : memref<1x80x128xf32, #tpu.memory_space<vmem>> -> memref<80x128xf32, #tpu.memory_space<vmem>>
      %dma_wait3A_244 = arith.constant 0 : i32
      %dma_wait3A_245 = tpu.memref_slice %arg6[%add3A_238, %dma_wait3A_244] : memref<64x80xi32, #tpu.memory_space<vmem>> -> memref<1x80xi32, #tpu.memory_space<vmem>>
      %dma_wait3A_246 = tpu.memref_squeeze %dma_wait3A_245 : memref<1x80xi32, #tpu.memory_space<vmem>> -> memref<80xi32, #tpu.memory_space<vmem>>
      %dma_wait3A_247 = arith.constant 0 : i32
      %dma_wait3A_248 = arith.constant 0 : i32
      %dma_wait3A_249 = tpu.memref_slice %arg2[%dma_wait3A_247, %dma_wait3A_248] : memref<10000x128xf32, #tpu.memory_space<hbm>> -> memref<10000x128xf32, #tpu.memory_space<hbm>>
      tpu.wait_indirect_dma semaphore(%arg12 : memref<!tpu.dma_semaphore, #tpu.memory_space<semaphore_mem>>) src(%dma_wait3A_249 : memref<10000x128xf32, #tpu.memory_space<hbm>>) dst(%dma_wait3A_243 : memref<80x128xf32, #tpu.memory_space<vmem>>)
      %run_scoped3A_250 = arith.constant 1 : i32
      "tpu.region"() ({
        %run_scoped3A_264 = tpu.sem_alloc : memref<!tpu.dma_semaphore, #tpu.memory_space<semaphore_mem>>
        %dma_start3A_265 = arith.constant 0 : i32
        %dma_start3A_266 = arith.constant 0 : i32
        %dma_start3A_267 = tpu.memref_slice %arg8[%run_scoped3A_250, %dma_start3A_265, %dma_start3A_266] : memref<2x80x128xf32, #tpu.memory_space<vmem>> -> memref<1x80x128xf32, #tpu.memory_space<vmem>>
        %dma_start3A_268 = tpu.memref_squeeze %dma_start3A_267 : memref<1x80x128xf32, #tpu.memory_space<vmem>> -> memref<80x128xf32, #tpu.memory_space<vmem>>
        %dma_start3A_269 = arith.constant 0 : i32
        %dma_start3A_270 = tpu.memref_slice %arg7[%add3A_238, %dma_start3A_269] : memref<64x80xi32, #tpu.memory_space<vmem>> -> memref<1x80xi32, #tpu.memory_space<vmem>>
        %dma_start3A_271 = tpu.memref_squeeze %dma_start3A_270 : memref<1x80xi32, #tpu.memory_space<vmem>> -> memref<80xi32, #tpu.memory_space<vmem>>
        %dma_start3A_272 = arith.constant 0 : i32
        %dma_start3A_273 = arith.constant 0 : i32
        %dma_start3A_274 = tpu.memref_slice %arg10[%dma_start3A_272, %dma_start3A_273] : memref<10240x128xf32, #tpu.memory_space<vmem_shared>> -> memref<10240x128xf32, #tpu.memory_space<vmem_shared>>
        tpu.enqueue_indirect_dma source(%dma_start3A_268 : memref<80x128xf32, #tpu.memory_space<vmem>>) target(%dma_start3A_274 : memref<10240x128xf32, #tpu.memory_space<vmem_shared>>) offsets(%dma_start3A_271 : memref<80xi32, #tpu.memory_space<vmem>>) semaphore(%run_scoped3A_264 : memref<!tpu.dma_semaphore, #tpu.memory_space<semaphore_mem>>) {add = true}
        %dma_wait3A_275 = arith.constant 0 : i32
        %dma_wait3A_276 = arith.constant 0 : i32
        %dma_wait3A_277 = tpu.memref_slice %arg8[%run_scoped3A_250, %dma_wait3A_275, %dma_wait3A_276] : memref<2x80x128xf32, #tpu.memory_space<vmem>> -> memref<1x80x128xf32, #tpu.memory_space<vmem>>
        %dma_wait3A_278 = tpu.memref_squeeze %dma_wait3A_277 : memref<1x80x128xf32, #tpu.memory_space<vmem>> -> memref<80x128xf32, #tpu.memory_space<vmem>>
        %dma_wait3A_279 = arith.constant 0 : i32
        %dma_wait3A_280 = tpu.memref_slice %arg7[%add3A_238, %dma_wait3A_279] : memref<64x80xi32, #tpu.memory_space<vmem>> -> memref<1x80xi32, #tpu.memory_space<vmem>>
        %dma_wait3A_281 = tpu.memref_squeeze %dma_wait3A_280 : memref<1x80xi32, #tpu.memory_space<vmem>> -> memref<80xi32, #tpu.memory_space<vmem>>
        %dma_wait3A_282 = arith.constant 0 : i32
        %dma_wait3A_283 = arith.constant 0 : i32
        %dma_wait3A_284 = tpu.memref_slice %arg10[%dma_wait3A_282, %dma_wait3A_283] : memref<10240x128xf32, #tpu.memory_space<vmem_shared>> -> memref<10240x128xf32, #tpu.memory_space<vmem_shared>>
        tpu.wait_indirect_dma semaphore(%run_scoped3A_264 : memref<!tpu.dma_semaphore, #tpu.memory_space<semaphore_mem>>) src(%dma_wait3A_278 : memref<80x128xf32, #tpu.memory_space<vmem>>) dst(%dma_wait3A_284 : memref<10240x128xf32, #tpu.memory_space<vmem_shared>>)
        tpu.yield
      }) : () -> ()
      %add3A_251 = arith.constant 2 : i32
      %add3A_252 = arith.addi %add3A_238, %add3A_251 : i32
      %dma_start3A_253 = arith.constant 1 : i32
      %dma_start3A_254 = arith.constant 0 : i32
      %dma_start3A_255 = arith.constant 0 : i32
      %dma_start3A_256 = tpu.memref_slice %arg8[%dma_start3A_253, %dma_start3A_254, %dma_start3A_255] : memref<2x80x128xf32, #tpu.memory_space<vmem>> -> memref<1x80x128xf32, #tpu.memory_space<vmem>>
      %dma_start3A_257 = tpu.memref_squeeze %dma_start3A_256 : memref<1x80x128xf32, #tpu.memory_space<vmem>> -> memref<80x128xf32, #tpu.memory_space<vmem>>
      %dma_start3A_258 = arith.constant 0 : i32
      %dma_start3A_259 = tpu.memref_slice %arg6[%add3A_252, %dma_start3A_258] : memref<64x80xi32, #tpu.memory_space<vmem>> -> memref<1x80xi32, #tpu.memory_space<vmem>>
      %dma_start3A_260 = tpu.memref_squeeze %dma_start3A_259 : memref<1x80xi32, #tpu.memory_space<vmem>> -> memref<80xi32, #tpu.memory_space<vmem>>
      %dma_start3A_261 = arith.constant 0 : i32
      %dma_start3A_262 = arith.constant 0 : i32
      %dma_start3A_263 = tpu.memref_slice %arg2[%dma_start3A_261, %dma_start3A_262] : memref<10000x128xf32, #tpu.memory_space<hbm>> -> memref<10000x128xf32, #tpu.memory_space<hbm>>
      tpu.enqueue_indirect_dma source(%dma_start3A_263 : memref<10000x128xf32, #tpu.memory_space<hbm>>) target(%dma_start3A_257 : memref<80x128xf32, #tpu.memory_space<vmem>>) offsets(%dma_start3A_260 : memref<80xi32, #tpu.memory_space<vmem>>) semaphore(%arg12 : memref<!tpu.dma_semaphore, #tpu.memory_space<semaphore_mem>>)
    }
    %scan3A_112 = arith.constant 31 : i32
    %dma_wait3A = arith.constant 62 : i32
    %dma_wait3A_113 = arith.constant 0 : i32
    %dma_wait3A_114 = arith.constant 0 : i32
    %dma_wait3A_115 = arith.constant 0 : i32
    %dma_wait3A_116 = tpu.memref_slice %arg8[%dma_wait3A_113, %dma_wait3A_114, %dma_wait3A_115] : memref<2x80x128xf32, #tpu.memory_space<vmem>> -> memref<1x80x128xf32, #tpu.memory_space<vmem>>
    %dma_wait3A_117 = tpu.memref_squeeze %dma_wait3A_116 : memref<1x80x128xf32, #tpu.memory_space<vmem>> -> memref<80x128xf32, #tpu.memory_space<vmem>>
    %dma_wait3A_118 = arith.constant 0 : i32
    %dma_wait3A_119 = tpu.memref_slice %arg6[%dma_wait3A, %dma_wait3A_118] : memref<64x80xi32, #tpu.memory_space<vmem>> -> memref<1x80xi32, #tpu.memory_space<vmem>>
    %dma_wait3A_120 = tpu.memref_squeeze %dma_wait3A_119 : memref<1x80xi32, #tpu.memory_space<vmem>> -> memref<80xi32, #tpu.memory_space<vmem>>
    %dma_wait3A_121 = arith.constant 0 : i32
    %dma_wait3A_122 = arith.constant 0 : i32
    %dma_wait3A_123 = tpu.memref_slice %arg2[%dma_wait3A_121, %dma_wait3A_122] : memref<10000x128xf32, #tpu.memory_space<hbm>> -> memref<10000x128xf32, #tpu.memory_space<hbm>>
    tpu.wait_indirect_dma semaphore(%arg11 : memref<!tpu.dma_semaphore, #tpu.memory_space<semaphore_mem>>) src(%dma_wait3A_123 : memref<10000x128xf32, #tpu.memory_space<hbm>>) dst(%dma_wait3A_117 : memref<80x128xf32, #tpu.memory_space<vmem>>)
    %run_scoped3A = arith.constant 0 : i32
    %run_scoped3A_124 = arith.constant 62 : i32
    "tpu.region"() ({
      %run_scoped3A_201 = tpu.sem_alloc : memref<!tpu.dma_semaphore, #tpu.memory_space<semaphore_mem>>
      %dma_start3A_202 = arith.constant 0 : i32
      %dma_start3A_203 = arith.constant 0 : i32
      %dma_start3A_204 = tpu.memref_slice %arg8[%run_scoped3A, %dma_start3A_202, %dma_start3A_203] : memref<2x80x128xf32, #tpu.memory_space<vmem>> -> memref<1x80x128xf32, #tpu.memory_space<vmem>>
      %dma_start3A_205 = tpu.memref_squeeze %dma_start3A_204 : memref<1x80x128xf32, #tpu.memory_space<vmem>> -> memref<80x128xf32, #tpu.memory_space<vmem>>
      %dma_start3A_206 = arith.constant 0 : i32
      %dma_start3A_207 = tpu.memref_slice %arg7[%run_scoped3A_124, %dma_start3A_206] : memref<64x80xi32, #tpu.memory_space<vmem>> -> memref<1x80xi32, #tpu.memory_space<vmem>>
      %dma_start3A_208 = tpu.memref_squeeze %dma_start3A_207 : memref<1x80xi32, #tpu.memory_space<vmem>> -> memref<80xi32, #tpu.memory_space<vmem>>
      %dma_start3A_209 = arith.constant 0 : i32
      %dma_start3A_210 = arith.constant 0 : i32
      %dma_start3A_211 = tpu.memref_slice %arg10[%dma_start3A_209, %dma_start3A_210] : memref<10240x128xf32, #tpu.memory_space<vmem_shared>> -> memref<10240x128xf32, #tpu.memory_space<vmem_shared>>
      tpu.enqueue_indirect_dma source(%dma_start3A_205 : memref<80x128xf32, #tpu.memory_space<vmem>>) target(%dma_start3A_211 : memref<10240x128xf32, #tpu.memory_space<vmem_shared>>) offsets(%dma_start3A_208 : memref<80xi32, #tpu.memory_space<vmem>>) semaphore(%run_scoped3A_201 : memref<!tpu.dma_semaphore, #tpu.memory_space<semaphore_mem>>) {add = true}
      %dma_wait3A_212 = arith.constant 0 : i32
      %dma_wait3A_213 = arith.constant 0 : i32
      %dma_wait3A_214 = tpu.memref_slice %arg8[%run_scoped3A, %dma_wait3A_212, %dma_wait3A_213] : memref<2x80x128xf32, #tpu.memory_space<vmem>> -> memref<1x80x128xf32, #tpu.memory_space<vmem>>
      %dma_wait3A_215 = tpu.memref_squeeze %dma_wait3A_214 : memref<1x80x128xf32, #tpu.memory_space<vmem>> -> memref<80x128xf32, #tpu.memory_space<vmem>>
      %dma_wait3A_216 = arith.constant 0 : i32
      %dma_wait3A_217 = tpu.memref_slice %arg7[%run_scoped3A_124, %dma_wait3A_216] : memref<64x80xi32, #tpu.memory_space<vmem>> -> memref<1x80xi32, #tpu.memory_space<vmem>>
      %dma_wait3A_218 = tpu.memref_squeeze %dma_wait3A_217 : memref<1x80xi32, #tpu.memory_space<vmem>> -> memref<80xi32, #tpu.memory_space<vmem>>
      %dma_wait3A_219 = arith.constant 0 : i32
      %dma_wait3A_220 = arith.constant 0 : i32
      %dma_wait3A_221 = tpu.memref_slice %arg10[%dma_wait3A_219, %dma_wait3A_220] : memref<10240x128xf32, #tpu.memory_space<vmem_shared>> -> memref<10240x128xf32, #tpu.memory_space<vmem_shared>>
      tpu.wait_indirect_dma semaphore(%run_scoped3A_201 : memref<!tpu.dma_semaphore, #tpu.memory_space<semaphore_mem>>) src(%dma_wait3A_215 : memref<80x128xf32, #tpu.memory_space<vmem>>) dst(%dma_wait3A_221 : memref<10240x128xf32, #tpu.memory_space<vmem_shared>>)
      tpu.yield
    }) : () -> ()
    %dma_wait3A_125 = arith.constant 63 : i32
    %dma_wait3A_126 = arith.constant 1 : i32
    %dma_wait3A_127 = arith.constant 0 : i32
    %dma_wait3A_128 = arith.constant 0 : i32
    %dma_wait3A_129 = tpu.memref_slice %arg8[%dma_wait3A_126, %dma_wait3A_127, %dma_wait3A_128] : memref<2x80x128xf32, #tpu.memory_space<vmem>> -> memref<1x80x128xf32, #tpu.memory_space<vmem>>
    %dma_wait3A_130 = tpu.memref_squeeze %dma_wait3A_129 : memref<1x80x128xf32, #tpu.memory_space<vmem>> -> memref<80x128xf32, #tpu.memory_space<vmem>>
    %dma_wait3A_131 = arith.constant 0 : i32
    %dma_wait3A_132 = tpu.memref_slice %arg6[%dma_wait3A_125, %dma_wait3A_131] : memref<64x80xi32, #tpu.memory_space<vmem>> -> memref<1x80xi32, #tpu.memory_space<vmem>>
    %dma_wait3A_133 = tpu.memref_squeeze %dma_wait3A_132 : memref<1x80xi32, #tpu.memory_space<vmem>> -> memref<80xi32, #tpu.memory_space<vmem>>
    %dma_wait3A_134 = arith.constant 0 : i32
    %dma_wait3A_135 = arith.constant 0 : i32
    %dma_wait3A_136 = tpu.memref_slice %arg2[%dma_wait3A_134, %dma_wait3A_135] : memref<10000x128xf32, #tpu.memory_space<hbm>> -> memref<10000x128xf32, #tpu.memory_space<hbm>>
    tpu.wait_indirect_dma semaphore(%arg12 : memref<!tpu.dma_semaphore, #tpu.memory_space<semaphore_mem>>) src(%dma_wait3A_136 : memref<10000x128xf32, #tpu.memory_space<hbm>>) dst(%dma_wait3A_130 : memref<80x128xf32, #tpu.memory_space<vmem>>)
    %run_scoped3A_137 = arith.constant 1 : i32
    %run_scoped3A_138 = arith.constant 63 : i32
    "tpu.region"() ({
      %run_scoped3A_201 = tpu.sem_alloc : memref<!tpu.dma_semaphore, #tpu.memory_space<semaphore_mem>>
      %dma_start3A_202 = arith.constant 0 : i32
      %dma_start3A_203 = arith.constant 0 : i32
      %dma_start3A_204 = tpu.memref_slice %arg8[%run_scoped3A_137, %dma_start3A_202, %dma_start3A_203] : memref<2x80x128xf32, #tpu.memory_space<vmem>> -> memref<1x80x128xf32, #tpu.memory_space<vmem>>
      %dma_start3A_205 = tpu.memref_squeeze %dma_start3A_204 : memref<1x80x128xf32, #tpu.memory_space<vmem>> -> memref<80x128xf32, #tpu.memory_space<vmem>>
      %dma_start3A_206 = arith.constant 0 : i32
      %dma_start3A_207 = tpu.memref_slice %arg7[%run_scoped3A_138, %dma_start3A_206] : memref<64x80xi32, #tpu.memory_space<vmem>> -> memref<1x80xi32, #tpu.memory_space<vmem>>
      %dma_start3A_208 = tpu.memref_squeeze %dma_start3A_207 : memref<1x80xi32, #tpu.memory_space<vmem>> -> memref<80xi32, #tpu.memory_space<vmem>>
      %dma_start3A_209 = arith.constant 0 : i32
      %dma_start3A_210 = arith.constant 0 : i32
      %dma_start3A_211 = tpu.memref_slice %arg10[%dma_start3A_209, %dma_start3A_210] : memref<10240x128xf32, #tpu.memory_space<vmem_shared>> -> memref<10240x128xf32, #tpu.memory_space<vmem_shared>>
      tpu.enqueue_indirect_dma source(%dma_start3A_205 : memref<80x128xf32, #tpu.memory_space<vmem>>) target(%dma_start3A_211 : memref<10240x128xf32, #tpu.memory_space<vmem_shared>>) offsets(%dma_start3A_208 : memref<80xi32, #tpu.memory_space<vmem>>) semaphore(%run_scoped3A_201 : memref<!tpu.dma_semaphore, #tpu.memory_space<semaphore_mem>>) {add = true}
      %dma_wait3A_212 = arith.constant 0 : i32
      %dma_wait3A_213 = arith.constant 0 : i32
      %dma_wait3A_214 = tpu.memref_slice %arg8[%run_scoped3A_137, %dma_wait3A_212, %dma_wait3A_213] : memref<2x80x128xf32, #tpu.memory_space<vmem>> -> memref<1x80x128xf32, #tpu.memory_space<vmem>>
      %dma_wait3A_215 = tpu.memref_squeeze %dma_wait3A_214 : memref<1x80x128xf32, #tpu.memory_space<vmem>> -> memref<80x128xf32, #tpu.memory_space<vmem>>
      %dma_wait3A_216 = arith.constant 0 : i32
      %dma_wait3A_217 = tpu.memref_slice %arg7[%run_scoped3A_138, %dma_wait3A_216] : memref<64x80xi32, #tpu.memory_space<vmem>> -> memref<1x80xi32, #tpu.memory_space<vmem>>
      %dma_wait3A_218 = tpu.memref_squeeze %dma_wait3A_217 : memref<1x80xi32, #tpu.memory_space<vmem>> -> memref<80xi32, #tpu.memory_space<vmem>>
      %dma_wait3A_219 = arith.constant 0 : i32
      %dma_wait3A_220 = arith.constant 0 : i32
      %dma_wait3A_221 = tpu.memref_slice %arg10[%dma_wait3A_219, %dma_wait3A_220] : memref<10240x128xf32, #tpu.memory_space<vmem_shared>> -> memref<10240x128xf32, #tpu.memory_space<vmem_shared>>
      tpu.wait_indirect_dma semaphore(%run_scoped3A_201 : memref<!tpu.dma_semaphore, #tpu.memory_space<semaphore_mem>>) src(%dma_wait3A_215 : memref<80x128xf32, #tpu.memory_space<vmem>>) dst(%dma_wait3A_221 : memref<10240x128xf32, #tpu.memory_space<vmem_shared>>)
      tpu.yield
    }) : () -> ()
    "tpu.region"() ({
      %run_scoped3A_201 = tpu.sem_alloc : memref<!tpu.dma_semaphore, #tpu.memory_space<semaphore_mem>>
      %dma_start3A_202 = arith.constant 64 : i32
      %dma_start3A_203 = arith.constant 0 : i32
      %dma_start3A_204 = tpu.memref_slice %arg3[%add3A, %dma_start3A_202, %dma_start3A_203] : memref<32x128x80xi32, #tpu.memory_space<hbm>> -> memref<1x64x80xi32, #tpu.memory_space<hbm>>
      %dma_start3A_205 = tpu.memref_squeeze %dma_start3A_204 : memref<1x64x80xi32, #tpu.memory_space<hbm>> -> memref<64x80xi32, #tpu.memory_space<hbm>>
      %dma_start3A_206 = arith.constant 64 : i32
      %dma_start3A_207 = arith.constant 0 : i32
      %dma_start3A_208 = tpu.memref_slice %arg3[%add3A, %dma_start3A_206, %dma_start3A_207] : memref<32x128x80xi32, #tpu.memory_space<hbm>> -> memref<1x64x80xi32, #tpu.memory_space<hbm>>
      %dma_start3A_209 = tpu.memref_squeeze %dma_start3A_208 : memref<1x64x80xi32, #tpu.memory_space<hbm>> -> memref<64x80xi32, #tpu.memory_space<hbm>>
      tpu.enqueue_dma source(%dma_start3A_209 : memref<64x80xi32, #tpu.memory_space<hbm>>) target(%arg6 : memref<64x80xi32, #tpu.memory_space<vmem>>) target_semaphore(%run_scoped3A_201 : memref<!tpu.dma_semaphore, #tpu.memory_space<semaphore_mem>>)
      %dma_wait3A_210 = arith.constant 64 : i32
      %dma_wait3A_211 = arith.constant 0 : i32
      %dma_wait3A_212 = tpu.memref_slice %arg3[%add3A, %dma_wait3A_210, %dma_wait3A_211] : memref<32x128x80xi32, #tpu.memory_space<hbm>> -> memref<1x64x80xi32, #tpu.memory_space<hbm>>
      %dma_wait3A_213 = tpu.memref_squeeze %dma_wait3A_212 : memref<1x64x80xi32, #tpu.memory_space<hbm>> -> memref<64x80xi32, #tpu.memory_space<hbm>>
      %dma_wait3A_214 = arith.constant 64 : i32
      %dma_wait3A_215 = arith.constant 0 : i32
      %dma_wait3A_216 = tpu.memref_slice %arg3[%add3A, %dma_wait3A_214, %dma_wait3A_215] : memref<32x128x80xi32, #tpu.memory_space<hbm>> -> memref<1x64x80xi32, #tpu.memory_space<hbm>>
      %dma_wait3A_217 = tpu.memref_squeeze %dma_wait3A_216 : memref<1x64x80xi32, #tpu.memory_space<hbm>> -> memref<64x80xi32, #tpu.memory_space<hbm>>
      tpu.wait_dma2 semaphore(%run_scoped3A_201 : memref<!tpu.dma_semaphore, #tpu.memory_space<semaphore_mem>>) src(%dma_wait3A_217 : memref<64x80xi32, #tpu.memory_space<hbm>>) dst(%arg6 : memref<64x80xi32, #tpu.memory_space<vmem>>)
      tpu.yield
    }) : () -> ()
    "tpu.region"() ({
      %run_scoped3A_201 = tpu.sem_alloc : memref<!tpu.dma_semaphore, #tpu.memory_space<semaphore_mem>>
      %dma_start3A_202 = arith.constant 64 : i32
      %dma_start3A_203 = arith.constant 0 : i32
      %dma_start3A_204 = tpu.memref_slice %arg4[%add3A, %dma_start3A_202, %dma_start3A_203] : memref<32x128x80xi32, #tpu.memory_space<hbm>> -> memref<1x64x80xi32, #tpu.memory_space<hbm>>
      %dma_start3A_205 = tpu.memref_squeeze %dma_start3A_204 : memref<1x64x80xi32, #tpu.memory_space<hbm>> -> memref<64x80xi32, #tpu.memory_space<hbm>>
      %dma_start3A_206 = arith.constant 64 : i32
      %dma_start3A_207 = arith.constant 0 : i32
      %dma_start3A_208 = tpu.memref_slice %arg4[%add3A, %dma_start3A_206, %dma_start3A_207] : memref<32x128x80xi32, #tpu.memory_space<hbm>> -> memref<1x64x80xi32, #tpu.memory_space<hbm>>
      %dma_start3A_209 = tpu.memref_squeeze %dma_start3A_208 : memref<1x64x80xi32, #tpu.memory_space<hbm>> -> memref<64x80xi32, #tpu.memory_space<hbm>>
      tpu.enqueue_dma source(%dma_start3A_209 : memref<64x80xi32, #tpu.memory_space<hbm>>) target(%arg7 : memref<64x80xi32, #tpu.memory_space<vmem>>) target_semaphore(%run_scoped3A_201 : memref<!tpu.dma_semaphore, #tpu.memory_space<semaphore_mem>>)
      %dma_wait3A_210 = arith.constant 64 : i32
      %dma_wait3A_211 = arith.constant 0 : i32
      %dma_wait3A_212 = tpu.memref_slice %arg4[%add3A, %dma_wait3A_210, %dma_wait3A_211] : memref<32x128x80xi32, #tpu.memory_space<hbm>> -> memref<1x64x80xi32, #tpu.memory_space<hbm>>
      %dma_wait3A_213 = tpu.memref_squeeze %dma_wait3A_212 : memref<1x64x80xi32, #tpu.memory_space<hbm>> -> memref<64x80xi32, #tpu.memory_space<hbm>>
      %dma_wait3A_214 = arith.constant 64 : i32
      %dma_wait3A_215 = arith.constant 0 : i32
      %dma_wait3A_216 = tpu.memref_slice %arg4[%add3A, %dma_wait3A_214, %dma_wait3A_215] : memref<32x128x80xi32, #tpu.memory_space<hbm>> -> memref<1x64x80xi32, #tpu.memory_space<hbm>>
      %dma_wait3A_217 = tpu.memref_squeeze %dma_wait3A_216 : memref<1x64x80xi32, #tpu.memory_space<hbm>> -> memref<64x80xi32, #tpu.memory_space<hbm>>
      tpu.wait_dma2 semaphore(%run_scoped3A_201 : memref<!tpu.dma_semaphore, #tpu.memory_space<semaphore_mem>>) src(%dma_wait3A_217 : memref<64x80xi32, #tpu.memory_space<hbm>>) dst(%arg7 : memref<64x80xi32, #tpu.memory_space<vmem>>)
      tpu.yield
    }) : () -> ()
    %dma_start3A_139 = arith.constant 0 : i32
    %dma_start3A_140 = arith.constant 0 : i32
    %dma_start3A_141 = arith.constant 0 : i32
    %dma_start3A_142 = arith.constant 0 : i32
    %dma_start3A_143 = tpu.memref_slice %arg8[%dma_start3A_140, %dma_start3A_141, %dma_start3A_142] : memref<2x80x128xf32, #tpu.memory_space<vmem>> -> memref<1x80x128xf32, #tpu.memory_space<vmem>>
    %dma_start3A_144 = tpu.memref_squeeze %dma_start3A_143 : memref<1x80x128xf32, #tpu.memory_space<vmem>> -> memref<80x128xf32, #tpu.memory_space<vmem>>
    %dma_start3A_145 = arith.constant 0 : i32
    %dma_start3A_146 = tpu.memref_slice %arg6[%dma_start3A_139, %dma_start3A_145] : memref<64x80xi32, #tpu.memory_space<vmem>> -> memref<1x80xi32, #tpu.memory_space<vmem>>
    %dma_start3A_147 = tpu.memref_squeeze %dma_start3A_146 : memref<1x80xi32, #tpu.memory_space<vmem>> -> memref<80xi32, #tpu.memory_space<vmem>>
    %dma_start3A_148 = arith.constant 0 : i32
    %dma_start3A_149 = arith.constant 0 : i32
    %dma_start3A_150 = tpu.memref_slice %arg2[%dma_start3A_148, %dma_start3A_149] : memref<10000x128xf32, #tpu.memory_space<hbm>> -> memref<10000x128xf32, #tpu.memory_space<hbm>>
    tpu.enqueue_indirect_dma source(%dma_start3A_150 : memref<10000x128xf32, #tpu.memory_space<hbm>>) target(%dma_start3A_144 : memref<80x128xf32, #tpu.memory_space<vmem>>) offsets(%dma_start3A_147 : memref<80xi32, #tpu.memory_space<vmem>>) semaphore(%arg11 : memref<!tpu.dma_semaphore, #tpu.memory_space<semaphore_mem>>)
    %dma_start3A_151 = arith.constant 1 : i32
    %dma_start3A_152 = arith.constant 1 : i32
    %dma_start3A_153 = arith.constant 0 : i32
    %dma_start3A_154 = arith.constant 0 : i32
    %dma_start3A_155 = tpu.memref_slice %arg8[%dma_start3A_152, %dma_start3A_153, %dma_start3A_154] : memref<2x80x128xf32, #tpu.memory_space<vmem>> -> memref<1x80x128xf32, #tpu.memory_space<vmem>>
    %dma_start3A_156 = tpu.memref_squeeze %dma_start3A_155 : memref<1x80x128xf32, #tpu.memory_space<vmem>> -> memref<80x128xf32, #tpu.memory_space<vmem>>
    %dma_start3A_157 = arith.constant 0 : i32
    %dma_start3A_158 = tpu.memref_slice %arg6[%dma_start3A_151, %dma_start3A_157] : memref<64x80xi32, #tpu.memory_space<vmem>> -> memref<1x80xi32, #tpu.memory_space<vmem>>
    %dma_start3A_159 = tpu.memref_squeeze %dma_start3A_158 : memref<1x80xi32, #tpu.memory_space<vmem>> -> memref<80xi32, #tpu.memory_space<vmem>>
    %dma_start3A_160 = arith.constant 0 : i32
    %dma_start3A_161 = arith.constant 0 : i32
    %dma_start3A_162 = tpu.memref_slice %arg2[%dma_start3A_160, %dma_start3A_161] : memref<10000x128xf32, #tpu.memory_space<hbm>> -> memref<10000x128xf32, #tpu.memory_space<hbm>>
    tpu.enqueue_indirect_dma source(%dma_start3A_162 : memref<10000x128xf32, #tpu.memory_space<hbm>>) target(%dma_start3A_156 : memref<80x128xf32, #tpu.memory_space<vmem>>) offsets(%dma_start3A_159 : memref<80xi32, #tpu.memory_space<vmem>>) semaphore(%arg12 : memref<!tpu.dma_semaphore, #tpu.memory_space<semaphore_mem>>)
    %scan3A_163 = arith.constant 0 : i32
    %scan3A_164 = arith.constant 31 : i32
    %scan3A_165 = arith.addi %scan3A_163, %scan3A_164 : i32
    %scan3A_166 = arith.constant 1 : i32
    scf.for %scan3A_201 = %scan3A_163 to %scan3A_165 step %scan3A_166  : i32 {
      %mul3A_202 = arith.constant 1 : i32
      %mul3A_203 = arith.muli %scan3A_201, %mul3A_202 : i32
      %add3A_204 = arith.constant 0 : i32
      %add3A_205 = arith.addi %add3A_204, %mul3A_203 : i32
      %mul3A_206 = arith.constant 2 : i32
      %mul3A_207 = arith.muli %mul3A_206, %add3A_205 : i32
      %add3A_208 = arith.constant 0 : i32
      %add3A_209 = arith.addi %mul3A_207, %add3A_208 : i32
      %dma_wait3A_210 = arith.constant 0 : i32
      %dma_wait3A_211 = arith.constant 0 : i32
      %dma_wait3A_212 = arith.constant 0 : i32
      %dma_wait3A_213 = tpu.memref_slice %arg8[%dma_wait3A_210, %dma_wait3A_211, %dma_wait3A_212] : memref<2x80x128xf32, #tpu.memory_space<vmem>> -> memref<1x80x128xf32, #tpu.memory_space<vmem>>
      %dma_wait3A_214 = tpu.memref_squeeze %dma_wait3A_213 : memref<1x80x128xf32, #tpu.memory_space<vmem>> -> memref<80x128xf32, #tpu.memory_space<vmem>>
      %dma_wait3A_215 = arith.constant 0 : i32
      %dma_wait3A_216 = tpu.memref_slice %arg6[%add3A_209, %dma_wait3A_215] : memref<64x80xi32, #tpu.memory_space<vmem>> -> memref<1x80xi32, #tpu.memory_space<vmem>>
      %dma_wait3A_217 = tpu.memref_squeeze %dma_wait3A_216 : memref<1x80xi32, #tpu.memory_space<vmem>> -> memref<80xi32, #tpu.memory_space<vmem>>
      %dma_wait3A_218 = arith.constant 0 : i32
      %dma_wait3A_219 = arith.constant 0 : i32
      %dma_wait3A_220 = tpu.memref_slice %arg2[%dma_wait3A_218, %dma_wait3A_219] : memref<10000x128xf32, #tpu.memory_space<hbm>> -> memref<10000x128xf32, #tpu.memory_space<hbm>>
      tpu.wait_indirect_dma semaphore(%arg11 : memref<!tpu.dma_semaphore, #tpu.memory_space<semaphore_mem>>) src(%dma_wait3A_220 : memref<10000x128xf32, #tpu.memory_space<hbm>>) dst(%dma_wait3A_214 : memref<80x128xf32, #tpu.memory_space<vmem>>)
      %run_scoped3A_221 = arith.constant 0 : i32
      "tpu.region"() ({
        %run_scoped3A_264 = tpu.sem_alloc : memref<!tpu.dma_semaphore, #tpu.memory_space<semaphore_mem>>
        %dma_start3A_265 = arith.constant 0 : i32
        %dma_start3A_266 = arith.constant 0 : i32
        %dma_start3A_267 = tpu.memref_slice %arg8[%run_scoped3A_221, %dma_start3A_265, %dma_start3A_266] : memref<2x80x128xf32, #tpu.memory_space<vmem>> -> memref<1x80x128xf32, #tpu.memory_space<vmem>>
        %dma_start3A_268 = tpu.memref_squeeze %dma_start3A_267 : memref<1x80x128xf32, #tpu.memory_space<vmem>> -> memref<80x128xf32, #tpu.memory_space<vmem>>
        %dma_start3A_269 = arith.constant 0 : i32
        %dma_start3A_270 = tpu.memref_slice %arg7[%add3A_209, %dma_start3A_269] : memref<64x80xi32, #tpu.memory_space<vmem>> -> memref<1x80xi32, #tpu.memory_space<vmem>>
        %dma_start3A_271 = tpu.memref_squeeze %dma_start3A_270 : memref<1x80xi32, #tpu.memory_space<vmem>> -> memref<80xi32, #tpu.memory_space<vmem>>
        %dma_start3A_272 = arith.constant 0 : i32
        %dma_start3A_273 = arith.constant 0 : i32
        %dma_start3A_274 = tpu.memref_slice %arg10[%dma_start3A_272, %dma_start3A_273] : memref<10240x128xf32, #tpu.memory_space<vmem_shared>> -> memref<10240x128xf32, #tpu.memory_space<vmem_shared>>
        tpu.enqueue_indirect_dma source(%dma_start3A_268 : memref<80x128xf32, #tpu.memory_space<vmem>>) target(%dma_start3A_274 : memref<10240x128xf32, #tpu.memory_space<vmem_shared>>) offsets(%dma_start3A_271 : memref<80xi32, #tpu.memory_space<vmem>>) semaphore(%run_scoped3A_264 : memref<!tpu.dma_semaphore, #tpu.memory_space<semaphore_mem>>) {add = true}
        %dma_wait3A_275 = arith.constant 0 : i32
        %dma_wait3A_276 = arith.constant 0 : i32
        %dma_wait3A_277 = tpu.memref_slice %arg8[%run_scoped3A_221, %dma_wait3A_275, %dma_wait3A_276] : memref<2x80x128xf32, #tpu.memory_space<vmem>> -> memref<1x80x128xf32, #tpu.memory_space<vmem>>
        %dma_wait3A_278 = tpu.memref_squeeze %dma_wait3A_277 : memref<1x80x128xf32, #tpu.memory_space<vmem>> -> memref<80x128xf32, #tpu.memory_space<vmem>>
        %dma_wait3A_279 = arith.constant 0 : i32
        %dma_wait3A_280 = tpu.memref_slice %arg7[%add3A_209, %dma_wait3A_279] : memref<64x80xi32, #tpu.memory_space<vmem>> -> memref<1x80xi32, #tpu.memory_space<vmem>>
        %dma_wait3A_281 = tpu.memref_squeeze %dma_wait3A_280 : memref<1x80xi32, #tpu.memory_space<vmem>> -> memref<80xi32, #tpu.memory_space<vmem>>
        %dma_wait3A_282 = arith.constant 0 : i32
        %dma_wait3A_283 = arith.constant 0 : i32
        %dma_wait3A_284 = tpu.memref_slice %arg10[%dma_wait3A_282, %dma_wait3A_283] : memref<10240x128xf32, #tpu.memory_space<vmem_shared>> -> memref<10240x128xf32, #tpu.memory_space<vmem_shared>>
        tpu.wait_indirect_dma semaphore(%run_scoped3A_264 : memref<!tpu.dma_semaphore, #tpu.memory_space<semaphore_mem>>) src(%dma_wait3A_278 : memref<80x128xf32, #tpu.memory_space<vmem>>) dst(%dma_wait3A_284 : memref<10240x128xf32, #tpu.memory_space<vmem_shared>>)
        tpu.yield
      }) : () -> ()
      %add3A_222 = arith.constant 2 : i32
      %add3A_223 = arith.addi %add3A_209, %add3A_222 : i32
      %dma_start3A_224 = arith.constant 0 : i32
      %dma_start3A_225 = arith.constant 0 : i32
      %dma_start3A_226 = arith.constant 0 : i32
      %dma_start3A_227 = tpu.memref_slice %arg8[%dma_start3A_224, %dma_start3A_225, %dma_start3A_226] : memref<2x80x128xf32, #tpu.memory_space<vmem>> -> memref<1x80x128xf32, #tpu.memory_space<vmem>>
      %dma_start3A_228 = tpu.memref_squeeze %dma_start3A_227 : memref<1x80x128xf32, #tpu.memory_space<vmem>> -> memref<80x128xf32, #tpu.memory_space<vmem>>
      %dma_start3A_229 = arith.constant 0 : i32
      %dma_start3A_230 = tpu.memref_slice %arg6[%add3A_223, %dma_start3A_229] : memref<64x80xi32, #tpu.memory_space<vmem>> -> memref<1x80xi32, #tpu.memory_space<vmem>>
      %dma_start3A_231 = tpu.memref_squeeze %dma_start3A_230 : memref<1x80xi32, #tpu.memory_space<vmem>> -> memref<80xi32, #tpu.memory_space<vmem>>
      %dma_start3A_232 = arith.constant 0 : i32
      %dma_start3A_233 = arith.constant 0 : i32
      %dma_start3A_234 = tpu.memref_slice %arg2[%dma_start3A_232, %dma_start3A_233] : memref<10000x128xf32, #tpu.memory_space<hbm>> -> memref<10000x128xf32, #tpu.memory_space<hbm>>
      tpu.enqueue_indirect_dma source(%dma_start3A_234 : memref<10000x128xf32, #tpu.memory_space<hbm>>) target(%dma_start3A_228 : memref<80x128xf32, #tpu.memory_space<vmem>>) offsets(%dma_start3A_231 : memref<80xi32, #tpu.memory_space<vmem>>) semaphore(%arg11 : memref<!tpu.dma_semaphore, #tpu.memory_space<semaphore_mem>>)
      %mul3A_235 = arith.constant 2 : i32
      %mul3A_236 = arith.muli %mul3A_235, %add3A_205 : i32
      %add3A_237 = arith.constant 1 : i32
      %add3A_238 = arith.addi %mul3A_236, %add3A_237 : i32
      %dma_wait3A_239 = arith.constant 1 : i32
      %dma_wait3A_240 = arith.constant 0 : i32
      %dma_wait3A_241 = arith.constant 0 : i32
      %dma_wait3A_242 = tpu.memref_slice %arg8[%dma_wait3A_239, %dma_wait3A_240, %dma_wait3A_241] : memref<2x80x128xf32, #tpu.memory_space<vmem>> -> memref<1x80x128xf32, #tpu.memory_space<vmem>>
      %dma_wait3A_243 = tpu.memref_squeeze %dma_wait3A_242 : memref<1x80x128xf32, #tpu.memory_space<vmem>> -> memref<80x128xf32, #tpu.memory_space<vmem>>
      %dma_wait3A_244 = arith.constant 0 : i32
      %dma_wait3A_245 = tpu.memref_slice %arg6[%add3A_238, %dma_wait3A_244] : memref<64x80xi32, #tpu.memory_space<vmem>> -> memref<1x80xi32, #tpu.memory_space<vmem>>
      %dma_wait3A_246 = tpu.memref_squeeze %dma_wait3A_245 : memref<1x80xi32, #tpu.memory_space<vmem>> -> memref<80xi32, #tpu.memory_space<vmem>>
      %dma_wait3A_247 = arith.constant 0 : i32
      %dma_wait3A_248 = arith.constant 0 : i32
      %dma_wait3A_249 = tpu.memref_slice %arg2[%dma_wait3A_247, %dma_wait3A_248] : memref<10000x128xf32, #tpu.memory_space<hbm>> -> memref<10000x128xf32, #tpu.memory_space<hbm>>
      tpu.wait_indirect_dma semaphore(%arg12 : memref<!tpu.dma_semaphore, #tpu.memory_space<semaphore_mem>>) src(%dma_wait3A_249 : memref<10000x128xf32, #tpu.memory_space<hbm>>) dst(%dma_wait3A_243 : memref<80x128xf32, #tpu.memory_space<vmem>>)
      %run_scoped3A_250 = arith.constant 1 : i32
      "tpu.region"() ({
        %run_scoped3A_264 = tpu.sem_alloc : memref<!tpu.dma_semaphore, #tpu.memory_space<semaphore_mem>>
        %dma_start3A_265 = arith.constant 0 : i32
        %dma_start3A_266 = arith.constant 0 : i32
        %dma_start3A_267 = tpu.memref_slice %arg8[%run_scoped3A_250, %dma_start3A_265, %dma_start3A_266] : memref<2x80x128xf32, #tpu.memory_space<vmem>> -> memref<1x80x128xf32, #tpu.memory_space<vmem>>
        %dma_start3A_268 = tpu.memref_squeeze %dma_start3A_267 : memref<1x80x128xf32, #tpu.memory_space<vmem>> -> memref<80x128xf32, #tpu.memory_space<vmem>>
        %dma_start3A_269 = arith.constant 0 : i32
        %dma_start3A_270 = tpu.memref_slice %arg7[%add3A_238, %dma_start3A_269] : memref<64x80xi32, #tpu.memory_space<vmem>> -> memref<1x80xi32, #tpu.memory_space<vmem>>
        %dma_start3A_271 = tpu.memref_squeeze %dma_start3A_270 : memref<1x80xi32, #tpu.memory_space<vmem>> -> memref<80xi32, #tpu.memory_space<vmem>>
        %dma_start3A_272 = arith.constant 0 : i32
        %dma_start3A_273 = arith.constant 0 : i32
        %dma_start3A_274 = tpu.memref_slice %arg10[%dma_start3A_272, %dma_start3A_273] : memref<10240x128xf32, #tpu.memory_space<vmem_shared>> -> memref<10240x128xf32, #tpu.memory_space<vmem_shared>>
        tpu.enqueue_indirect_dma source(%dma_start3A_268 : memref<80x128xf32, #tpu.memory_space<vmem>>) target(%dma_start3A_274 : memref<10240x128xf32, #tpu.memory_space<vmem_shared>>) offsets(%dma_start3A_271 : memref<80xi32, #tpu.memory_space<vmem>>) semaphore(%run_scoped3A_264 : memref<!tpu.dma_semaphore, #tpu.memory_space<semaphore_mem>>) {add = true}
        %dma_wait3A_275 = arith.constant 0 : i32
        %dma_wait3A_276 = arith.constant 0 : i32
        %dma_wait3A_277 = tpu.memref_slice %arg8[%run_scoped3A_250, %dma_wait3A_275, %dma_wait3A_276] : memref<2x80x128xf32, #tpu.memory_space<vmem>> -> memref<1x80x128xf32, #tpu.memory_space<vmem>>
        %dma_wait3A_278 = tpu.memref_squeeze %dma_wait3A_277 : memref<1x80x128xf32, #tpu.memory_space<vmem>> -> memref<80x128xf32, #tpu.memory_space<vmem>>
        %dma_wait3A_279 = arith.constant 0 : i32
        %dma_wait3A_280 = tpu.memref_slice %arg7[%add3A_238, %dma_wait3A_279] : memref<64x80xi32, #tpu.memory_space<vmem>> -> memref<1x80xi32, #tpu.memory_space<vmem>>
        %dma_wait3A_281 = tpu.memref_squeeze %dma_wait3A_280 : memref<1x80xi32, #tpu.memory_space<vmem>> -> memref<80xi32, #tpu.memory_space<vmem>>
        %dma_wait3A_282 = arith.constant 0 : i32
        %dma_wait3A_283 = arith.constant 0 : i32
        %dma_wait3A_284 = tpu.memref_slice %arg10[%dma_wait3A_282, %dma_wait3A_283] : memref<10240x128xf32, #tpu.memory_space<vmem_shared>> -> memref<10240x128xf32, #tpu.memory_space<vmem_shared>>
        tpu.wait_indirect_dma semaphore(%run_scoped3A_264 : memref<!tpu.dma_semaphore, #tpu.memory_space<semaphore_mem>>) src(%dma_wait3A_278 : memref<80x128xf32, #tpu.memory_space<vmem>>) dst(%dma_wait3A_284 : memref<10240x128xf32, #tpu.memory_space<vmem_shared>>)
        tpu.yield
      }) : () -> ()
      %add3A_251 = arith.constant 2 : i32
      %add3A_252 = arith.addi %add3A_238, %add3A_251 : i32
      %dma_start3A_253 = arith.constant 1 : i32
      %dma_start3A_254 = arith.constant 0 : i32
      %dma_start3A_255 = arith.constant 0 : i32
      %dma_start3A_256 = tpu.memref_slice %arg8[%dma_start3A_253, %dma_start3A_254, %dma_start3A_255] : memref<2x80x128xf32, #tpu.memory_space<vmem>> -> memref<1x80x128xf32, #tpu.memory_space<vmem>>
      %dma_start3A_257 = tpu.memref_squeeze %dma_start3A_256 : memref<1x80x128xf32, #tpu.memory_space<vmem>> -> memref<80x128xf32, #tpu.memory_space<vmem>>
      %dma_start3A_258 = arith.constant 0 : i32
      %dma_start3A_259 = tpu.memref_slice %arg6[%add3A_252, %dma_start3A_258] : memref<64x80xi32, #tpu.memory_space<vmem>> -> memref<1x80xi32, #tpu.memory_space<vmem>>
      %dma_start3A_260 = tpu.memref_squeeze %dma_start3A_259 : memref<1x80xi32, #tpu.memory_space<vmem>> -> memref<80xi32, #tpu.memory_space<vmem>>
      %dma_start3A_261 = arith.constant 0 : i32
      %dma_start3A_262 = arith.constant 0 : i32
      %dma_start3A_263 = tpu.memref_slice %arg2[%dma_start3A_261, %dma_start3A_262] : memref<10000x128xf32, #tpu.memory_space<hbm>> -> memref<10000x128xf32, #tpu.memory_space<hbm>>
      tpu.enqueue_indirect_dma source(%dma_start3A_263 : memref<10000x128xf32, #tpu.memory_space<hbm>>) target(%dma_start3A_257 : memref<80x128xf32, #tpu.memory_space<vmem>>) offsets(%dma_start3A_260 : memref<80xi32, #tpu.memory_space<vmem>>) semaphore(%arg12 : memref<!tpu.dma_semaphore, #tpu.memory_space<semaphore_mem>>)
    }
    %scan3A_167 = arith.constant 31 : i32
    %dma_wait3A_168 = arith.constant 62 : i32
    %dma_wait3A_169 = arith.constant 0 : i32
    %dma_wait3A_170 = arith.constant 0 : i32
    %dma_wait3A_171 = arith.constant 0 : i32
    %dma_wait3A_172 = tpu.memref_slice %arg8[%dma_wait3A_169, %dma_wait3A_170, %dma_wait3A_171] : memref<2x80x128xf32, #tpu.memory_space<vmem>> -> memref<1x80x128xf32, #tpu.memory_space<vmem>>
    %dma_wait3A_173 = tpu.memref_squeeze %dma_wait3A_172 : memref<1x80x128xf32, #tpu.memory_space<vmem>> -> memref<80x128xf32, #tpu.memory_space<vmem>>
    %dma_wait3A_174 = arith.constant 0 : i32
    %dma_wait3A_175 = tpu.memref_slice %arg6[%dma_wait3A_168, %dma_wait3A_174] : memref<64x80xi32, #tpu.memory_space<vmem>> -> memref<1x80xi32, #tpu.memory_space<vmem>>
    %dma_wait3A_176 = tpu.memref_squeeze %dma_wait3A_175 : memref<1x80xi32, #tpu.memory_space<vmem>> -> memref<80xi32, #tpu.memory_space<vmem>>
    %dma_wait3A_177 = arith.constant 0 : i32
    %dma_wait3A_178 = arith.constant 0 : i32
    %dma_wait3A_179 = tpu.memref_slice %arg2[%dma_wait3A_177, %dma_wait3A_178] : memref<10000x128xf32, #tpu.memory_space<hbm>> -> memref<10000x128xf32, #tpu.memory_space<hbm>>
    tpu.wait_indirect_dma semaphore(%arg11 : memref<!tpu.dma_semaphore, #tpu.memory_space<semaphore_mem>>) src(%dma_wait3A_179 : memref<10000x128xf32, #tpu.memory_space<hbm>>) dst(%dma_wait3A_173 : memref<80x128xf32, #tpu.memory_space<vmem>>)
    %run_scoped3A_180 = arith.constant 0 : i32
    %run_scoped3A_181 = arith.constant 62 : i32
    "tpu.region"() ({
      %run_scoped3A_201 = tpu.sem_alloc : memref<!tpu.dma_semaphore, #tpu.memory_space<semaphore_mem>>
      %dma_start3A_202 = arith.constant 0 : i32
      %dma_start3A_203 = arith.constant 0 : i32
      %dma_start3A_204 = tpu.memref_slice %arg8[%run_scoped3A_180, %dma_start3A_202, %dma_start3A_203] : memref<2x80x128xf32, #tpu.memory_space<vmem>> -> memref<1x80x128xf32, #tpu.memory_space<vmem>>
      %dma_start3A_205 = tpu.memref_squeeze %dma_start3A_204 : memref<1x80x128xf32, #tpu.memory_space<vmem>> -> memref<80x128xf32, #tpu.memory_space<vmem>>
      %dma_start3A_206 = arith.constant 0 : i32
      %dma_start3A_207 = tpu.memref_slice %arg7[%run_scoped3A_181, %dma_start3A_206] : memref<64x80xi32, #tpu.memory_space<vmem>> -> memref<1x80xi32, #tpu.memory_space<vmem>>
      %dma_start3A_208 = tpu.memref_squeeze %dma_start3A_207 : memref<1x80xi32, #tpu.memory_space<vmem>> -> memref<80xi32, #tpu.memory_space<vmem>>
      %dma_start3A_209 = arith.constant 0 : i32
      %dma_start3A_210 = arith.constant 0 : i32
      %dma_start3A_211 = tpu.memref_slice %arg10[%dma_start3A_209, %dma_start3A_210] : memref<10240x128xf32, #tpu.memory_space<vmem_shared>> -> memref<10240x128xf32, #tpu.memory_space<vmem_shared>>
      tpu.enqueue_indirect_dma source(%dma_start3A_205 : memref<80x128xf32, #tpu.memory_space<vmem>>) target(%dma_start3A_211 : memref<10240x128xf32, #tpu.memory_space<vmem_shared>>) offsets(%dma_start3A_208 : memref<80xi32, #tpu.memory_space<vmem>>) semaphore(%run_scoped3A_201 : memref<!tpu.dma_semaphore, #tpu.memory_space<semaphore_mem>>) {add = true}
      %dma_wait3A_212 = arith.constant 0 : i32
      %dma_wait3A_213 = arith.constant 0 : i32
      %dma_wait3A_214 = tpu.memref_slice %arg8[%run_scoped3A_180, %dma_wait3A_212, %dma_wait3A_213] : memref<2x80x128xf32, #tpu.memory_space<vmem>> -> memref<1x80x128xf32, #tpu.memory_space<vmem>>
      %dma_wait3A_215 = tpu.memref_squeeze %dma_wait3A_214 : memref<1x80x128xf32, #tpu.memory_space<vmem>> -> memref<80x128xf32, #tpu.memory_space<vmem>>
      %dma_wait3A_216 = arith.constant 0 : i32
      %dma_wait3A_217 = tpu.memref_slice %arg7[%run_scoped3A_181, %dma_wait3A_216] : memref<64x80xi32, #tpu.memory_space<vmem>> -> memref<1x80xi32, #tpu.memory_space<vmem>>
      %dma_wait3A_218 = tpu.memref_squeeze %dma_wait3A_217 : memref<1x80xi32, #tpu.memory_space<vmem>> -> memref<80xi32, #tpu.memory_space<vmem>>
      %dma_wait3A_219 = arith.constant 0 : i32
      %dma_wait3A_220 = arith.constant 0 : i32
      %dma_wait3A_221 = tpu.memref_slice %arg10[%dma_wait3A_219, %dma_wait3A_220] : memref<10240x128xf32, #tpu.memory_space<vmem_shared>> -> memref<10240x128xf32, #tpu.memory_space<vmem_shared>>
      tpu.wait_indirect_dma semaphore(%run_scoped3A_201 : memref<!tpu.dma_semaphore, #tpu.memory_space<semaphore_mem>>) src(%dma_wait3A_215 : memref<80x128xf32, #tpu.memory_space<vmem>>) dst(%dma_wait3A_221 : memref<10240x128xf32, #tpu.memory_space<vmem_shared>>)
      tpu.yield
    }) : () -> ()
    %dma_wait3A_182 = arith.constant 63 : i32
    %dma_wait3A_183 = arith.constant 1 : i32
    %dma_wait3A_184 = arith.constant 0 : i32
    %dma_wait3A_185 = arith.constant 0 : i32
    %dma_wait3A_186 = tpu.memref_slice %arg8[%dma_wait3A_183, %dma_wait3A_184, %dma_wait3A_185] : memref<2x80x128xf32, #tpu.memory_space<vmem>> -> memref<1x80x128xf32, #tpu.memory_space<vmem>>
    %dma_wait3A_187 = tpu.memref_squeeze %dma_wait3A_186 : memref<1x80x128xf32, #tpu.memory_space<vmem>> -> memref<80x128xf32, #tpu.memory_space<vmem>>
    %dma_wait3A_188 = arith.constant 0 : i32
    %dma_wait3A_189 = tpu.memref_slice %arg6[%dma_wait3A_182, %dma_wait3A_188] : memref<64x80xi32, #tpu.memory_space<vmem>> -> memref<1x80xi32, #tpu.memory_space<vmem>>
    %dma_wait3A_190 = tpu.memref_squeeze %dma_wait3A_189 : memref<1x80xi32, #tpu.memory_space<vmem>> -> memref<80xi32, #tpu.memory_space<vmem>>
    %dma_wait3A_191 = arith.constant 0 : i32
    %dma_wait3A_192 = arith.constant 0 : i32
    %dma_wait3A_193 = tpu.memref_slice %arg2[%dma_wait3A_191, %dma_wait3A_192] : memref<10000x128xf32, #tpu.memory_space<hbm>> -> memref<10000x128xf32, #tpu.memory_space<hbm>>
    tpu.wait_indirect_dma semaphore(%arg12 : memref<!tpu.dma_semaphore, #tpu.memory_space<semaphore_mem>>) src(%dma_wait3A_193 : memref<10000x128xf32, #tpu.memory_space<hbm>>) dst(%dma_wait3A_187 : memref<80x128xf32, #tpu.memory_space<vmem>>)
    %run_scoped3A_194 = arith.constant 1 : i32
    %run_scoped3A_195 = arith.constant 63 : i32
    "tpu.region"() ({
      %run_scoped3A_201 = tpu.sem_alloc : memref<!tpu.dma_semaphore, #tpu.memory_space<semaphore_mem>>
      %dma_start3A_202 = arith.constant 0 : i32
      %dma_start3A_203 = arith.constant 0 : i32
      %dma_start3A_204 = tpu.memref_slice %arg8[%run_scoped3A_194, %dma_start3A_202, %dma_start3A_203] : memref<2x80x128xf32, #tpu.memory_space<vmem>> -> memref<1x80x128xf32, #tpu.memory_space<vmem>>
      %dma_start3A_205 = tpu.memref_squeeze %dma_start3A_204 : memref<1x80x128xf32, #tpu.memory_space<vmem>> -> memref<80x128xf32, #tpu.memory_space<vmem>>
      %dma_start3A_206 = arith.constant 0 : i32
      %dma_start3A_207 = tpu.memref_slice %arg7[%run_scoped3A_195, %dma_start3A_206] : memref<64x80xi32, #tpu.memory_space<vmem>> -> memref<1x80xi32, #tpu.memory_space<vmem>>
      %dma_start3A_208 = tpu.memref_squeeze %dma_start3A_207 : memref<1x80xi32, #tpu.memory_space<vmem>> -> memref<80xi32, #tpu.memory_space<vmem>>
      %dma_start3A_209 = arith.constant 0 : i32
      %dma_start3A_210 = arith.constant 0 : i32
      %dma_start3A_211 = tpu.memref_slice %arg10[%dma_start3A_209, %dma_start3A_210] : memref<10240x128xf32, #tpu.memory_space<vmem_shared>> -> memref<10240x128xf32, #tpu.memory_space<vmem_shared>>
      tpu.enqueue_indirect_dma source(%dma_start3A_205 : memref<80x128xf32, #tpu.memory_space<vmem>>) target(%dma_start3A_211 : memref<10240x128xf32, #tpu.memory_space<vmem_shared>>) offsets(%dma_start3A_208 : memref<80xi32, #tpu.memory_space<vmem>>) semaphore(%run_scoped3A_201 : memref<!tpu.dma_semaphore, #tpu.memory_space<semaphore_mem>>) {add = true}
      %dma_wait3A_212 = arith.constant 0 : i32
      %dma_wait3A_213 = arith.constant 0 : i32
      %dma_wait3A_214 = tpu.memref_slice %arg8[%run_scoped3A_194, %dma_wait3A_212, %dma_wait3A_213] : memref<2x80x128xf32, #tpu.memory_space<vmem>> -> memref<1x80x128xf32, #tpu.memory_space<vmem>>
      %dma_wait3A_215 = tpu.memref_squeeze %dma_wait3A_214 : memref<1x80x128xf32, #tpu.memory_space<vmem>> -> memref<80x128xf32, #tpu.memory_space<vmem>>
      %dma_wait3A_216 = arith.constant 0 : i32
      %dma_wait3A_217 = tpu.memref_slice %arg7[%run_scoped3A_195, %dma_wait3A_216] : memref<64x80xi32, #tpu.memory_space<vmem>> -> memref<1x80xi32, #tpu.memory_space<vmem>>
      %dma_wait3A_218 = tpu.memref_squeeze %dma_wait3A_217 : memref<1x80xi32, #tpu.memory_space<vmem>> -> memref<80xi32, #tpu.memory_space<vmem>>
      %dma_wait3A_219 = arith.constant 0 : i32
      %dma_wait3A_220 = arith.constant 0 : i32
      %dma_wait3A_221 = tpu.memref_slice %arg10[%dma_wait3A_219, %dma_wait3A_220] : memref<10240x128xf32, #tpu.memory_space<vmem_shared>> -> memref<10240x128xf32, #tpu.memory_space<vmem_shared>>
      tpu.wait_indirect_dma semaphore(%run_scoped3A_201 : memref<!tpu.dma_semaphore, #tpu.memory_space<semaphore_mem>>) src(%dma_wait3A_215 : memref<80x128xf32, #tpu.memory_space<vmem>>) dst(%dma_wait3A_221 : memref<10240x128xf32, #tpu.memory_space<vmem_shared>>)
      tpu.yield
    }) : () -> ()
    %barrier3A_196 = arith.constant 0 : index
    tpu.barrier barrier_id(%barrier3A_196)
    %mul3A_197 = arith.constant 640 : i32
    %mul3A_198 = arith.muli %arg1, %mul3A_197 : i32
    %mul3A_199 = arith.constant 640 : i32
    %mul3A_200 = arith.muli %arg1, %mul3A_199 : i32
    "tpu.region"() ({
      %run_scoped3A_201 = tpu.sem_alloc : memref<!tpu.dma_semaphore, #tpu.memory_space<semaphore_mem>>
      %dma_start3A_202 = arith.constant 0 : i32
      %dma_start3A_203 = tpu.memref_slice %arg5[%arg0, %mul3A_200, %dma_start3A_202] : memref<2x10240x128xf32, #tpu.memory_space<hbm>> -> memref<1x640x128xf32, #tpu.memory_space<hbm>>
      %dma_start3A_204 = tpu.memref_squeeze %dma_start3A_203 : memref<1x640x128xf32, #tpu.memory_space<hbm>> -> memref<640x128xf32, #tpu.memory_space<hbm>>
      %dma_start3A_205 = arith.constant 0 : i32
      %dma_start3A_206 = tpu.memref_slice %arg10[%mul3A_198, %dma_start3A_205] : memref<10240x128xf32, #tpu.memory_space<vmem_shared>> -> memref<640x128xf32, #tpu.memory_space<vmem_shared>>
      tpu.enqueue_dma source(%dma_start3A_206 : memref<640x128xf32, #tpu.memory_space<vmem_shared>>) target(%dma_start3A_204 : memref<640x128xf32, #tpu.memory_space<hbm>>) target_semaphore(%run_scoped3A_201 : memref<!tpu.dma_semaphore, #tpu.memory_space<semaphore_mem>>)
      %dma_wait3A_207 = arith.constant 0 : i32
      %dma_wait3A_208 = tpu.memref_slice %arg5[%arg0, %mul3A_200, %dma_wait3A_207] : memref<2x10240x128xf32, #tpu.memory_space<hbm>> -> memref<1x640x128xf32, #tpu.memory_space<hbm>>
      %dma_wait3A_209 = tpu.memref_squeeze %dma_wait3A_208 : memref<1x640x128xf32, #tpu.memory_space<hbm>> -> memref<640x128xf32, #tpu.memory_space<hbm>>
      %dma_wait3A_210 = arith.constant 0 : i32
      %dma_wait3A_211 = tpu.memref_slice %arg10[%mul3A_198, %dma_wait3A_210] : memref<10240x128xf32, #tpu.memory_space<vmem_shared>> -> memref<640x128xf32, #tpu.memory_space<vmem_shared>>
      tpu.wait_dma2 semaphore(%run_scoped3A_201 : memref<!tpu.dma_semaphore, #tpu.memory_space<semaphore_mem>>) src(%dma_wait3A_211 : memref<640x128xf32, #tpu.memory_space<vmem_shared>>) dst(%dma_wait3A_209 : memref<640x128xf32, #tpu.memory_space<hbm>>)
      tpu.yield
    }) : () -> ()
    return
  }
}

module attributes {stable_mosaic.version = 14 : i64} {
  func.func @body(%arg0: memref<10000x128xf32, #tpu.memory_space<vmem>>, %arg1: memref<2x10240x128xf32, #tpu.memory_space<vmem>>, %arg2: memref<128x128xf32, #tpu.memory_space<vmem>>, %arg3: memref<128x128xf32, #tpu.memory_space<vmem>>, %arg4: memref<10000x128xf32, #tpu.memory_space<vmem>>) attributes {dimension_semantics = [], scalar_prefetch = 0 : i64, scratch_operands = 0 : i64, tpu.core_type = #tpu.core_type<tc>} {
    %get3A = arith.constant 0 : index
    %get3A_0 = arith.constant 0 : index
    %get3A_1 = arith.constant 0 : index
    %get3A_2 = vector.load %arg1[%get3A, %get3A_0, %get3A_1] : memref<2x10240x128xf32, #tpu.memory_space<vmem>>, vector<2x10240x128xf32>
    %get3A_3 = arith.constant 0 : index
    %get3A_4 = arith.constant 0 : index
    %get3A_5 = vector.load %arg0[%get3A_3, %get3A_4] : memref<10000x128xf32, #tpu.memory_space<vmem>>, vector<10000x128xf32>
    %slice3A = vector.extract_strided_slice %get3A_2 {offsets = [0, 0, 0], sizes = [1, 10000, 128], strides = [1, 1, 1]} : vector<2x10240x128xf32> to vector<1x10000x128xf32>
    %squeeze3A = vector.shape_cast %slice3A : vector<1x10000x128xf32> to vector<10000x128xf32>
    %add3A = arith.addf %get3A_5, %squeeze3A : vector<10000x128xf32>
    %slice3A_6 = vector.extract_strided_slice %get3A_2 {offsets = [1, 0, 0], sizes = [1, 10000, 128], strides = [1, 1, 1]} : vector<2x10240x128xf32> to vector<1x10000x128xf32>
    %squeeze3A_7 = vector.shape_cast %slice3A_6 : vector<1x10000x128xf32> to vector<10000x128xf32>
    %add3A_8 = arith.addf %add3A, %squeeze3A_7 : vector<10000x128xf32>
    %get3A_9 = arith.constant 0 : index
    %get3A_10 = arith.constant 0 : index
    %get3A_11 = vector.load %arg2[%get3A_9, %get3A_10] : memref<128x128xf32, #tpu.memory_space<vmem>>, vector<128x128xf32>
    %dot_general3A = arith.constant dense<0.000000e+00> : vector<10000x128xf32>
    %dot_general3A_12 = tpu.matmul %add3A_8, %get3A_11, %dot_general3A {dimension_numbers = #tpu.dot_dimension_numbers<[1], [0], [0], [1], [0, 0, 1, 1], [], []>, precision = #tpu.contract_precision<fp32>, transpose_lhs_hint = false} : vector<10000x128xf32>, vector<128x128xf32>, vector<10000x128xf32> -> vector<10000x128xf32>
    %max3A = arith.constant 0.000000e+00 : f32
    %max3A_13 = vector.broadcast %max3A : f32 to vector<10000x128xf32>
    %max3A_14 = arith.maximumf %dot_general3A_12, %max3A_13 : vector<10000x128xf32>
    %get3A_15 = arith.constant 0 : index
    %get3A_16 = arith.constant 0 : index
    %get3A_17 = vector.load %arg3[%get3A_15, %get3A_16] : memref<128x128xf32, #tpu.memory_space<vmem>>, vector<128x128xf32>
    %dot_general3A_18 = arith.constant dense<0.000000e+00> : vector<10000x128xf32>
    %dot_general3A_19 = tpu.matmul %max3A_14, %get3A_17, %dot_general3A_18 {dimension_numbers = #tpu.dot_dimension_numbers<[1], [0], [0], [1], [0, 0, 1, 1], [], []>, precision = #tpu.contract_precision<fp32>, transpose_lhs_hint = false} : vector<10000x128xf32>, vector<128x128xf32>, vector<10000x128xf32> -> vector<10000x128xf32>
    %swap3A = arith.constant 0 : index
    %swap3A_20 = arith.constant 0 : index
    %swap3A_21 = vector.load %arg4[%swap3A, %swap3A_20] : memref<10000x128xf32, #tpu.memory_space<vmem>>, vector<10000x128xf32>
    tpu.vector_store %arg4[%swap3A, %swap3A_20], %dot_general3A_19 {strides = array<i32>} : memref<10000x128xf32, #tpu.memory_space<vmem>>, vector<10000x128xf32>,
    return
  }
}

module attributes {stable_mosaic.version = 14 : i64} {
  func.func @body(%arg0: memref<10000x128xf32, #tpu.memory_space<vmem>>, %arg1: memref<2x10240x128xf32, #tpu.memory_space<vmem>>, %arg2: memref<128x128xf32, #tpu.memory_space<vmem>>, %arg3: memref<128x128xf32, #tpu.memory_space<vmem>>, %arg4: memref<10000x128xf32, #tpu.memory_space<vmem>>) attributes {dimension_semantics = [], scalar_prefetch = 0 : i64, scratch_operands = 0 : i64, tpu.core_type = #tpu.core_type<tc>} {
    %get3A = arith.constant 0 : index
    %get3A_0 = arith.constant 0 : index
    %get3A_1 = arith.constant 0 : index
    %get3A_2 = vector.load %arg1[%get3A, %get3A_0, %get3A_1] : memref<2x10240x128xf32, #tpu.memory_space<vmem>>, vector<2x10240x128xf32>
    %get3A_3 = arith.constant 0 : index
    %get3A_4 = arith.constant 0 : index
    %get3A_5 = vector.load %arg0[%get3A_3, %get3A_4] : memref<10000x128xf32, #tpu.memory_space<vmem>>, vector<10000x128xf32>
    %slice3A = vector.extract_strided_slice %get3A_2 {offsets = [0, 0, 0], sizes = [1, 10000, 128], strides = [1, 1, 1]} : vector<2x10240x128xf32> to vector<1x10000x128xf32>
    %squeeze3A = vector.shape_cast %slice3A : vector<1x10000x128xf32> to vector<10000x128xf32>
    %add3A = arith.addf %get3A_5, %squeeze3A : vector<10000x128xf32>
    %slice3A_6 = vector.extract_strided_slice %get3A_2 {offsets = [1, 0, 0], sizes = [1, 10000, 128], strides = [1, 1, 1]} : vector<2x10240x128xf32> to vector<1x10000x128xf32>
    %squeeze3A_7 = vector.shape_cast %slice3A_6 : vector<1x10000x128xf32> to vector<10000x128xf32>
    %add3A_8 = arith.addf %add3A, %squeeze3A_7 : vector<10000x128xf32>
    %get3A_9 = arith.constant 0 : index
    %get3A_10 = arith.constant 0 : index
    %get3A_11 = vector.load %arg2[%get3A_9, %get3A_10] : memref<128x128xf32, #tpu.memory_space<vmem>>, vector<128x128xf32>
    %dot_general3A = arith.constant dense<0.000000e+00> : vector<10000x128xf32>
    %dot_general3A_12 = tpu.matmul %add3A_8, %get3A_11, %dot_general3A {dimension_numbers = #tpu.dot_dimension_numbers<[1], [0], [0], [1], [0, 0, 1, 1], [], []>, precision = #tpu.contract_precision<fp32>, transpose_lhs_hint = false} : vector<10000x128xf32>, vector<128x128xf32>, vector<10000x128xf32> -> vector<10000x128xf32>
    %max3A = arith.constant 0.000000e+00 : f32
    %max3A_13 = vector.broadcast %max3A : f32 to vector<10000x128xf32>
    %max3A_14 = arith.maximumf %dot_general3A_12, %max3A_13 : vector<10000x128xf32>
    %get3A_15 = arith.constant 0 : index
    %get3A_16 = arith.constant 0 : index
    %get3A_17 = vector.load %arg3[%get3A_15, %get3A_16] : memref<128x128xf32, #tpu.memory_space<vmem>>, vector<128x128xf32>
    %dot_general3A_18 = arith.constant dense<0.000000e+00> : vector<10000x128xf32>
    %dot_general3A_19 = tpu.matmul %max3A_14, %get3A_17, %dot_general3A_18 {dimension_numbers = #tpu.dot_dimension_numbers<[1], [0], [0], [1], [0, 0, 1, 1], [], []>, precision = #tpu.contract_precision<fp32>, transpose_lhs_hint = false} : vector<10000x128xf32>, vector<128x128xf32>, vector<10000x128xf32> -> vector<10000x128xf32>
    %mul3A = arith.mulf %dot_general3A_19, %dot_general3A_19 : vector<10000x128xf32>
    %reduce_sum3A = arith.constant dense<0.000000e+00> : vector<10000xf32>
    %reduce_sum3A_20 = vector.multi_reduction <add>, %mul3A, %reduce_sum3A [1] : vector<10000x128xf32> to vector<10000xf32>
    %broadcast_in_dim3A = vector.shape_cast %reduce_sum3A_20 : vector<10000xf32> to vector<10000x1xf32>
    %sqrt3A = math.sqrt %broadcast_in_dim3A : vector<10000x1xf32>
    %max3A_21 = arith.constant 9.99999996E-13 : f32
    %max3A_22 = vector.broadcast %max3A_21 : f32 to vector<10000x1xf32>
    %max3A_23 = arith.maximumf %sqrt3A, %max3A_22 : vector<10000x1xf32>
    %div3A = vector.broadcast %max3A_23 : vector<10000x1xf32> to vector<10000x128xf32>
    %div3A_24 = arith.divf %dot_general3A_19, %div3A : vector<10000x128xf32>
    %swap3A = arith.constant 0 : index
    %swap3A_25 = arith.constant 0 : index
    %swap3A_26 = vector.load %arg4[%swap3A, %swap3A_25] : memref<10000x128xf32, #tpu.memory_space<vmem>>, vector<10000x128xf32>
    tpu.vector_store %arg4[%swap3A, %swap3A_25], %div3A_24 {strides = array<i32>} : memref<10000x128xf32, #tpu.memory_space<vmem>>, vector<10000x128xf32>,
    return
  }
}

</mosaic_0001>

<sc_bundles>
// kernel: kernel.6.cloned.1.call-start
scs
__scs_entry_jumppad:
0x0: {  	(pc) =	sbr.rel $0x88, $3  }
0x1: {  	(tag) =	ssettag $0x0;
	lr =	simm.s32 $0x1  }
0x2: {  	[smem:$0x3F9B] =	sst lr;
	_ =	strace $0xD0000000  }
0x3: {  	_ = 	snop  }
0x4: {  	_ = 	snop  }
0x5: {  	_ = 	snop  }
0x6: {  	_ = 	snop  }
0x7: {  	_ = 	snop  }
__scs_overlays_trampoline_lowered:
0x8: {  	[smem:$0x3FAA] =	sst s0  }
0x9: {  	[smem:$0x3FAB] =	sst s1  }
0xa: {  	[smem:$0x3FAC] =	sst s2  }
0xb: {  	[smem:$0x3FAD] =	sst s3  }
0xc: {  	[smem:$0x3FAE] =	sst s4  }
0xd: {  	[smem:$0x3FAF] =	sst s5  }
0xe: {  	[smem:$0x3FB0] =	sst s6  }
0xf: {  	[smem:$0x3FB1] =	sst s7  }
0x10: {  	[smem:$0x3FB2] =	sst s8  }
0x11: {  	[smem:$0x3FB3] =	sst s9;
	s0 =	simm.s32 @!p0 $0x0  }
0x12: {  	s1 =	sld [smem:$0x3F99];
	s0 =	simm.s32 @p0 $0x1  }
0x13: {  	[smem:$0x3FB4] =	sst s0;
	s0 =	simm.s32 @!p1 $0x0  }
0x14: {  	s2 =	sld [smem:$0x3F98];
	s0 =	simm.s32 @p1 $0x1  }
0x15: {  	[smem:$0x3FB5] =	sst s0;
	s0 =	simm.s32 @!p2 $0x0  }
0x16: {  	s3 =	sld [smem:$0x3FDB];
	s0 =	simm.s32 @p2 $0x1  }
0x17: {  	s4 =	simm.s32 $0x1BF5;
	[smem:$0x3FB7] =	sst s0  }
0x18: {  	s0 =	sld [smem:$0x3F9A];
	_ =	swait.ge [sflag:s4], $0x0  }
0x19: {  	s7 =	sld [smem:$0x3F9B]  }
0x1a: {  	s8 =	sadd.s32 $0xFFFFE003, lr  }
0x1b: {  	s9 =	sadd.s32 $0xFFFFFEF7, lr;
	s5 =	simm.s32 $0xFFFFFFFF;
	p2 =	slt.u32 s8, $0xFFFFF086  }
0x1c: {  	p1 =	slt.u32 s9, $0xF7A;
	s5 =	simm.s32 @!p2 $0x0  }
0x1d: {  	s5 =	simm.s32 @p1 $0x1;
	p0 =	seq.s32 s7, s2  }
0x1e: {  	s7 =	smul.u32 @!p0 $0xF7A, s2;
	p2 =	seq.s32 @!p0 s5, $0x0  }
0x1f: {  	s9 =	smul.u32 $0xF7A, s1;
	s8 =	simm.s32 @!p0 $0x1BF5;
	p2 =	por !p2, p0  }
0x20: {  	[sflag:s8] =	ssyncset.s32 @!p0 $0xFFFFF086;
	s6 =	sadd.s32 @!p0 s3, s7;
	s7 =	simm.s32 @!p0 $0x108  }
0x21: {  	s3 =	sadd.s32 s3, s9;
	s6 =	sadd.s32 @!p0 $0x88, s6;
	s7 =	simm.s32 @p2 $0x1082  }
0x22: {  	[simem:s7], [sflag:s8] =	dma.local @!p0 [hbm:s6], $0xF7A  }
0x23: {  	s9 =	sor.u32 $0xD0000000, s2;
	s6 =	simm.s32 $0x108;
	_ =	swait.ge @!p0 [sflag:s8], $0x0  }
0x24: {  	s3 =	sadd.s32 $0x88, s3;
	s6 =	simm.s32 @!p1 $0x1082;
	[sflag:s4] =	ssyncset.s32 $0xFFFFF086  }
0x25: {  	[simem:s6], [sflag:s4] =	dma.local [hbm:s3], $0xF7A  }
0x26: {  	[smem:$0x3F9B] =	sst s1;
	(tag) =	ssettag s2;
	_ =	strace s9  }
0x27: {  	s1 =	sld [smem:$0x3FAB]  }
0x28: {  	s2 =	sld [smem:$0x3FAC]  }
0x29: {  	s4 =	sld [smem:$0x3FAE]  }
0x2a: {  	p0 =	seq.s32 s5, $0x0;
	s5 =	sld [smem:$0x3FAF]  }
0x2b: {  	s6 =	sld [smem:$0x3FB0]  }
0x2c: {  	s7 =	sld [smem:$0x3FB1]  }
0x2d: {  	s3 =	simm.s32 $0x108;
	s8 =	sld [smem:$0x3FB2]  }
0x2e: {  	s3 =	simm.s32 @!p0 $0x1082;
	s9 =	sld [smem:$0x3FB3]  }
0x2f: {  	lr =	sadd.s32 s0, s3;
	s0 =	sld [smem:$0x3FAA]  }
0x30: {  	s3 =	sld [smem:$0x3FAD]  }
0x31: {  	[smem:$0x3FB6] =	sst s10  }
0x32: {  	s10 =	sld [smem:$0x3FB4];
	_ =	sdelay $0x3  }
0x33: {  	p0 =	seq.s32 s10, $0x1;
	s10 =	sld [smem:$0x3FB6];
	_ =	sdelay $0x3  }
0x34: {  	[smem:$0x3FB6] =	sst s10  }
0x35: {  	s10 =	sld [smem:$0x3FB5];
	_ =	sdelay $0x3  }
0x36: {  	p1 =	seq.s32 s10, $0x1;
	s10 =	sld [smem:$0x3FB6];
	_ =	sdelay $0x3  }
0x37: {  	[smem:$0x3FB6] =	sst s10  }
0x38: {  	s10 =	sld [smem:$0x3FB7]  }
0x39: {  	_ = 	snop;
	(pc) =	sbr.ind lr, $3  }
0x3a: {  	_ = 	snop  }
0x3b: {  	_ = 	snop  }
0x3c: {  	p2 =	seq.s32 s10, $0x1;
	s10 =	sld [smem:$0x3FB6]  }
0x3d: {  	_ =	shalt  }
0x3e: {  	_ =	shalt  }
0x3f: {  	_ =	shalt  }
0x40: {  	_ =	shalt  }
0x41: {  	_ =	shalt  }
0x42: {  	_ =	shalt  }
0x43: {  	_ =	shalt  }
0x44: {  	_ =	shalt  }
0x45: {  	_ =	shalt  }
0x46: {  	_ =	shalt  }
0x47: {  	_ =	shalt  }
0x48: {  	_ =	shalt  }
0x49: {  	_ =	shalt  }
0x4a: {  	_ =	shalt  }
0x4b: {  	_ =	shalt  }
0x4c: {  	_ =	shalt  }
0x4d: {  	_ =	shalt  }
0x4e: {  	_ =	shalt  }
0x4f: {  	_ =	shalt  }
0x50: {  	_ =	shalt  }
0x51: {  	_ =	shalt  }
0x52: {  	_ =	shalt  }
0x53: {  	_ =	shalt  }
0x54: {  	_ =	shalt  }
0x55: {  	_ =	shalt  }
0x56: {  	_ =	shalt  }
0x57: {  	_ =	shalt  }
0x58: {  	_ =	shalt  }
0x59: {  	_ =	shalt  }
0x5a: {  	_ =	shalt  }
0x5b: {  	_ =	shalt  }
0x5c: {  	_ =	shalt  }
0x5d: {  	_ =	shalt  }
0x5e: {  	_ =	shalt  }
0x5f: {  	_ =	shalt  }
0x60: {  	_ =	shalt  }
0x61: {  	_ =	shalt  }
0x62: {  	_ =	shalt  }
0x63: {  	_ =	shalt  }
0x64: {  	_ =	shalt  }
0x65: {  	_ =	shalt  }
0x66: {  	_ =	shalt  }
0x67: {  	_ =	shalt  }
0x68: {  	_ =	shalt  }
0x69: {  	_ =	shalt  }
0x6a: {  	_ =	shalt  }
0x6b: {  	_ =	shalt  }
0x6c: {  	_ =	shalt  }
0x6d: {  	_ =	shalt  }
0x6e: {  	_ =	shalt  }
0x6f: {  	_ =	shalt  }
0x70: {  	_ =	shalt  }
0x71: {  	_ =	shalt  }
0x72: {  	_ =	shalt  }
0x73: {  	_ =	shalt  }
0x74: {  	_ =	shalt  }
0x75: {  	_ =	shalt  }
0x76: {  	_ =	shalt  }
0x77: {  	_ =	shalt  }
0x78: {  	_ =	shalt  }
0x79: {  	_ =	shalt  }
0x7a: {  	_ =	shalt  }
0x7b: {  	_ =	shalt  }
0x7c: {  	_ =	shalt  }
0x7d: {  	_ =	shalt  }
0x7e: {  	_ =	shalt  }
0x7f: {  	_ =	shalt  }
0x80: {  	_ =	shalt  }
0x81: {  	_ =	shalt  }
0x82: {  	_ =	shalt  }
0x83: {  	_ =	shalt  }
0x84: {  	_ =	shalt  }
0x85: {  	_ =	shalt  }
0x86: {  	_ =	shalt  }
0x87: {  	_ =	shalt  }
.Lfunc_end0:
.L_simem_size_0:
called_computation_lowered:
.L_overlay_start_0:
0x88: {  	s2 =	sld [smem:$0x3FD9]  }
0x89: {  	s3 =	sld [smem:$0x3FFE];
	_ =	sdelay $0x1  }
0x8a: {  	s1 =	srdreg.scid  }
0x8b: {  	s0 =	sand.u32 $0x1, s1  }
0x8c: {  	s17 =	sshll.u32 s0, $0xA;
	s2 =	sadd.s32 s3, s2  }
0x8d: {  	s2 =	sadd.s32 s2, s17  }
0x8e: {  	[smem:$0x3FC2] =	sst s2  }
0x8f: {  	_ = 	snop  }
0x90: {  	s2 =	sld [smem:$0x3FC9];
	(tm) =	ssettm $0x1  }
0x91: {  	s18 =	sld [smem:$0x3FFB];
	_ =	sdelay $0x3  }
0x92: {  	_ =	strace s18  }
0x93: {  	s3 =	sld [smem:$0x3FFC];
	_ =	sdelay $0x3  }
0x94: {  	_ =	strace s3  }
0x95: {  	s3 =	sld [smem:$0x3FFD];
	_ =	sdelay $0x3  }
0x96: {  	_ =	strace s3  }
0x97: {  	_ =	strace $0x8FFFFFFF  }
0x98: {  	s19 =	sld [smem:$0x3FDB];
	_ =	sdelay $0x1  }
0x99: {  	s4 =	simm.s32 $_scs_section_size  }
0x9a: {  	s5 =	simm.s32 $_size__tile_overlayer_lowered;
	s6 =	simm.s32 $_tile_overlayer_lowered  }
0x9b: {  	s22 =	simm.s32 $0x1BFF;
	s21 =	sshll.u32 s6, $0x1;
	s3 =	sadd.s32 s4, s19  }
0x9c: {  	s7 =	simm.s32 $0x0;
	s20 =	sshll.u32 s5, $0x1;
	s5 =	sadd.s32 s21, s3  }
0x9d: {  	[timem:s7], [sflag:s22] =	dma.local [hbm:s5], s20  }
0x9e: {  	_ =	swait.ge [sflag:s22], s20  }
0x9f: {  	s4 =	ssub.s32 $0x0, s20;
	[sflag:s22] =	ssyncset.done $0x0  }
0xa0: {  	[sflag:s22] =	ssyncadd.s32 s4;
	_ =	sdelay $0x1  }
0xa1: {  	s23 =	simm.s32 $0x1B8B  }
0xa2: {  	_ =	swait.ge [sflag:s23], $0x1  }
0xa3: {  	[sflag:s23] =	ssyncset.done $0x0  }
0xa4: {  	s25 =	simm.s32 $0x1B8E;
	s24 =	sld [smem:$0x3FFE];
	[sflag:s23] =	ssyncadd.s32 $0xFFFFFFFF  }
0xa5: {  	s26 =	simm.s32 $execute0_lowered;
	[smem:$0x3FD2] =	sst s25  }
0xa6: {  	s5 =	sshll.u32 s26, $0x1;
	_ =	strace $0x80000046;
	[dreg:$0x1] =	wrdreg $0xFFFFFFFF  }
0xa7: {  	s28 =	simm.s32 $_size_execute0_lowered;
	s3 =	sadd.s32 s3, s5;
	[dreg:$0x0] =	wrdreg $0x0  }
0xa8: {  	s5 =	sshll.u32 s28, $0x1;
	[dreg:$0x2] =	wrdreg s3  }
0xa9: {  	[dreg:$0x3] =	wrdreg s5  }
0xaa: {  	[dreg:$0x4] =	wrdreg $0xC0  }
0xab: {  	_ =	task [dreg:s7], $0x5FFFF  }
0xac: {  	[dreg:$0x1] =	wrdreg $0xFFFFFFFF  }
0xad: {  	[dreg:$0x0] =	wrdreg $0x60  }
0xae: {  	[dreg:$0x2] =	wrdreg s2  }
0xaf: {  	[dreg:$0x3] =	wrdreg s24  }
0xb0: {  	[dreg:$0x4] =	wrdreg $0xA0000  }
0xb1: {  	[dreg:$0x5] =	wrdreg $0x9  }
0xb2: {  	_ =	task.clear_ibuf [dreg:s7], $0x6FFFF;
	_ =	strace $0x90000046  }
0xb3: {  	s29 =	simm.s32 $0x9;
	_ =	strace $0x80000048  }
0xb4: {  	_ =	swait.ge [sflag:s29], $0x1  }
0xb5: {  	[sflag:s29] =	ssyncadd.s32 $0xFFFFFFFF  }
0xb6: {  	_ =	strace $0x90000048  }
0xb7: {  	_ =	sfence  }
0xb8: {  	s30 =	sld [smem:$0x0];
	_ =	sdelay $0x2  }
0xb9: {  	s31 =	sshll.u32 s1, $0xD;
	s1 =	sshrl.u32 s1, $0x2  }
0xba: {  	s3 =	sand.u32 $0x4000, s31;
	s1 =	sadd.s32 s1, s30  }
0xbb: {  	s0 =	sor.u32 s3, s0;
	s1 =	sshll.u32 s1, $0x11  }
0xbc: {  	s0 =	sor.u32 s1, s0  }
0xbd: {  	s0 =	sadd.s32 $0x8F2B, s0  }
0xbe: {  	[sflag:s0] =	ssyncadd.remote.s32 $0x1  }
0xbf: {  	_ =	sfence.sel $0xFFFF  }
0xc0: {  	[dreg:$0x0] =	wrdreg $0xFFFFFFFF;
	(pc) =	sbr.abs _section_cstart, $3  }
0xc1: {  	[dreg:$0x1] =	wrdreg $0xFFFFFFFF  }
0xc2: {  	_ =	task.clear_ibuf [dreg:s7], $0x2FFFF;
	_ =	strace $0x9FFFFFFF  }
0xc3: {  	(tm) =	ssettm $0x7FFFFFFF  }
tec
execute0_lowered:
.L_overlay_start_1:
0x0: {  	(tag) =	ssettag $0x1  }
0x1: {  	s0 =	rddreg [dreg:$0x0]  }
0x2: {  	s1 =	rddreg [dreg:$0x1];
	s2 =	srdreg.scid  }
0x3: {  	s3 =	rddreg [dreg:$0x2];
	s12 =	stileid.u32  }
0x4: {  	s4 =	simm.s32 $0x0;
	s13 =	simm.s32 $0x3F00;
	s6 =	smul.u32 $0x14000, s12  }
0x5: {  	s2 =	sand.u32 $0x1, s2;
	[smem:$0x7FF] =	sst s4;
	s7 =	smul.u32 $0x50000, s12  }
0x6: {  	s8 =	sadd.s32 $0x1A00, s1;
	s9 =	sadd.s32 $0x11A00, s1;
	s5 =	smul.u32 $0x140000, s2  }
0x7: {  	s25 =	sshll.u32 s12, $0xB;
	s12 =	simm.s32 $0x2;
	_ =	strace $0x80000047  }
0x8: {  	s14 =	ssub.s32 $0x2, s2;
	s7 =	sshrl.u32 s7, $0x2;
	s5 =	sadd.s32 s6, s5  }
0x9: {  	s2 =	sshll.u32 s2, $0xF;
	s10 =	sshrl.u32 s5, $0x3;
	s5 =	sadd.s32 s7, s3  }
0xa: {  	s11 =	sshrl.u32 s14, $0x1;
	s2 =	sor.u32 s25, s2;
	s7 =	sadd.s32 $0x1000, s5  }
0xb: {  	s6 =	ssub.s32 s14, s11;
	s15 =	sadd.s32 $0x2000, s5;
	[dreg:$0x4] =	wrdreg s7  }
0xc: {  	s11 =	simm.s32 $0x1;
	s16 =	sadd.s32 $0x3000, s5;
	[dreg:$0x5] =	wrdreg s15  }
0xd: {  	s14 =	simm.s32 $0x3F80;
	s17 =	sadd.s32 $0x4000, s5;
	[dreg:$0x6] =	wrdreg s16  }
0xe: {  	s25 =	smax.u32 s6, $0x1;
	s18 =	sadd.s32 $0x5000, s5;
	[dreg:$0x7] =	wrdreg s17  }
0xf: {  	s6 =	simm.s32 $0x2000;
	s19 =	sadd.s32 $0x6000, s5;
	[dreg:$0x8] =	wrdreg s18  }
0x10: {  	s1 =	sadd.s32 s10, s1;
	s20 =	sadd.s32 $0x7000, s5;
	[dreg:$0x9] =	wrdreg s19  }
0x11: {  	s21 =	sadd.s32 $0x8000, s5;
	s22 =	sadd.s32 $0x9000, s5;
	[dreg:$0xa] =	wrdreg s20  }
0x12: {  	s23 =	sadd.s32 $0xA000, s5;
	s24 =	sadd.s32 $0xB000, s5;
	[dreg:$0xb] =	wrdreg s21  }
0x13: {  	s26 =	sadd.s32 $0xC000, s5;
	s28 =	sadd.s32 $0x10000, s5;
	[dreg:$0xc] =	wrdreg s22  }
0x14: {  	s29 =	sadd.s32 $0x11000, s5;
	s30 =	sadd.s32 $0x12000, s5;
	[dreg:$0xd] =	wrdreg s23  }
0x15: {  	s31 =	sadd.s32 $0x13000, s5;
	s10 =	simm.s32 $0x6800;
	[dreg:$0xe] =	wrdreg s24  }
0x16: {  	[dreg:$0xf] =	wrdreg s26;
	s18 =	sadd.s32 $0xD000, s5;
	s19 =	sadd.s32 s8, s2  }
0x17: {  	s20 =	sadd.s32 s9, s2;
	s2 =	sor.u32 $0x400, s2;
	s23 =	sadd.s32 $0xE000, s5  }
0x18: {  	s24 =	sadd.s32 $0x21A00, s1;
	s26 =	sadd.s32 $0xF000, s5;
	s1 =	simm.s32 $0x9000  }
0x19: {  	s7 =	simm.s32 $0x50;
	s21 =	sadd.s32 s8, s2;
	s22 =	sadd.s32 s9, s2  }
0x1a: {  	v0 =	vimm.f32 $0.0e+00;
	s2 =	simm.s32 $0x3;
	s8 =	simm.s32 $0x4000;
	s9 =	simm.s32 $0x80  }
.LBB2_1:
0x1b: {  	s15 =	simm.s32 $0x0;
	s16 =	simm.s32 $0x200  }
.LBB2_2:
0x1c: {  	p0 =	sne.s32 s16, $0x3E00;
	[tilespmem:s15+$0x9070] =	vst v0  }
0x1d: {  	[tilespmem:s15+$0x9000] =	vst v0  }
0x1e: {  	[tilespmem:s15+$0x9010] =	vst v0  }
.Ltmp0:
0x1f: {  	[tilespmem:s15+$0x9020] =	vst v0;
	(pc) =	sbr.rel @p0 .LBB2_2-.Ltmp0, $4  }
0x20: {  	[tilespmem:s15+$0x9030] =	vst v0  }
0x21: {  	[tilespmem:s15+$0x9040] =	vst v0  }
0x22: {  	[tilespmem:s15+$0x9050] =	vst v0  }
0x23: {  	[tilespmem:s15+$0x9060] =	vst v0;
	s15 =	sshra.s32 s16, $0x2;
	s16 =	sadd.s32 $0x200, s16  }
0x24: {  	[tilespmem:s15+$0x9070] =	vst v0  }
0x25: {  	[tilespmem:s15+$0x9000] =	vst v0  }
0x26: {  	[tilespmem:s15+$0x9010] =	vst v0  }
0x27: {  	[tilespmem:s15+$0x9020] =	vst v0  }
0x28: {  	[tilespmem:s15+$0x9030] =	vst v0  }
0x29: {  	[tilespmem:s15+$0x9040] =	vst v0  }
0x2a: {  	[tilespmem:s15+$0x9050] =	vst v0  }
0x2b: {  	[tilespmem:s15+$0x9060] =	vst v0  }
0x2c: {  	[spmem:s5] =	stream.linear.scatter [tilespmem:s1], [sflag:$0x3], $0x1000, $0x38;
	[tilespmem:$0x1E000] =	vst v63  }
0x2d: {  	_ =	swait.ge [sflag:s2], $0x1000  }
0x2e: {  	[sflag:s2] =	ssyncset.done $0x0  }
0x2f: {  	s16 =	rddreg [dreg:$0x4];
	[sflag:s2] =	ssyncadd.s32 $0xFFFFF000  }
0x30: {  	[spmem:s16] =	stream.linear.scatter [tilespmem:s1], [sflag:$0x3], $0x1000, $0x38;
	[tilespmem:$0x1E000] =	vst v63  }
0x31: {  	_ =	swait.ge [sflag:s2], $0x1000  }
0x32: {  	[sflag:s2] =	ssyncset.done $0x0  }
0x33: {  	s17 =	rddreg [dreg:$0x5];
	[sflag:s2] =	ssyncadd.s32 $0xFFFFF000  }
0x34: {  	[spmem:s17] =	stream.linear.scatter [tilespmem:s1], [sflag:$0x3], $0x1000, $0x38;
	[tilespmem:$0x1E000] =	vst v63  }
0x35: {  	_ =	swait.ge [sflag:s2], $0x1000  }
0x36: {  	[sflag:s2] =	ssyncset.done $0x0  }
0x37: {  	s16 =	rddreg [dreg:$0x6];
	[sflag:s2] =	ssyncadd.s32 $0xFFFFF000  }
0x38: {  	[spmem:s16] =	stream.linear.scatter [tilespmem:s1], [sflag:$0x3], $0x1000, $0x38;
	[tilespmem:$0x1E000] =	vst v63  }
0x39: {  	_ =	swait.ge [sflag:s2], $0x1000  }
0x3a: {  	[sflag:s2] =	ssyncset.done $0x0  }
0x3b: {  	s17 =	rddreg [dreg:$0x7];
	[sflag:s2] =	ssyncadd.s32 $0xFFFFF000  }
0x3c: {  	[spmem:s17] =	stream.linear.scatter [tilespmem:s1], [sflag:$0x3], $0x1000, $0x38;
	[tilespmem:$0x1E000] =	vst v63  }
0x3d: {  	_ =	swait.ge [sflag:s2], $0x1000  }
0x3e: {  	[sflag:s2] =	ssyncset.done $0x0  }
0x3f: {  	s16 =	rddreg [dreg:$0x8];
	[sflag:s2] =	ssyncadd.s32 $0xFFFFF000  }
0x40: {  	[spmem:s16] =	stream.linear.scatter [tilespmem:s1], [sflag:$0x3], $0x1000, $0x38;
	[tilespmem:$0x1E000] =	vst v63  }
0x41: {  	_ =	swait.ge [sflag:s2], $0x1000  }
0x42: {  	[sflag:s2] =	ssyncset.done $0x0  }
0x43: {  	s17 =	rddreg [dreg:$0x9];
	[sflag:s2] =	ssyncadd.s32 $0xFFFFF000  }
0x44: {  	[spmem:s17] =	stream.linear.scatter [tilespmem:s1], [sflag:$0x3], $0x1000, $0x38;
	[tilespmem:$0x1E000] =	vst v63  }
0x45: {  	_ =	swait.ge [sflag:s2], $0x1000  }
0x46: {  	[sflag:s2] =	ssyncset.done $0x0  }
0x47: {  	s16 =	rddreg [dreg:$0xa];
	[sflag:s2] =	ssyncadd.s32 $0xFFFFF000  }
0x48: {  	[spmem:s16] =	stream.linear.scatter [tilespmem:s1], [sflag:$0x3], $0x1000, $0x38;
	[tilespmem:$0x1E000] =	vst v63  }
0x49: {  	_ =	swait.ge [sflag:s2], $0x1000  }
0x4a: {  	[sflag:s2] =	ssyncset.done $0x0  }
0x4b: {  	s17 =	rddreg [dreg:$0xb];
	[sflag:s2] =	ssyncadd.s32 $0xFFFFF000  }
0x4c: {  	[spmem:s17] =	stream.linear.scatter [tilespmem:s1], [sflag:$0x3], $0x1000, $0x38;
	[tilespmem:$0x1E000] =	vst v63  }
0x4d: {  	_ =	swait.ge [sflag:s2], $0x1000  }
0x4e: {  	[sflag:s2] =	ssyncset.done $0x0  }
0x4f: {  	s16 =	rddreg [dreg:$0xc];
	[sflag:s2] =	ssyncadd.s32 $0xFFFFF000  }
0x50: {  	[spmem:s16] =	stream.linear.scatter [tilespmem:s1], [sflag:$0x3], $0x1000, $0x38;
	[tilespmem:$0x1E000] =	vst v63  }
0x51: {  	_ =	swait.ge [sflag:s2], $0x1000  }
0x52: {  	[sflag:s2] =	ssyncset.done $0x0  }
0x53: {  	s17 =	rddreg [dreg:$0xd];
	[sflag:s2] =	ssyncadd.s32 $0xFFFFF000  }
0x54: {  	[spmem:s17] =	stream.linear.scatter [tilespmem:s1], [sflag:$0x3], $0x1000, $0x38;
	[tilespmem:$0x1E000] =	vst v63  }
0x55: {  	_ =	swait.ge [sflag:s2], $0x1000  }
0x56: {  	[sflag:s2] =	ssyncset.done $0x0  }
0x57: {  	s16 =	rddreg [dreg:$0xe];
	[sflag:s2] =	ssyncadd.s32 $0xFFFFF000  }
0x58: {  	[spmem:s16] =	stream.linear.scatter [tilespmem:s1], [sflag:$0x3], $0x1000, $0x38;
	[tilespmem:$0x1E000] =	vst v63  }
0x59: {  	_ =	swait.ge [sflag:s2], $0x1000  }
0x5a: {  	[sflag:s2] =	ssyncset.done $0x0  }
0x5b: {  	s17 =	rddreg [dreg:$0xf];
	[sflag:s2] =	ssyncadd.s32 $0xFFFFF000  }
0x5c: {  	[spmem:s17] =	stream.linear.scatter [tilespmem:s1], [sflag:$0x3], $0x1000, $0x38;
	[tilespmem:$0x1E000] =	vst v63  }
0x5d: {  	_ =	swait.ge [sflag:s2], $0x1000  }
0x5e: {  	[sflag:s2] =	ssyncset.done $0x0  }
0x5f: {  	[sflag:s2] =	ssyncadd.s32 $0xFFFFF000  }
0x60: {  	[spmem:s18] =	stream.linear.scatter [tilespmem:s1], [sflag:$0x3], $0x1000, $0x38;
	[tilespmem:$0x1E000] =	vst v63  }
0x61: {  	_ =	swait.ge [sflag:s2], $0x1000  }
0x62: {  	[sflag:s2] =	ssyncset.done $0x0  }
0x63: {  	[sflag:s2] =	ssyncadd.s32 $0xFFFFF000  }
0x64: {  	[spmem:s23] =	stream.linear.scatter [tilespmem:s1], [sflag:$0x3], $0x1000, $0x38;
	[tilespmem:$0x1E000] =	vst v63  }
0x65: {  	_ =	swait.ge [sflag:s2], $0x1000  }
0x66: {  	[sflag:s2] =	ssyncset.done $0x0  }
0x67: {  	[sflag:s2] =	ssyncadd.s32 $0xFFFFF000  }
0x68: {  	[spmem:s26] =	stream.linear.scatter [tilespmem:s1], [sflag:$0x3], $0x1000, $0x38;
	[tilespmem:$0x1E000] =	vst v63  }
0x69: {  	_ =	swait.ge [sflag:s2], $0x1000  }
0x6a: {  	[sflag:s2] =	ssyncset.done $0x0  }
0x6b: {  	[sflag:s2] =	ssyncadd.s32 $0xFFFFF000  }
0x6c: {  	[spmem:s28] =	stream.linear.scatter [tilespmem:s1], [sflag:$0x3], $0x1000, $0x38;
	[tilespmem:$0x1E000] =	vst v63  }
0x6d: {  	_ =	swait.ge [sflag:s2], $0x1000  }
0x6e: {  	[sflag:s2] =	ssyncset.done $0x0  }
0x6f: {  	[sflag:s2] =	ssyncadd.s32 $0xFFFFF000  }
0x70: {  	[spmem:s29] =	stream.linear.scatter [tilespmem:s1], [sflag:$0x3], $0x1000, $0x38;
	[tilespmem:$0x1E000] =	vst v63  }
0x71: {  	_ =	swait.ge [sflag:s2], $0x1000  }
0x72: {  	[sflag:s2] =	ssyncset.done $0x0  }
0x73: {  	[sflag:s2] =	ssyncadd.s32 $0xFFFFF000  }
0x74: {  	[spmem:s30] =	stream.linear.scatter [tilespmem:s1], [sflag:$0x3], $0x1000, $0x38;
	[tilespmem:$0x1E000] =	vst v63  }
0x75: {  	_ =	swait.ge [sflag:s2], $0x1000  }
0x76: {  	[sflag:s2] =	ssyncset.done $0x0  }
0x77: {  	[sflag:s2] =	ssyncadd.s32 $0xFFFFF000  }
0x78: {  	[spmem:s31] =	stream.linear.scatter [tilespmem:s1], [sflag:$0x3], $0x1000, $0x38;
	[tilespmem:$0x1E000] =	vst v63  }
0x79: {  	_ =	swait.ge [sflag:s2], $0x1000  }
0x7a: {  	[sflag:s2] =	ssyncset.done $0x0  }
0x7b: {  	[sflag:s2] =	ssyncadd.s32 $0xFFFFF000  }
0x7c: {  	s16 =	simm.s32 $0x0;
	[bflag:$0x0] =	sbarrier.arrive $0xFFFF  }
0x7d: {  	[tilespmem:s16], [sflag:$0x3] =	stream.linear.gather [hbm4b:s19+s16], $0x2000, $0x38;
	[tilespmem:$0x1E000] =	vst v63  }
0x7e: {  	_ =	swait.ge [sflag:s2], $0x2000  }
0x7f: {  	[sflag:s2] =	ssyncset.done $0x0  }
0x80: {  	[sflag:s2] =	ssyncadd.s32 $0xFFFFE000  }
0x81: {  	[tilespmem:s6], [sflag:$0x3] =	stream.linear.gather [hbm4b:s20+s16], $0x2000, $0x38;
	[tilespmem:$0x1E000] =	vst v63  }
0x82: {  	_ =	swait.ge [sflag:s2], $0x2000  }
0x83: {  	[sflag:s2] =	ssyncset.done $0x0  }
0x84: {  	[sflag:s2] =	ssyncadd.s32 $0xFFFFE000  }
0x85: {  	[tilespmem:s8], [sflag:$0x1] =	stream.indirect.gather [hbm4b:s0+s7], $0x80, s16, s7, $0xb8;
	[tilespmem:$0x1E000] =	vst v63  }
0x86: {  	_ = 	snop  }
0x87: {  	[tilespmem:s10], [sflag:$0x2] =	stream.indirect.gather [hbm4b:s0+s7], $0x80, s9, s7, $0xb8;
	[tilespmem:$0x1E000] =	vst v63  }
0x88: {  	_ =	swait.ge [sflag:s11], $0x2800  }
0x89: {  	[sflag:s11] =	ssyncset.done $0x0  }
0x8a: {  	s17 =	simm.s32 $0x2000;
	[sflag:s11] =	ssyncadd.s32 $0xFFFFD800  }
0x8b: {  	[spmem:s3] =	stream.indirect.scatter.add.f32 [tilespmem:s8], [sflag:$0x3], $0x80, s17, s7, $0xb8;
	[tilespmem:$0x1E000] =	vst v63  }
0x8c: {  	_ =	swait.ge [sflag:s2], $0x2800  }
0x8d: {  	[sflag:s2] =	ssyncset.done $0x0  }
0x8e: {  	s16 =	simm.s32 $0x100;
	[sflag:s2] =	ssyncadd.s32 $0xFFFFD800  }
0x8f: {  	[tilespmem:s8], [sflag:$0x1] =	stream.indirect.gather [hbm4b:s0+s7], $0x80, s16, s7, $0xb8;
	[tilespmem:$0x1E000] =	vst v63  }
0x90: {  	_ =	swait.ge [sflag:s12], $0x2800  }
0x91: {  	[sflag:s12] =	ssyncset.done $0x0  }
0x92: {  	s17 =	simm.s32 $0x2080;
	[sflag:s12] =	ssyncadd.s32 $0xFFFFD800  }
0x93: {  	[spmem:s3] =	stream.indirect.scatter.add.f32 [tilespmem:s10], [sflag:$0x3], $0x80, s17, s7, $0xb8;
	[tilespmem:$0x1E000] =	vst v63  }
0x94: {  	_ =	swait.ge [sflag:s2], $0x2800  }
0x95: {  	[sflag:s2] =	ssyncset.done $0x0  }
0x96: {  	s15 =	simm.s32 $0x400;
	s16 =	simm.s32 $0x180;
	[sflag:s2] =	ssyncadd.s32 $0xFFFFD800  }
.LBB2_4:
0x97: {  	[tilespmem:s10], [sflag:$0x2] =	stream.indirect.gather [hbm4b:s0+s7], $0x80, s16, s7, $0xb8;
	[tilespmem:$0x1E000] =	vst v63  }
0x98: {  	s16 =	smov.u32 s15  }
0x99: {  	p0 =	sne.s32 s15, $0x7800;
	s15 =	sadd.s32 $0x400, s15;
	_ =	swait.ge [sflag:s11], $0x2800  }
0x9a: {  	s16 =	sshra.s32 s16, $0x2;
	[sflag:s11] =	ssyncset.done $0x0  }
0x9b: {  	s17 =	sadd.s32 $0x2000, s16;
	[sflag:s11] =	ssyncadd.s32 $0xFFFFD800  }
0x9c: {  	[spmem:s3] =	stream.indirect.scatter.add.f32 [tilespmem:s8], [sflag:$0x3], $0x80, s17, s7, $0xb8;
	[tilespmem:$0x1E000] =	vst v63  }
0x9d: {  	_ =	swait.ge [sflag:s2], $0x2800  }
0x9e: {  	[sflag:s2] =	ssyncset.done $0x0  }
0x9f: {  	s17 =	sadd.s32 $0x100, s16;
	[sflag:s2] =	ssyncadd.s32 $0xFFFFD800  }
0xa0: {  	[tilespmem:s8], [sflag:$0x1] =	stream.indirect.gather [hbm4b:s0+s7], $0x80, s17, s7, $0xb8;
	[tilespmem:$0x1E000] =	vst v63  }
0xa1: {  	_ =	swait.ge [sflag:s12], $0x2800  }
0xa2: {  	[sflag:s12] =	ssyncset.done $0x0  }
.Ltmp1:
0xa3: {  	s17 =	sadd.s32 $0x2080, s16;
	[sflag:s12] =	ssyncadd.s32 $0xFFFFD800;
	(pc) =	sbr.rel @p0 .LBB2_4-.Ltmp1, $4  }
0xa4: {  	[spmem:s3] =	stream.indirect.scatter.add.f32 [tilespmem:s10], [sflag:$0x3], $0x80, s17, s7, $0xb8;
	[tilespmem:$0x1E000] =	vst v63  }
0xa5: {  	_ =	swait.ge [sflag:s2], $0x2800  }
0xa6: {  	[sflag:s2] =	ssyncset.done $0x0  }
0xa7: {  	s16 =	sadd.s32 $0x180, s16;
	[sflag:s2] =	ssyncadd.s32 $0xFFFFD800  }
0xa8: {  	[tilespmem:s10], [sflag:$0x2] =	stream.indirect.gather [hbm4b:s0+s7], $0x80, s16, s7, $0xb8;
	[tilespmem:$0x1E000] =	vst v63  }
0xa9: {  	_ =	swait.ge [sflag:s11], $0x2800  }
0xaa: {  	[sflag:s11] =	ssyncset.done $0x0  }
0xab: {  	[sflag:s11] =	ssyncadd.s32 $0xFFFFD800  }
0xac: {  	[spmem:s3] =	stream.indirect.scatter.add.f32 [tilespmem:s8], [sflag:$0x3], $0x80, s13, s7, $0xb8;
	[tilespmem:$0x1E000] =	vst v63  }
0xad: {  	_ =	swait.ge [sflag:s2], $0x2800  }
0xae: {  	[sflag:s2] =	ssyncset.done $0x0  }
0xaf: {  	[sflag:s2] =	ssyncadd.s32 $0xFFFFD800  }
0xb0: {  	_ =	swait.ge [sflag:s12], $0x2800  }
0xb1: {  	[sflag:s12] =	ssyncset.done $0x0  }
0xb2: {  	[sflag:s12] =	ssyncadd.s32 $0xFFFFD800  }
0xb3: {  	[spmem:s3] =	stream.indirect.scatter.add.f32 [tilespmem:s10], [sflag:$0x3], $0x80, s14, s7, $0xb8;
	[tilespmem:$0x1E000] =	vst v63  }
0xb4: {  	_ =	swait.ge [sflag:s2], $0x2800  }
0xb5: {  	[sflag:s2] =	ssyncset.done $0x0  }
0xb6: {  	s15 =	simm.s32 $0x0;
	[sflag:s2] =	ssyncadd.s32 $0xFFFFD800  }
0xb7: {  	[tilespmem:s15], [sflag:$0x3] =	stream.linear.gather [hbm4b:s21+s15], $0x2000, $0x38;
	[tilespmem:$0x1E000] =	vst v63  }
0xb8: {  	_ =	swait.ge [sflag:s2], $0x2000  }
0xb9: {  	[sflag:s2] =	ssyncset.done $0x0  }
0xba: {  	[sflag:s2] =	ssyncadd.s32 $0xFFFFE000  }
0xbb: {  	[tilespmem:s6], [sflag:$0x3] =	stream.linear.gather [hbm4b:s22+s15], $0x2000, $0x38;
	[tilespmem:$0x1E000] =	vst v63  }
0xbc: {  	_ =	swait.ge [sflag:s2], $0x2000  }
0xbd: {  	[sflag:s2] =	ssyncset.done $0x0  }
0xbe: {  	[sflag:s2] =	ssyncadd.s32 $0xFFFFE000  }
0xbf: {  	[tilespmem:s8], [sflag:$0x1] =	stream.indirect.gather [hbm4b:s0+s7], $0x80, s15, s7, $0xb8;
	[tilespmem:$0x1E000] =	vst v63  }
0xc0: {  	_ = 	snop  }
0xc1: {  	[tilespmem:s10], [sflag:$0x2] =	stream.indirect.gather [hbm4b:s0+s7], $0x80, s9, s7, $0xb8;
	[tilespmem:$0x1E000] =	vst v63  }
0xc2: {  	_ =	swait.ge [sflag:s11], $0x2800  }
0xc3: {  	[sflag:s11] =	ssyncset.done $0x0  }
0xc4: {  	s17 =	simm.s32 $0x2000;
	[sflag:s11] =	ssyncadd.s32 $0xFFFFD800  }
0xc5: {  	[spmem:s3] =	stream.indirect.scatter.add.f32 [tilespmem:s8], [sflag:$0x3], $0x80, s17, s7, $0xb8;
	[tilespmem:$0x1E000] =	vst v63  }
0xc6: {  	_ =	swait.ge [sflag:s2], $0x2800  }
0xc7: {  	[sflag:s2] =	ssyncset.done $0x0  }
0xc8: {  	s16 =	simm.s32 $0x100;
	[sflag:s2] =	ssyncadd.s32 $0xFFFFD800  }
0xc9: {  	[tilespmem:s8], [sflag:$0x1] =	stream.indirect.gather [hbm4b:s0+s7], $0x80, s16, s7, $0xb8;
	[tilespmem:$0x1E000] =	vst v63  }
0xca: {  	_ =	swait.ge [sflag:s12], $0x2800  }
0xcb: {  	[sflag:s12] =	ssyncset.done $0x0  }
0xcc: {  	s17 =	simm.s32 $0x2080;
	[sflag:s12] =	ssyncadd.s32 $0xFFFFD800  }
0xcd: {  	[spmem:s3] =	stream.indirect.scatter.add.f32 [tilespmem:s10], [sflag:$0x3], $0x80, s17, s7, $0xb8;
	[tilespmem:$0x1E000] =	vst v63  }
0xce: {  	_ =	swait.ge [sflag:s2], $0x2800  }
0xcf: {  	[sflag:s2] =	ssyncset.done $0x0  }
0xd0: {  	s15 =	simm.s32 $0x400;
	s16 =	simm.s32 $0x180;
	[sflag:s2] =	ssyncadd.s32 $0xFFFFD800  }
.LBB2_6:
0xd1: {  	[tilespmem:s10], [sflag:$0x2] =	stream.indirect.gather [hbm4b:s0+s7], $0x80, s16, s7, $0xb8;
	[tilespmem:$0x1E000] =	vst v63  }
0xd2: {  	s16 =	smov.u32 s15  }
0xd3: {  	p0 =	sne.s32 s15, $0x7800;
	s15 =	sadd.s32 $0x400, s15;
	_ =	swait.ge [sflag:s11], $0x2800  }
0xd4: {  	s16 =	sshra.s32 s16, $0x2;
	[sflag:s11] =	ssyncset.done $0x0  }
0xd5: {  	s17 =	sadd.s32 $0x2000, s16;
	[sflag:s11] =	ssyncadd.s32 $0xFFFFD800  }
0xd6: {  	[spmem:s3] =	stream.indirect.scatter.add.f32 [tilespmem:s8], [sflag:$0x3], $0x80, s17, s7, $0xb8;
	[tilespmem:$0x1E000] =	vst v63  }
0xd7: {  	_ =	swait.ge [sflag:s2], $0x2800  }
0xd8: {  	[sflag:s2] =	ssyncset.done $0x0  }
0xd9: {  	s17 =	sadd.s32 $0x100, s16;
	[sflag:s2] =	ssyncadd.s32 $0xFFFFD800  }
0xda: {  	[tilespmem:s8], [sflag:$0x1] =	stream.indirect.gather [hbm4b:s0+s7], $0x80, s17, s7, $0xb8;
	[tilespmem:$0x1E000] =	vst v63  }
0xdb: {  	_ =	swait.ge [sflag:s12], $0x2800  }
0xdc: {  	[sflag:s12] =	ssyncset.done $0x0  }
.Ltmp2:
0xdd: {  	s17 =	sadd.s32 $0x2080, s16;
	[sflag:s12] =	ssyncadd.s32 $0xFFFFD800;
	(pc) =	sbr.rel @p0 .LBB2_6-.Ltmp2, $4  }
0xde: {  	[spmem:s3] =	stream.indirect.scatter.add.f32 [tilespmem:s10], [sflag:$0x3], $0x80, s17, s7, $0xb8;
	[tilespmem:$0x1E000] =	vst v63  }
0xdf: {  	_ =	swait.ge [sflag:s2], $0x2800  }
0xe0: {  	[sflag:s2] =	ssyncset.done $0x0  }
0xe1: {  	s16 =	sadd.s32 $0x180, s16;
	[sflag:s2] =	ssyncadd.s32 $0xFFFFD800  }
0xe2: {  	[tilespmem:s10], [sflag:$0x2] =	stream.indirect.gather [hbm4b:s0+s7], $0x80, s16, s7, $0xb8;
	[tilespmem:$0x1E000] =	vst v63  }
0xe3: {  	_ =	swait.ge [sflag:s11], $0x2800  }
0xe4: {  	[sflag:s11] =	ssyncset.done $0x0  }
0xe5: {  	[sflag:s11] =	ssyncadd.s32 $0xFFFFD800  }
0xe6: {  	[spmem:s3] =	stream.indirect.scatter.add.f32 [tilespmem:s8], [sflag:$0x3], $0x80, s13, s7, $0xb8;
	[tilespmem:$0x1E000] =	vst v63  }
0xe7: {  	_ =	swait.ge [sflag:s2], $0x2800  }
0xe8: {  	[sflag:s2] =	ssyncset.done $0x0  }
0xe9: {  	[sflag:s2] =	ssyncadd.s32 $0xFFFFD800  }
0xea: {  	_ =	swait.ge [sflag:s12], $0x2800  }
0xeb: {  	[sflag:s12] =	ssyncset.done $0x0  }
0xec: {  	[sflag:s12] =	ssyncadd.s32 $0xFFFFD800  }
0xed: {  	[spmem:s3] =	stream.indirect.scatter.add.f32 [tilespmem:s10], [sflag:$0x3], $0x80, s14, s7, $0xb8;
	[tilespmem:$0x1E000] =	vst v63  }
0xee: {  	s15 =	stileid.u32;
	_ =	swait.ge [sflag:s2], $0x2800  }
0xef: {  	s17 =	sshrl.u32 s5, $0x3;
	s4 =	sadd.s32 $0x1, s4;
	[sflag:s2] =	ssyncset.done $0x0  }
0xf0: {  	s15 =	sshll.u32 s15, $0x6;
	p0 =	sne.s32 s4, s25;
	[sflag:s2] =	ssyncadd.s32 $0xFFFFD800  }
.Ltmp3:
0xf1: {  	s15 =	sor.u32 $0x1C03, s15;
	[bflag:$0x0] =	sbarrier.arrive $0xFFFF;
	(pc) =	sbr.rel @p0 .LBB2_1-.Ltmp3, $4  }
0xf2: {  	[hbm:s24], [sflag:s15] =	dma.local [spmem:s17], $0x2800  }
0xf3: {  	_ =	swait.ge [sflag:s2], $0x2800  }
0xf4: {  	[sflag:s2] =	ssyncset.done $0x0  }
0xf5: {  	[sflag:s2] =	ssyncadd.s32 $0xFFFFD800  }
0xf6: {  	_ =	sfence.sel $0x180000  }
0xf7: {  	[bflag:$0x0] =	sbarrier.arrive $0xFFFF  }
0xf8: {  	_ =	strace $0x90000047  }
0xf9: {  	s0 =	stileid.u32;
	[bflag:$0x2] =	sbarrier.arrive $0xFFFF  }
0xfa: {  	p0 =	sne.s32 s0, $0x0;
	s0 =	rddreg [dreg:$0x3]  }
0xfb: {  	s0 =	sadd.s32 @!p0 $0x100000, s0  }
0xfc: {  	[sflag:s0] =	ssyncadd.tile.s32 @!p0 $0x1;
	_ =	shalt  }
.Lfunc_end2:
_tile_overlayer_lowered:
.L_overlay_start_2:
0xfd: {  	(tag) =	ssettag $0x2  }
0xfe: {  	s0 =	rddreg [dreg:$0x0];
	s2 =	stileid.u32  }
0xff: {  	s1 =	rddreg [dreg:$0x1];
	p0 =	sne.s32 s2, $0x0  }
0x100: {  	s3 =	rddreg [dreg:$0x2];
	[bflag:$0x3] =	sbarrier.arrive $0xFFFF;
	s2 =	simm.s32 @!p0 $0x1C03  }
0x101: {  	[timem:s3], [sflag:s2] =	dma.local @!p0 [hbm:s0], s1  }
0x102: {  	s0 =	simm.s32 @!p0 $0x3  }
0x103: {  	_ =	swait.ge @!p0 [sflag:s0], s1  }
0x104: {  	s1 =	ssub.s32 @!p0 $0x0, s1;
	[sflag:s0] =	ssyncset.done @!p0 $0x0  }
0x105: {  	[sflag:s0] =	ssyncadd.s32 @!p0 s1  }
0x106: {  	[bflag:$0x3] =	sbarrier.arrive $0xFFFF  }
0x107: {  	_ =	shalt  }

// kernel: kernel.9.cloned.1.call-start
scs
__scs_entry_jumppad:
0x0: {  	(pc) =	sbr.rel $0x88, $3  }
0x1: {  	(tag) =	ssettag $0x0;
	lr =	simm.s32 $0x1  }
0x2: {  	[smem:$0x3F9B] =	sst lr;
	_ =	strace $0xD0000000  }
0x3: {  	_ = 	snop  }
0x4: {  	_ = 	snop  }
0x5: {  	_ = 	snop  }
0x6: {  	_ = 	snop  }
0x7: {  	_ = 	snop  }
__scs_overlays_trampoline_lowered:
0x8: {  	[smem:$0x3FAA] =	sst s0  }
0x9: {  	[smem:$0x3FAB] =	sst s1  }
0xa: {  	[smem:$0x3FAC] =	sst s2  }
0xb: {  	[smem:$0x3FAD] =	sst s3  }
0xc: {  	[smem:$0x3FAE] =	sst s4  }
0xd: {  	[smem:$0x3FAF] =	sst s5  }
0xe: {  	[smem:$0x3FB0] =	sst s6  }
0xf: {  	[smem:$0x3FB1] =	sst s7  }
0x10: {  	[smem:$0x3FB2] =	sst s8  }
0x11: {  	[smem:$0x3FB3] =	sst s9;
	s0 =	simm.s32 @!p0 $0x0  }
0x12: {  	s1 =	sld [smem:$0x3F99];
	s0 =	simm.s32 @p0 $0x1  }
0x13: {  	[smem:$0x3FB4] =	sst s0;
	s0 =	simm.s32 @!p1 $0x0  }
0x14: {  	s2 =	sld [smem:$0x3F98];
	s0 =	simm.s32 @p1 $0x1  }
0x15: {  	[smem:$0x3FB5] =	sst s0;
	s0 =	simm.s32 @!p2 $0x0  }
0x16: {  	s3 =	sld [smem:$0x3FDB];
	s0 =	simm.s32 @p2 $0x1  }
0x17: {  	s4 =	simm.s32 $0x1BF5;
	[smem:$0x3FB7] =	sst s0  }
0x18: {  	s0 =	sld [smem:$0x3F9A];
	_ =	swait.ge [sflag:s4], $0x0  }
0x19: {  	s7 =	sld [smem:$0x3F9B]  }
0x1a: {  	s8 =	sadd.s32 $0xFFFFE003, lr  }
0x1b: {  	s9 =	sadd.s32 $0xFFFFFEF7, lr;
	s5 =	simm.s32 $0xFFFFFFFF;
	p2 =	slt.u32 s8, $0xFFFFF086  }
0x1c: {  	p1 =	slt.u32 s9, $0xF7A;
	s5 =	simm.s32 @!p2 $0x0  }
0x1d: {  	s5 =	simm.s32 @p1 $0x1;
	p0 =	seq.s32 s7, s2  }
0x1e: {  	s7 =	smul.u32 @!p0 $0xF7A, s2;
	p2 =	seq.s32 @!p0 s5, $0x0  }
0x1f: {  	s9 =	smul.u32 $0xF7A, s1;
	s8 =	simm.s32 @!p0 $0x1BF5;
	p2 =	por !p2, p0  }
0x20: {  	[sflag:s8] =	ssyncset.s32 @!p0 $0xFFFFF086;
	s6 =	sadd.s32 @!p0 s3, s7;
	s7 =	simm.s32 @!p0 $0x108  }
0x21: {  	s3 =	sadd.s32 s3, s9;
	s6 =	sadd.s32 @!p0 $0x88, s6;
	s7 =	simm.s32 @p2 $0x1082  }
0x22: {  	[simem:s7], [sflag:s8] =	dma.local @!p0 [hbm:s6], $0xF7A  }
0x23: {  	s9 =	sor.u32 $0xD0000000, s2;
	s6 =	simm.s32 $0x108;
	_ =	swait.ge @!p0 [sflag:s8], $0x0  }
0x24: {  	s3 =	sadd.s32 $0x88, s3;
	s6 =	simm.s32 @!p1 $0x1082;
	[sflag:s4] =	ssyncset.s32 $0xFFFFF086  }
0x25: {  	[simem:s6], [sflag:s4] =	dma.local [hbm:s3], $0xF7A  }
0x26: {  	[smem:$0x3F9B] =	sst s1;
	(tag) =	ssettag s2;
	_ =	strace s9  }
0x27: {  	s1 =	sld [smem:$0x3FAB]  }
0x28: {  	s2 =	sld [smem:$0x3FAC]  }
0x29: {  	s4 =	sld [smem:$0x3FAE]  }
0x2a: {  	p0 =	seq.s32 s5, $0x0;
	s5 =	sld [smem:$0x3FAF]  }
0x2b: {  	s6 =	sld [smem:$0x3FB0]  }
0x2c: {  	s7 =	sld [smem:$0x3FB1]  }
0x2d: {  	s3 =	simm.s32 $0x108;
	s8 =	sld [smem:$0x3FB2]  }
0x2e: {  	s3 =	simm.s32 @!p0 $0x1082;
	s9 =	sld [smem:$0x3FB3]  }
0x2f: {  	lr =	sadd.s32 s0, s3;
	s0 =	sld [smem:$0x3FAA]  }
0x30: {  	s3 =	sld [smem:$0x3FAD]  }
0x31: {  	[smem:$0x3FB6] =	sst s10  }
0x32: {  	s10 =	sld [smem:$0x3FB4];
	_ =	sdelay $0x3  }
0x33: {  	p0 =	seq.s32 s10, $0x1;
	s10 =	sld [smem:$0x3FB6];
	_ =	sdelay $0x3  }
0x34: {  	[smem:$0x3FB6] =	sst s10  }
0x35: {  	s10 =	sld [smem:$0x3FB5];
	_ =	sdelay $0x3  }
0x36: {  	p1 =	seq.s32 s10, $0x1;
	s10 =	sld [smem:$0x3FB6];
	_ =	sdelay $0x3  }
0x37: {  	[smem:$0x3FB6] =	sst s10  }
0x38: {  	s10 =	sld [smem:$0x3FB7]  }
0x39: {  	_ = 	snop;
	(pc) =	sbr.ind lr, $3  }
0x3a: {  	_ = 	snop  }
0x3b: {  	_ = 	snop  }
0x3c: {  	p2 =	seq.s32 s10, $0x1;
	s10 =	sld [smem:$0x3FB6]  }
0x3d: {  	_ =	shalt  }
0x3e: {  	_ =	shalt  }
0x3f: {  	_ =	shalt  }
0x40: {  	_ =	shalt  }
0x41: {  	_ =	shalt  }
0x42: {  	_ =	shalt  }
0x43: {  	_ =	shalt  }
0x44: {  	_ =	shalt  }
0x45: {  	_ =	shalt  }
0x46: {  	_ =	shalt  }
0x47: {  	_ =	shalt  }
0x48: {  	_ =	shalt  }
0x49: {  	_ =	shalt  }
0x4a: {  	_ =	shalt  }
0x4b: {  	_ =	shalt  }
0x4c: {  	_ =	shalt  }
0x4d: {  	_ =	shalt  }
0x4e: {  	_ =	shalt  }
0x4f: {  	_ =	shalt  }
0x50: {  	_ =	shalt  }
0x51: {  	_ =	shalt  }
0x52: {  	_ =	shalt  }
0x53: {  	_ =	shalt  }
0x54: {  	_ =	shalt  }
0x55: {  	_ =	shalt  }
0x56: {  	_ =	shalt  }
0x57: {  	_ =	shalt  }
0x58: {  	_ =	shalt  }
0x59: {  	_ =	shalt  }
0x5a: {  	_ =	shalt  }
0x5b: {  	_ =	shalt  }
0x5c: {  	_ =	shalt  }
0x5d: {  	_ =	shalt  }
0x5e: {  	_ =	shalt  }
0x5f: {  	_ =	shalt  }
0x60: {  	_ =	shalt  }
0x61: {  	_ =	shalt  }
0x62: {  	_ =	shalt  }
0x63: {  	_ =	shalt  }
0x64: {  	_ =	shalt  }
0x65: {  	_ =	shalt  }
0x66: {  	_ =	shalt  }
0x67: {  	_ =	shalt  }
0x68: {  	_ =	shalt  }
0x69: {  	_ =	shalt  }
0x6a: {  	_ =	shalt  }
0x6b: {  	_ =	shalt  }
0x6c: {  	_ =	shalt  }
0x6d: {  	_ =	shalt  }
0x6e: {  	_ =	shalt  }
0x6f: {  	_ =	shalt  }
0x70: {  	_ =	shalt  }
0x71: {  	_ =	shalt  }
0x72: {  	_ =	shalt  }
0x73: {  	_ =	shalt  }
0x74: {  	_ =	shalt  }
0x75: {  	_ =	shalt  }
0x76: {  	_ =	shalt  }
0x77: {  	_ =	shalt  }
0x78: {  	_ =	shalt  }
0x79: {  	_ =	shalt  }
0x7a: {  	_ =	shalt  }
0x7b: {  	_ =	shalt  }
0x7c: {  	_ =	shalt  }
0x7d: {  	_ =	shalt  }
0x7e: {  	_ =	shalt  }
0x7f: {  	_ =	shalt  }
0x80: {  	_ =	shalt  }
0x81: {  	_ =	shalt  }
0x82: {  	_ =	shalt  }
0x83: {  	_ =	shalt  }
0x84: {  	_ =	shalt  }
0x85: {  	_ =	shalt  }
0x86: {  	_ =	shalt  }
0x87: {  	_ =	shalt  }
.Lfunc_end0:
.L_simem_size_0:
called_computation.1_lowered:
.L_overlay_start_0:
0x88: {  	s2 =	sld [smem:$0x3FD9]  }
0x89: {  	s3 =	sld [smem:$0x3FFE];
	_ =	sdelay $0x1  }
0x8a: {  	s1 =	srdreg.scid  }
0x8b: {  	s0 =	sand.u32 $0x1, s1  }
0x8c: {  	s17 =	sshll.u32 s0, $0xA;
	s2 =	sadd.s32 s3, s2  }
0x8d: {  	s2 =	sadd.s32 s2, s17  }
0x8e: {  	[smem:$0x3FC2] =	sst s2  }
0x8f: {  	_ = 	snop  }
0x90: {  	s2 =	sld [smem:$0x3FD0];
	(tm) =	ssettm $0x1  }
0x91: {  	s18 =	sld [smem:$0x3FFB];
	_ =	sdelay $0x3  }
0x92: {  	_ =	strace s18  }
0x93: {  	s3 =	sld [smem:$0x3FFC];
	_ =	sdelay $0x3  }
0x94: {  	_ =	strace s3  }
0x95: {  	s3 =	sld [smem:$0x3FFD];
	_ =	sdelay $0x3  }
0x96: {  	_ =	strace s3  }
0x97: {  	_ =	strace $0x8FFFFFFF  }
0x98: {  	s19 =	sld [smem:$0x3FDB];
	_ =	sdelay $0x1  }
0x99: {  	s4 =	simm.s32 $_scs_section_size  }
0x9a: {  	s5 =	simm.s32 $_size__tile_overlayer_lowered;
	s6 =	simm.s32 $_tile_overlayer_lowered  }
0x9b: {  	s22 =	simm.s32 $0x1BFF;
	s21 =	sshll.u32 s6, $0x1;
	s3 =	sadd.s32 s4, s19  }
0x9c: {  	s7 =	simm.s32 $0x0;
	s20 =	sshll.u32 s5, $0x1;
	s5 =	sadd.s32 s21, s3  }
0x9d: {  	[timem:s7], [sflag:s22] =	dma.local [hbm:s5], s20  }
0x9e: {  	_ =	swait.ge [sflag:s22], s20  }
0x9f: {  	s4 =	ssub.s32 $0x0, s20;
	[sflag:s22] =	ssyncset.done $0x0  }
0xa0: {  	[sflag:s22] =	ssyncadd.s32 s4;
	_ =	sdelay $0x1  }
0xa1: {  	s23 =	simm.s32 $0x1B8B  }
0xa2: {  	_ =	swait.ge [sflag:s23], $0x1  }
0xa3: {  	[sflag:s23] =	ssyncset.done $0x0  }
0xa4: {  	s25 =	simm.s32 $0x1B8E;
	s24 =	sld [smem:$0x3FFE];
	[sflag:s23] =	ssyncadd.s32 $0xFFFFFFFF  }
0xa5: {  	s26 =	simm.s32 $execute0_lowered;
	[smem:$0x3FD2] =	sst s25  }
0xa6: {  	s5 =	sshll.u32 s26, $0x1;
	_ =	strace $0x80000049;
	[dreg:$0x1] =	wrdreg $0xFFFFFFFF  }
0xa7: {  	s28 =	simm.s32 $_size_execute0_lowered;
	s3 =	sadd.s32 s3, s5;
	[dreg:$0x0] =	wrdreg $0x0  }
0xa8: {  	s5 =	sshll.u32 s28, $0x1;
	[dreg:$0x2] =	wrdreg s3  }
0xa9: {  	[dreg:$0x3] =	wrdreg s5  }
0xaa: {  	[dreg:$0x4] =	wrdreg $0xC0  }
0xab: {  	_ =	task [dreg:s7], $0x5FFFF  }
0xac: {  	[dreg:$0x1] =	wrdreg $0xFFFFFFFF  }
0xad: {  	[dreg:$0x0] =	wrdreg $0x60  }
0xae: {  	[dreg:$0x2] =	wrdreg s2  }
0xaf: {  	[dreg:$0x3] =	wrdreg s24  }
0xb0: {  	[dreg:$0x4] =	wrdreg $0xA0000  }
0xb1: {  	[dreg:$0x5] =	wrdreg $0x9  }
0xb2: {  	_ =	task.clear_ibuf [dreg:s7], $0x6FFFF;
	_ =	strace $0x90000049  }
0xb3: {  	s29 =	simm.s32 $0x9;
	_ =	strace $0x8000004B  }
0xb4: {  	_ =	swait.ge [sflag:s29], $0x1  }
0xb5: {  	[sflag:s29] =	ssyncadd.s32 $0xFFFFFFFF  }
0xb6: {  	_ =	strace $0x9000004B  }
0xb7: {  	_ =	sfence  }
0xb8: {  	s30 =	sld [smem:$0x0];
	_ =	sdelay $0x2  }
0xb9: {  	s31 =	sshll.u32 s1, $0xD;
	s1 =	sshrl.u32 s1, $0x2  }
0xba: {  	s3 =	sand.u32 $0x4000, s31;
	s1 =	sadd.s32 s1, s30  }
0xbb: {  	s0 =	sor.u32 s3, s0;
	s1 =	sshll.u32 s1, $0x11  }
0xbc: {  	s0 =	sor.u32 s1, s0  }
0xbd: {  	s0 =	sadd.s32 $0x8F2B, s0  }
0xbe: {  	[sflag:s0] =	ssyncadd.remote.s32 $0x1  }
0xbf: {  	_ =	sfence.sel $0xFFFF  }
0xc0: {  	[dreg:$0x0] =	wrdreg $0xFFFFFFFF;
	(pc) =	sbr.abs _section_cstart, $3  }
0xc1: {  	[dreg:$0x1] =	wrdreg $0xFFFFFFFF  }
0xc2: {  	_ =	task.clear_ibuf [dreg:s7], $0x2FFFF;
	_ =	strace $0x9FFFFFFF  }
0xc3: {  	(tm) =	ssettm $0x7FFFFFFF  }
tec
execute0_lowered:
.L_overlay_start_1:
0x0: {  	(tag) =	ssettag $0x1  }
0x1: {  	s0 =	rddreg [dreg:$0x0]  }
0x2: {  	s1 =	rddreg [dreg:$0x1];
	s2 =	srdreg.scid  }
0x3: {  	s3 =	rddreg [dreg:$0x2];
	s12 =	stileid.u32  }
0x4: {  	s4 =	simm.s32 $0x0;
	s13 =	simm.s32 $0x3F00;
	s6 =	smul.u32 $0x14000, s12  }
0x5: {  	s2 =	sand.u32 $0x1, s2;
	[smem:$0x7FF] =	sst s4;
	s7 =	smul.u32 $0x50000, s12  }
0x6: {  	s8 =	sadd.s32 $0x1A00, s1;
	s9 =	sadd.s32 $0x11A00, s1;
	s5 =	smul.u32 $0x140000, s2  }
0x7: {  	s25 =	sshll.u32 s12, $0xB;
	s12 =	simm.s32 $0x2;
	_ =	strace $0x8000004A  }
0x8: {  	s14 =	ssub.s32 $0x2, s2;
	s7 =	sshrl.u32 s7, $0x2;
	s5 =	sadd.s32 s6, s5  }
0x9: {  	s2 =	sshll.u32 s2, $0xF;
	s10 =	sshrl.u32 s5, $0x3;
	s5 =	sadd.s32 s7, s3  }
0xa: {  	s11 =	sshrl.u32 s14, $0x1;
	s2 =	sor.u32 s25, s2;
	s7 =	sadd.s32 $0x1000, s5  }
0xb: {  	s6 =	ssub.s32 s14, s11;
	s15 =	sadd.s32 $0x2000, s5;
	[dreg:$0x4] =	wrdreg s7  }
0xc: {  	s11 =	simm.s32 $0x1;
	s16 =	sadd.s32 $0x3000, s5;
	[dreg:$0x5] =	wrdreg s15  }
0xd: {  	s14 =	simm.s32 $0x3F80;
	s17 =	sadd.s32 $0x4000, s5;
	[dreg:$0x6] =	wrdreg s16  }
0xe: {  	s25 =	smax.u32 s6, $0x1;
	s18 =	sadd.s32 $0x5000, s5;
	[dreg:$0x7] =	wrdreg s17  }
0xf: {  	s6 =	simm.s32 $0x2000;
	s19 =	sadd.s32 $0x6000, s5;
	[dreg:$0x8] =	wrdreg s18  }
0x10: {  	s1 =	sadd.s32 s10, s1;
	s20 =	sadd.s32 $0x7000, s5;
	[dreg:$0x9] =	wrdreg s19  }
0x11: {  	s21 =	sadd.s32 $0x8000, s5;
	s22 =	sadd.s32 $0x9000, s5;
	[dreg:$0xa] =	wrdreg s20  }
0x12: {  	s23 =	sadd.s32 $0xA000, s5;
	s24 =	sadd.s32 $0xB000, s5;
	[dreg:$0xb] =	wrdreg s21  }
0x13: {  	s26 =	sadd.s32 $0xC000, s5;
	s28 =	sadd.s32 $0x10000, s5;
	[dreg:$0xc] =	wrdreg s22  }
0x14: {  	s29 =	sadd.s32 $0x11000, s5;
	s30 =	sadd.s32 $0x12000, s5;
	[dreg:$0xd] =	wrdreg s23  }
0x15: {  	s31 =	sadd.s32 $0x13000, s5;
	s10 =	simm.s32 $0x6800;
	[dreg:$0xe] =	wrdreg s24  }
0x16: {  	[dreg:$0xf] =	wrdreg s26;
	s18 =	sadd.s32 $0xD000, s5;
	s19 =	sadd.s32 s8, s2  }
0x17: {  	s20 =	sadd.s32 s9, s2;
	s2 =	sor.u32 $0x400, s2;
	s23 =	sadd.s32 $0xE000, s5  }
0x18: {  	s24 =	sadd.s32 $0x21A00, s1;
	s26 =	sadd.s32 $0xF000, s5;
	s1 =	simm.s32 $0x9000  }
0x19: {  	s7 =	simm.s32 $0x50;
	s21 =	sadd.s32 s8, s2;
	s22 =	sadd.s32 s9, s2  }
0x1a: {  	v0 =	vimm.f32 $0.0e+00;
	s2 =	simm.s32 $0x3;
	s8 =	simm.s32 $0x4000;
	s9 =	simm.s32 $0x80  }
.LBB2_1:
0x1b: {  	s15 =	simm.s32 $0x0;
	s16 =	simm.s32 $0x200  }
.LBB2_2:
0x1c: {  	p0 =	sne.s32 s16, $0x3E00;
	[tilespmem:s15+$0x9070] =	vst v0  }
0x1d: {  	[tilespmem:s15+$0x9000] =	vst v0  }
0x1e: {  	[tilespmem:s15+$0x9010] =	vst v0  }
.Ltmp0:
0x1f: {  	[tilespmem:s15+$0x9020] =	vst v0;
	(pc) =	sbr.rel @p0 .LBB2_2-.Ltmp0, $4  }
0x20: {  	[tilespmem:s15+$0x9030] =	vst v0  }
0x21: {  	[tilespmem:s15+$0x9040] =	vst v0  }
0x22: {  	[tilespmem:s15+$0x9050] =	vst v0  }
0x23: {  	[tilespmem:s15+$0x9060] =	vst v0;
	s15 =	sshra.s32 s16, $0x2;
	s16 =	sadd.s32 $0x200, s16  }
0x24: {  	[tilespmem:s15+$0x9070] =	vst v0  }
0x25: {  	[tilespmem:s15+$0x9000] =	vst v0  }
0x26: {  	[tilespmem:s15+$0x9010] =	vst v0  }
0x27: {  	[tilespmem:s15+$0x9020] =	vst v0  }
0x28: {  	[tilespmem:s15+$0x9030] =	vst v0  }
0x29: {  	[tilespmem:s15+$0x9040] =	vst v0  }
0x2a: {  	[tilespmem:s15+$0x9050] =	vst v0  }
0x2b: {  	[tilespmem:s15+$0x9060] =	vst v0  }
0x2c: {  	[spmem:s5] =	stream.linear.scatter [tilespmem:s1], [sflag:$0x3], $0x1000, $0x38;
	[tilespmem:$0x1E000] =	vst v63  }
0x2d: {  	_ =	swait.ge [sflag:s2], $0x1000  }
0x2e: {  	[sflag:s2] =	ssyncset.done $0x0  }
0x2f: {  	s16 =	rddreg [dreg:$0x4];
	[sflag:s2] =	ssyncadd.s32 $0xFFFFF000  }
0x30: {  	[spmem:s16] =	stream.linear.scatter [tilespmem:s1], [sflag:$0x3], $0x1000, $0x38;
	[tilespmem:$0x1E000] =	vst v63  }
0x31: {  	_ =	swait.ge [sflag:s2], $0x1000  }
0x32: {  	[sflag:s2] =	ssyncset.done $0x0  }
0x33: {  	s17 =	rddreg [dreg:$0x5];
	[sflag:s2] =	ssyncadd.s32 $0xFFFFF000  }
0x34: {  	[spmem:s17] =	stream.linear.scatter [tilespmem:s1], [sflag:$0x3], $0x1000, $0x38;
	[tilespmem:$0x1E000] =	vst v63  }
0x35: {  	_ =	swait.ge [sflag:s2], $0x1000  }
0x36: {  	[sflag:s2] =	ssyncset.done $0x0  }
0x37: {  	s16 =	rddreg [dreg:$0x6];
	[sflag:s2] =	ssyncadd.s32 $0xFFFFF000  }
0x38: {  	[spmem:s16] =	stream.linear.scatter [tilespmem:s1], [sflag:$0x3], $0x1000, $0x38;
	[tilespmem:$0x1E000] =	vst v63  }
0x39: {  	_ =	swait.ge [sflag:s2], $0x1000  }
0x3a: {  	[sflag:s2] =	ssyncset.done $0x0  }
0x3b: {  	s17 =	rddreg [dreg:$0x7];
	[sflag:s2] =	ssyncadd.s32 $0xFFFFF000  }
0x3c: {  	[spmem:s17] =	stream.linear.scatter [tilespmem:s1], [sflag:$0x3], $0x1000, $0x38;
	[tilespmem:$0x1E000] =	vst v63  }
0x3d: {  	_ =	swait.ge [sflag:s2], $0x1000  }
0x3e: {  	[sflag:s2] =	ssyncset.done $0x0  }
0x3f: {  	s16 =	rddreg [dreg:$0x8];
	[sflag:s2] =	ssyncadd.s32 $0xFFFFF000  }
0x40: {  	[spmem:s16] =	stream.linear.scatter [tilespmem:s1], [sflag:$0x3], $0x1000, $0x38;
	[tilespmem:$0x1E000] =	vst v63  }
0x41: {  	_ =	swait.ge [sflag:s2], $0x1000  }
0x42: {  	[sflag:s2] =	ssyncset.done $0x0  }
0x43: {  	s17 =	rddreg [dreg:$0x9];
	[sflag:s2] =	ssyncadd.s32 $0xFFFFF000  }
0x44: {  	[spmem:s17] =	stream.linear.scatter [tilespmem:s1], [sflag:$0x3], $0x1000, $0x38;
	[tilespmem:$0x1E000] =	vst v63  }
0x45: {  	_ =	swait.ge [sflag:s2], $0x1000  }
0x46: {  	[sflag:s2] =	ssyncset.done $0x0  }
0x47: {  	s16 =	rddreg [dreg:$0xa];
	[sflag:s2] =	ssyncadd.s32 $0xFFFFF000  }
0x48: {  	[spmem:s16] =	stream.linear.scatter [tilespmem:s1], [sflag:$0x3], $0x1000, $0x38;
	[tilespmem:$0x1E000] =	vst v63  }
0x49: {  	_ =	swait.ge [sflag:s2], $0x1000  }
0x4a: {  	[sflag:s2] =	ssyncset.done $0x0  }
0x4b: {  	s17 =	rddreg [dreg:$0xb];
	[sflag:s2] =	ssyncadd.s32 $0xFFFFF000  }
0x4c: {  	[spmem:s17] =	stream.linear.scatter [tilespmem:s1], [sflag:$0x3], $0x1000, $0x38;
	[tilespmem:$0x1E000] =	vst v63  }
0x4d: {  	_ =	swait.ge [sflag:s2], $0x1000  }
0x4e: {  	[sflag:s2] =	ssyncset.done $0x0  }
0x4f: {  	s16 =	rddreg [dreg:$0xc];
	[sflag:s2] =	ssyncadd.s32 $0xFFFFF000  }
0x50: {  	[spmem:s16] =	stream.linear.scatter [tilespmem:s1], [sflag:$0x3], $0x1000, $0x38;
	[tilespmem:$0x1E000] =	vst v63  }
0x51: {  	_ =	swait.ge [sflag:s2], $0x1000  }
0x52: {  	[sflag:s2] =	ssyncset.done $0x0  }
0x53: {  	s17 =	rddreg [dreg:$0xd];
	[sflag:s2] =	ssyncadd.s32 $0xFFFFF000  }
0x54: {  	[spmem:s17] =	stream.linear.scatter [tilespmem:s1], [sflag:$0x3], $0x1000, $0x38;
	[tilespmem:$0x1E000] =	vst v63  }
0x55: {  	_ =	swait.ge [sflag:s2], $0x1000  }
0x56: {  	[sflag:s2] =	ssyncset.done $0x0  }
0x57: {  	s16 =	rddreg [dreg:$0xe];
	[sflag:s2] =	ssyncadd.s32 $0xFFFFF000  }
0x58: {  	[spmem:s16] =	stream.linear.scatter [tilespmem:s1], [sflag:$0x3], $0x1000, $0x38;
	[tilespmem:$0x1E000] =	vst v63  }
0x59: {  	_ =	swait.ge [sflag:s2], $0x1000  }
0x5a: {  	[sflag:s2] =	ssyncset.done $0x0  }
0x5b: {  	s17 =	rddreg [dreg:$0xf];
	[sflag:s2] =	ssyncadd.s32 $0xFFFFF000  }
0x5c: {  	[spmem:s17] =	stream.linear.scatter [tilespmem:s1], [sflag:$0x3], $0x1000, $0x38;
	[tilespmem:$0x1E000] =	vst v63  }
0x5d: {  	_ =	swait.ge [sflag:s2], $0x1000  }
0x5e: {  	[sflag:s2] =	ssyncset.done $0x0  }
0x5f: {  	[sflag:s2] =	ssyncadd.s32 $0xFFFFF000  }
0x60: {  	[spmem:s18] =	stream.linear.scatter [tilespmem:s1], [sflag:$0x3], $0x1000, $0x38;
	[tilespmem:$0x1E000] =	vst v63  }
0x61: {  	_ =	swait.ge [sflag:s2], $0x1000  }
0x62: {  	[sflag:s2] =	ssyncset.done $0x0  }
0x63: {  	[sflag:s2] =	ssyncadd.s32 $0xFFFFF000  }
0x64: {  	[spmem:s23] =	stream.linear.scatter [tilespmem:s1], [sflag:$0x3], $0x1000, $0x38;
	[tilespmem:$0x1E000] =	vst v63  }
0x65: {  	_ =	swait.ge [sflag:s2], $0x1000  }
0x66: {  	[sflag:s2] =	ssyncset.done $0x0  }
0x67: {  	[sflag:s2] =	ssyncadd.s32 $0xFFFFF000  }
0x68: {  	[spmem:s26] =	stream.linear.scatter [tilespmem:s1], [sflag:$0x3], $0x1000, $0x38;
	[tilespmem:$0x1E000] =	vst v63  }
0x69: {  	_ =	swait.ge [sflag:s2], $0x1000  }
0x6a: {  	[sflag:s2] =	ssyncset.done $0x0  }
0x6b: {  	[sflag:s2] =	ssyncadd.s32 $0xFFFFF000  }
0x6c: {  	[spmem:s28] =	stream.linear.scatter [tilespmem:s1], [sflag:$0x3], $0x1000, $0x38;
	[tilespmem:$0x1E000] =	vst v63  }
0x6d: {  	_ =	swait.ge [sflag:s2], $0x1000  }
0x6e: {  	[sflag:s2] =	ssyncset.done $0x0  }
0x6f: {  	[sflag:s2] =	ssyncadd.s32 $0xFFFFF000  }
0x70: {  	[spmem:s29] =	stream.linear.scatter [tilespmem:s1], [sflag:$0x3], $0x1000, $0x38;
	[tilespmem:$0x1E000] =	vst v63  }
0x71: {  	_ =	swait.ge [sflag:s2], $0x1000  }
0x72: {  	[sflag:s2] =	ssyncset.done $0x0  }
0x73: {  	[sflag:s2] =	ssyncadd.s32 $0xFFFFF000  }
0x74: {  	[spmem:s30] =	stream.linear.scatter [tilespmem:s1], [sflag:$0x3], $0x1000, $0x38;
	[tilespmem:$0x1E000] =	vst v63  }
0x75: {  	_ =	swait.ge [sflag:s2], $0x1000  }
0x76: {  	[sflag:s2] =	ssyncset.done $0x0  }
0x77: {  	[sflag:s2] =	ssyncadd.s32 $0xFFFFF000  }
0x78: {  	[spmem:s31] =	stream.linear.scatter [tilespmem:s1], [sflag:$0x3], $0x1000, $0x38;
	[tilespmem:$0x1E000] =	vst v63  }
0x79: {  	_ =	swait.ge [sflag:s2], $0x1000  }
0x7a: {  	[sflag:s2] =	ssyncset.done $0x0  }
0x7b: {  	[sflag:s2] =	ssyncadd.s32 $0xFFFFF000  }
0x7c: {  	s16 =	simm.s32 $0x0;
	[bflag:$0x0] =	sbarrier.arrive $0xFFFF  }
0x7d: {  	[tilespmem:s16], [sflag:$0x3] =	stream.linear.gather [hbm4b:s19+s16], $0x2000, $0x38;
	[tilespmem:$0x1E000] =	vst v63  }
0x7e: {  	_ =	swait.ge [sflag:s2], $0x2000  }
0x7f: {  	[sflag:s2] =	ssyncset.done $0x0  }
0x80: {  	[sflag:s2] =	ssyncadd.s32 $0xFFFFE000  }
0x81: {  	[tilespmem:s6], [sflag:$0x3] =	stream.linear.gather [hbm4b:s20+s16], $0x2000, $0x38;
	[tilespmem:$0x1E000] =	vst v63  }
0x82: {  	_ =	swait.ge [sflag:s2], $0x2000  }
0x83: {  	[sflag:s2] =	ssyncset.done $0x0  }
0x84: {  	[sflag:s2] =	ssyncadd.s32 $0xFFFFE000  }
0x85: {  	[tilespmem:s8], [sflag:$0x1] =	stream.indirect.gather [hbm4b:s0+s7], $0x80, s16, s7, $0xb8;
	[tilespmem:$0x1E000] =	vst v63  }
0x86: {  	_ = 	snop  }
0x87: {  	[tilespmem:s10], [sflag:$0x2] =	stream.indirect.gather [hbm4b:s0+s7], $0x80, s9, s7, $0xb8;
	[tilespmem:$0x1E000] =	vst v63  }
0x88: {  	_ =	swait.ge [sflag:s11], $0x2800  }
0x89: {  	[sflag:s11] =	ssyncset.done $0x0  }
0x8a: {  	s17 =	simm.s32 $0x2000;
	[sflag:s11] =	ssyncadd.s32 $0xFFFFD800  }
0x8b: {  	[spmem:s3] =	stream.indirect.scatter.add.f32 [tilespmem:s8], [sflag:$0x3], $0x80, s17, s7, $0xb8;
	[tilespmem:$0x1E000] =	vst v63  }
0x8c: {  	_ =	swait.ge [sflag:s2], $0x2800  }
0x8d: {  	[sflag:s2] =	ssyncset.done $0x0  }
0x8e: {  	s16 =	simm.s32 $0x100;
	[sflag:s2] =	ssyncadd.s32 $0xFFFFD800  }
0x8f: {  	[tilespmem:s8], [sflag:$0x1] =	stream.indirect.gather [hbm4b:s0+s7], $0x80, s16, s7, $0xb8;
	[tilespmem:$0x1E000] =	vst v63  }
0x90: {  	_ =	swait.ge [sflag:s12], $0x2800  }
0x91: {  	[sflag:s12] =	ssyncset.done $0x0  }
0x92: {  	s17 =	simm.s32 $0x2080;
	[sflag:s12] =	ssyncadd.s32 $0xFFFFD800  }
0x93: {  	[spmem:s3] =	stream.indirect.scatter.add.f32 [tilespmem:s10], [sflag:$0x3], $0x80, s17, s7, $0xb8;
	[tilespmem:$0x1E000] =	vst v63  }
0x94: {  	_ =	swait.ge [sflag:s2], $0x2800  }
0x95: {  	[sflag:s2] =	ssyncset.done $0x0  }
0x96: {  	s15 =	simm.s32 $0x400;
	s16 =	simm.s32 $0x180;
	[sflag:s2] =	ssyncadd.s32 $0xFFFFD800  }
.LBB2_4:
0x97: {  	[tilespmem:s10], [sflag:$0x2] =	stream.indirect.gather [hbm4b:s0+s7], $0x80, s16, s7, $0xb8;
	[tilespmem:$0x1E000] =	vst v63  }
0x98: {  	s16 =	smov.u32 s15  }
0x99: {  	p0 =	sne.s32 s15, $0x7800;
	s15 =	sadd.s32 $0x400, s15;
	_ =	swait.ge [sflag:s11], $0x2800  }
0x9a: {  	s16 =	sshra.s32 s16, $0x2;
	[sflag:s11] =	ssyncset.done $0x0  }
0x9b: {  	s17 =	sadd.s32 $0x2000, s16;
	[sflag:s11] =	ssyncadd.s32 $0xFFFFD800  }
0x9c: {  	[spmem:s3] =	stream.indirect.scatter.add.f32 [tilespmem:s8], [sflag:$0x3], $0x80, s17, s7, $0xb8;
	[tilespmem:$0x1E000] =	vst v63  }
0x9d: {  	_ =	swait.ge [sflag:s2], $0x2800  }
0x9e: {  	[sflag:s2] =	ssyncset.done $0x0  }
0x9f: {  	s17 =	sadd.s32 $0x100, s16;
	[sflag:s2] =	ssyncadd.s32 $0xFFFFD800  }
0xa0: {  	[tilespmem:s8], [sflag:$0x1] =	stream.indirect.gather [hbm4b:s0+s7], $0x80, s17, s7, $0xb8;
	[tilespmem:$0x1E000] =	vst v63  }
0xa1: {  	_ =	swait.ge [sflag:s12], $0x2800  }
0xa2: {  	[sflag:s12] =	ssyncset.done $0x0  }
.Ltmp1:
0xa3: {  	s17 =	sadd.s32 $0x2080, s16;
	[sflag:s12] =	ssyncadd.s32 $0xFFFFD800;
	(pc) =	sbr.rel @p0 .LBB2_4-.Ltmp1, $4  }
0xa4: {  	[spmem:s3] =	stream.indirect.scatter.add.f32 [tilespmem:s10], [sflag:$0x3], $0x80, s17, s7, $0xb8;
	[tilespmem:$0x1E000] =	vst v63  }
0xa5: {  	_ =	swait.ge [sflag:s2], $0x2800  }
0xa6: {  	[sflag:s2] =	ssyncset.done $0x0  }
0xa7: {  	s16 =	sadd.s32 $0x180, s16;
	[sflag:s2] =	ssyncadd.s32 $0xFFFFD800  }
0xa8: {  	[tilespmem:s10], [sflag:$0x2] =	stream.indirect.gather [hbm4b:s0+s7], $0x80, s16, s7, $0xb8;
	[tilespmem:$0x1E000] =	vst v63  }
0xa9: {  	_ =	swait.ge [sflag:s11], $0x2800  }
0xaa: {  	[sflag:s11] =	ssyncset.done $0x0  }
0xab: {  	[sflag:s11] =	ssyncadd.s32 $0xFFFFD800  }
0xac: {  	[spmem:s3] =	stream.indirect.scatter.add.f32 [tilespmem:s8], [sflag:$0x3], $0x80, s13, s7, $0xb8;
	[tilespmem:$0x1E000] =	vst v63  }
0xad: {  	_ =	swait.ge [sflag:s2], $0x2800  }
0xae: {  	[sflag:s2] =	ssyncset.done $0x0  }
0xaf: {  	[sflag:s2] =	ssyncadd.s32 $0xFFFFD800  }
0xb0: {  	_ =	swait.ge [sflag:s12], $0x2800  }
0xb1: {  	[sflag:s12] =	ssyncset.done $0x0  }
0xb2: {  	[sflag:s12] =	ssyncadd.s32 $0xFFFFD800  }
0xb3: {  	[spmem:s3] =	stream.indirect.scatter.add.f32 [tilespmem:s10], [sflag:$0x3], $0x80, s14, s7, $0xb8;
	[tilespmem:$0x1E000] =	vst v63  }
0xb4: {  	_ =	swait.ge [sflag:s2], $0x2800  }
0xb5: {  	[sflag:s2] =	ssyncset.done $0x0  }
0xb6: {  	s15 =	simm.s32 $0x0;
	[sflag:s2] =	ssyncadd.s32 $0xFFFFD800  }
0xb7: {  	[tilespmem:s15], [sflag:$0x3] =	stream.linear.gather [hbm4b:s21+s15], $0x2000, $0x38;
	[tilespmem:$0x1E000] =	vst v63  }
0xb8: {  	_ =	swait.ge [sflag:s2], $0x2000  }
0xb9: {  	[sflag:s2] =	ssyncset.done $0x0  }
0xba: {  	[sflag:s2] =	ssyncadd.s32 $0xFFFFE000  }
0xbb: {  	[tilespmem:s6], [sflag:$0x3] =	stream.linear.gather [hbm4b:s22+s15], $0x2000, $0x38;
	[tilespmem:$0x1E000] =	vst v63  }
0xbc: {  	_ =	swait.ge [sflag:s2], $0x2000  }
0xbd: {  	[sflag:s2] =	ssyncset.done $0x0  }
0xbe: {  	[sflag:s2] =	ssyncadd.s32 $0xFFFFE000  }
0xbf: {  	[tilespmem:s8], [sflag:$0x1] =	stream.indirect.gather [hbm4b:s0+s7], $0x80, s15, s7, $0xb8;
	[tilespmem:$0x1E000] =	vst v63  }
0xc0: {  	_ = 	snop  }
0xc1: {  	[tilespmem:s10], [sflag:$0x2] =	stream.indirect.gather [hbm4b:s0+s7], $0x80, s9, s7, $0xb8;
	[tilespmem:$0x1E000] =	vst v63  }
0xc2: {  	_ =	swait.ge [sflag:s11], $0x2800  }
0xc3: {  	[sflag:s11] =	ssyncset.done $0x0  }
0xc4: {  	s17 =	simm.s32 $0x2000;
	[sflag:s11] =	ssyncadd.s32 $0xFFFFD800  }
0xc5: {  	[spmem:s3] =	stream.indirect.scatter.add.f32 [tilespmem:s8], [sflag:$0x3], $0x80, s17, s7, $0xb8;
	[tilespmem:$0x1E000] =	vst v63  }
0xc6: {  	_ =	swait.ge [sflag:s2], $0x2800  }
0xc7: {  	[sflag:s2] =	ssyncset.done $0x0  }
0xc8: {  	s16 =	simm.s32 $0x100;
	[sflag:s2] =	ssyncadd.s32 $0xFFFFD800  }
0xc9: {  	[tilespmem:s8], [sflag:$0x1] =	stream.indirect.gather [hbm4b:s0+s7], $0x80, s16, s7, $0xb8;
	[tilespmem:$0x1E000] =	vst v63  }
0xca: {  	_ =	swait.ge [sflag:s12], $0x2800  }
0xcb: {  	[sflag:s12] =	ssyncset.done $0x0  }
0xcc: {  	s17 =	simm.s32 $0x2080;
	[sflag:s12] =	ssyncadd.s32 $0xFFFFD800  }
0xcd: {  	[spmem:s3] =	stream.indirect.scatter.add.f32 [tilespmem:s10], [sflag:$0x3], $0x80, s17, s7, $0xb8;
	[tilespmem:$0x1E000] =	vst v63  }
0xce: {  	_ =	swait.ge [sflag:s2], $0x2800  }
0xcf: {  	[sflag:s2] =	ssyncset.done $0x0  }
0xd0: {  	s15 =	simm.s32 $0x400;
	s16 =	simm.s32 $0x180;
	[sflag:s2] =	ssyncadd.s32 $0xFFFFD800  }
.LBB2_6:
0xd1: {  	[tilespmem:s10], [sflag:$0x2] =	stream.indirect.gather [hbm4b:s0+s7], $0x80, s16, s7, $0xb8;
	[tilespmem:$0x1E000] =	vst v63  }
0xd2: {  	s16 =	smov.u32 s15  }
0xd3: {  	p0 =	sne.s32 s15, $0x7800;
	s15 =	sadd.s32 $0x400, s15;
	_ =	swait.ge [sflag:s11], $0x2800  }
0xd4: {  	s16 =	sshra.s32 s16, $0x2;
	[sflag:s11] =	ssyncset.done $0x0  }
0xd5: {  	s17 =	sadd.s32 $0x2000, s16;
	[sflag:s11] =	ssyncadd.s32 $0xFFFFD800  }
0xd6: {  	[spmem:s3] =	stream.indirect.scatter.add.f32 [tilespmem:s8], [sflag:$0x3], $0x80, s17, s7, $0xb8;
	[tilespmem:$0x1E000] =	vst v63  }
0xd7: {  	_ =	swait.ge [sflag:s2], $0x2800  }
0xd8: {  	[sflag:s2] =	ssyncset.done $0x0  }
0xd9: {  	s17 =	sadd.s32 $0x100, s16;
	[sflag:s2] =	ssyncadd.s32 $0xFFFFD800  }
0xda: {  	[tilespmem:s8], [sflag:$0x1] =	stream.indirect.gather [hbm4b:s0+s7], $0x80, s17, s7, $0xb8;
	[tilespmem:$0x1E000] =	vst v63  }
0xdb: {  	_ =	swait.ge [sflag:s12], $0x2800  }
0xdc: {  	[sflag:s12] =	ssyncset.done $0x0  }
.Ltmp2:
0xdd: {  	s17 =	sadd.s32 $0x2080, s16;
	[sflag:s12] =	ssyncadd.s32 $0xFFFFD800;
	(pc) =	sbr.rel @p0 .LBB2_6-.Ltmp2, $4  }
0xde: {  	[spmem:s3] =	stream.indirect.scatter.add.f32 [tilespmem:s10], [sflag:$0x3], $0x80, s17, s7, $0xb8;
	[tilespmem:$0x1E000] =	vst v63  }
0xdf: {  	_ =	swait.ge [sflag:s2], $0x2800  }
0xe0: {  	[sflag:s2] =	ssyncset.done $0x0  }
0xe1: {  	s16 =	sadd.s32 $0x180, s16;
	[sflag:s2] =	ssyncadd.s32 $0xFFFFD800  }
0xe2: {  	[tilespmem:s10], [sflag:$0x2] =	stream.indirect.gather [hbm4b:s0+s7], $0x80, s16, s7, $0xb8;
	[tilespmem:$0x1E000] =	vst v63  }
0xe3: {  	_ =	swait.ge [sflag:s11], $0x2800  }
0xe4: {  	[sflag:s11] =	ssyncset.done $0x0  }
0xe5: {  	[sflag:s11] =	ssyncadd.s32 $0xFFFFD800  }
0xe6: {  	[spmem:s3] =	stream.indirect.scatter.add.f32 [tilespmem:s8], [sflag:$0x3], $0x80, s13, s7, $0xb8;
	[tilespmem:$0x1E000] =	vst v63  }
0xe7: {  	_ =	swait.ge [sflag:s2], $0x2800  }
0xe8: {  	[sflag:s2] =	ssyncset.done $0x0  }
0xe9: {  	[sflag:s2] =	ssyncadd.s32 $0xFFFFD800  }
0xea: {  	_ =	swait.ge [sflag:s12], $0x2800  }
0xeb: {  	[sflag:s12] =	ssyncset.done $0x0  }
0xec: {  	[sflag:s12] =	ssyncadd.s32 $0xFFFFD800  }
0xed: {  	[spmem:s3] =	stream.indirect.scatter.add.f32 [tilespmem:s10], [sflag:$0x3], $0x80, s14, s7, $0xb8;
	[tilespmem:$0x1E000] =	vst v63  }
0xee: {  	s15 =	stileid.u32;
	_ =	swait.ge [sflag:s2], $0x2800  }
0xef: {  	s17 =	sshrl.u32 s5, $0x3;
	s4 =	sadd.s32 $0x1, s4;
	[sflag:s2] =	ssyncset.done $0x0  }
0xf0: {  	s15 =	sshll.u32 s15, $0x6;
	p0 =	sne.s32 s4, s25;
	[sflag:s2] =	ssyncadd.s32 $0xFFFFD800  }
.Ltmp3:
0xf1: {  	s15 =	sor.u32 $0x1C03, s15;
	[bflag:$0x0] =	sbarrier.arrive $0xFFFF;
	(pc) =	sbr.rel @p0 .LBB2_1-.Ltmp3, $4  }
0xf2: {  	[hbm:s24], [sflag:s15] =	dma.local [spmem:s17], $0x2800  }
0xf3: {  	_ =	swait.ge [sflag:s2], $0x2800  }
0xf4: {  	[sflag:s2] =	ssyncset.done $0x0  }
0xf5: {  	[sflag:s2] =	ssyncadd.s32 $0xFFFFD800  }
0xf6: {  	_ =	sfence.sel $0x180000  }
0xf7: {  	[bflag:$0x0] =	sbarrier.arrive $0xFFFF  }
0xf8: {  	_ =	strace $0x9000004A  }
0xf9: {  	s0 =	stileid.u32;
	[bflag:$0x2] =	sbarrier.arrive $0xFFFF  }
0xfa: {  	p0 =	sne.s32 s0, $0x0;
	s0 =	rddreg [dreg:$0x3]  }
0xfb: {  	s0 =	sadd.s32 @!p0 $0x100000, s0  }
0xfc: {  	[sflag:s0] =	ssyncadd.tile.s32 @!p0 $0x1;
	_ =	shalt  }
.Lfunc_end2:
_tile_overlayer_lowered:
.L_overlay_start_2:
0xfd: {  	(tag) =	ssettag $0x2  }
0xfe: {  	s0 =	rddreg [dreg:$0x0];
	s2 =	stileid.u32  }
0xff: {  	s1 =	rddreg [dreg:$0x1];
	p0 =	sne.s32 s2, $0x0  }
0x100: {  	s3 =	rddreg [dreg:$0x2];
	[bflag:$0x3] =	sbarrier.arrive $0xFFFF;
	s2 =	simm.s32 @!p0 $0x1C03  }
0x101: {  	[timem:s3], [sflag:s2] =	dma.local @!p0 [hbm:s0], s1  }
0x102: {  	s0 =	simm.s32 @!p0 $0x3  }
0x103: {  	_ =	swait.ge @!p0 [sflag:s0], s1  }
0x104: {  	s1 =	ssub.s32 @!p0 $0x0, s1;
	[sflag:s0] =	ssyncset.done @!p0 $0x0  }
0x105: {  	[sflag:s0] =	ssyncadd.s32 @!p0 s1  }
0x106: {  	[bflag:$0x3] =	sbarrier.arrive $0xFFFF  }
0x107: {  	_ =	shalt  }

</sc_bundles>
